<compile_context>
chip_gen: v7x
topology: tpu7x:2x2x1
jax: 0.10.2.dev20260603
libtpu: 0.0.44.dev20260713+nightly
codegen_flags: <defaults>
</compile_context>

<pallas_src>
import functools

import jax
import jax.numpy as jnp
from jax import lax
from jax.experimental import pallas as pl
from jax.experimental.pallas import tpu as pltpu
from jax.experimental.pallas import tpu_sc as plsc

N = 10000
NPAD = 10240
M = 2500
MPAD = 2560
K = 32
E = MPAD * K
DIM_IN = 128
DIM = DIM_IN + 4
DP = 256
TW = 128
DIM_OUT = 128
R2 = 0.25
BIGF = 1048576.0

NW = 32
EPW = E // NW
CHUNKS = EPW // 128

_f32 = jnp.float32
_i32 = jnp.int32


def _fps_body(px, py, pz, pack, idx_o, qx_o, qy_o, qz_o, nx_o, ny_o, nz_o):
    fio = (lax.broadcasted_iota(_i32, (80, 128), 0) * 128
           + lax.broadcasted_iota(_i32, (80, 128), 1)).astype(_f32)
    mio = (lax.broadcasted_iota(_i32, (20, 128), 0) * 128
           + lax.broadcasted_iota(_i32, (20, 128), 1))
    pxv = px[...]
    pyv = py[...]
    pzv = pz[...]
    dists0 = jnp.where(fio < float(N), jnp.inf, -jnp.inf).astype(_f32)

    row0 = pack[pl.ds(0, 1), :]
    zacc = jnp.zeros((20, 128), _f32)
    m0 = mio == 0
    accI0 = zacc
    accX0 = jnp.where(m0, row0[0, 0], zacc)
    accY0 = jnp.where(m0, row0[0, 1], zacc)
    accZ0 = jnp.where(m0, row0[0, 2], zacc)
    accNX0 = jnp.where(m0, row0[0, 3], zacc)
    accNY0 = jnp.where(m0, row0[0, 4], zacc)
    accNZ0 = jnp.where(m0, row0[0, 5], zacc)

    def body(i, c):
        (dists, lx, ly, lz, accI, accX, accY, accZ, accNX, accNY, accNZ) = c
        dx = pxv - lx
        dy = pyv - ly
        dz = pzv - lz
        d = dx * dx + dy * dy + dz * dz
        dists = jnp.minimum(dists, d)
        mval = jnp.max(dists)
        cand = jnp.where(dists == mval, fio, BIGF)
        nxtf = jnp.min(cand)
        nxt = nxtf.astype(_i32)
        row = pack[pl.ds(nxt, 1), :]
        mi = mio == i
        accI = jnp.where(mi, nxtf, accI)
        accX = jnp.where(mi, row[0, 0], accX)
        accY = jnp.where(mi, row[0, 1], accY)
        accZ = jnp.where(mi, row[0, 2], accZ)
        accNX = jnp.where(mi, row[0, 3], accNX)
        accNY = jnp.where(mi, row[0, 4], accNY)
        accNZ = jnp.where(mi, row[0, 5], accNZ)
        return (dists, row[0, 0], row[0, 1], row[0, 2],
                accI, accX, accY, accZ, accNX, accNY, accNZ)

    c = (dists0, row0[0, 0], row0[0, 1], row0[0, 2],
         accI0, accX0, accY0, accZ0, accNX0, accNY0, accNZ0)
    c = lax.fori_loop(1, M, body, c)
    (_, _, _, _, accI, accX, accY, accZ, accNX, accNY, accNZ) = c
    idx_o[...] = accI.astype(_i32)
    qx_o[...] = accX
    qy_o[...] = accY
    qz_o[...] = accZ
    nx_o[...] = accNX
    ny_o[...] = accNY
    nz_o[...] = accNZ


def _fps(px, py, pz, pack):
    outs = ([jax.ShapeDtypeStruct((20, 128), _i32)]
            + [jax.ShapeDtypeStruct((20, 128), _f32)] * 6)
    return pl.pallas_call(_fps_body, out_shape=outs)(px, py, pz, pack)


def _radius_body(q8, pT, cols_o, cnt_o):
    q = q8[...]
    p = pT[...]
    ddx = q[:, 0:1] - p[0:1, :]
    ddy = q[:, 1:2] - p[1:2, :]
    ddz = q[:, 2:3] - p[2:3, :]
    d2 = ddx * ddx + ddy * ddy + ddz * ddz
    colf = lax.broadcasted_iota(_i32, (64, NPAD), 1).astype(_f32)
    keyv = jnp.where(d2 <= R2, colf, BIGF)
    lio = lax.broadcasted_iota(_i32, (64, 128), 1)
    acc0 = jnp.full((64, 128), BIGF, _f32)

    def body(t, c):
        keyv, acc = c
        mv = jnp.min(keyv, axis=1, keepdims=True)
        acc = jnp.where(lio == t, mv, acc)
        keyv = jnp.where(keyv == mv, BIGF, keyv)
        return keyv, acc

    _, acc = lax.fori_loop(0, K, body, (keyv, acc0))
    ok = acc < float(N)
    cnt = jnp.sum(ok.astype(_f32), axis=1, keepdims=True)
    cols_o[...] = jnp.where(ok, acc, 0.0).astype(_i32)[:, :K]
    cnt_o[...] = jnp.broadcast_to(cnt, (64, 8))


def _radius(q8, pT):
    grid = MPAD // 64
    return pl.pallas_call(
        _radius_body,
        grid=(grid,),
        in_specs=[
            pl.BlockSpec((64, 8), lambda i: (i, 0)),
            pl.BlockSpec((8, NPAD), lambda i: (0, 0)),
        ],
        out_specs=[
            pl.BlockSpec((64, K), lambda i: (i, 0)),
            pl.BlockSpec((64, 8), lambda i: (i, 0)),
        ],
        out_shape=[
            jax.ShapeDtypeStruct((MPAD, K), _i32),
            jax.ShapeDtypeStruct((MPAD, 8), _f32),
        ],
    )(q8, pT)


def _sc_gather(table, idx3):
    mesh = plsc.VectorSubcoreMesh(core_axis_name="c", subcore_axis_name="s")

    NB = 3

    @functools.partial(
        pl.kernel, mesh=mesh,
        out_type=jax.ShapeDtypeStruct((E, TW), _f32),
        scratch_types=[
            pltpu.VMEM((CHUNKS, 128), _i32),
            pltpu.VMEM((NB, 128, TW), _f32),
            pltpu.SemaphoreType.DMA((NB,)),
            pltpu.SemaphoreType.DMA((NB,)),
        ],
    )
    def kfn(t_hbm, idx_hbm, out_hbm, idx_v, bufs, gsem, wsem):
        wid = lax.axis_index("s") * 2 + lax.axis_index("c")
        pltpu.sync_copy(idx_hbm.at[wid], idx_v)
        base = wid * EPW

        g = {}
        w = {}
        for j in range(NB):
            g[j] = pltpu.async_copy(t_hbm.at[idx_v.at[j]], bufs.at[j],
                                    gsem.at[j])
        for j in range(CHUNKS):
            b = j % NB
            g[j].wait()
            w[j] = pltpu.async_copy(bufs.at[b],
                                    out_hbm.at[pl.ds(base + j * 128, 128)],
                                    wsem.at[b])
            jn = j + NB
            if jn < CHUNKS:
                w[j].wait()
                g[jn] = pltpu.async_copy(t_hbm.at[idx_v.at[jn]], bufs.at[b],
                                         gsem.at[b])
            else:
                w[j].wait()

    return kfn(table, idx3)


def _edge_body(gath, qgeoT, cnt8, w1xe, w1xo, w1p, b1, w2, b2, w3, b3, out_o):
    blk = gath[...]
    u = lax.bitcast_convert_type(blk[:, :64], _i32)
    flo = lax.bitcast_convert_type(u << 16, _f32)
    fhi = lax.bitcast_convert_type(u & jnp.int32(-65536), _f32)
    g = jnp.transpose(blk[:, 64:72])
    q = qgeoT[...]
    dx = g[0:1] - q[0:1]
    dy = g[1:2] - q[1:2]
    dz = g[2:3] - q[2:3]
    nix, niy, niz = q[3:4], q[4:5], q[5:6]
    njx, njy, njz = g[3:4], g[4:5], g[5:6]

    r0 = jnp.sqrt(dx * dx + dy * dy + dz * dz + 1e-12)

    def ang(ax, ay, az, bx, by, bz):
        cx = ay * bz - az * by
        cy = az * bx - ax * bz
        cz = ax * by - ay * bx
        cn = jnp.sqrt(cx * cx + cy * cy + cz * cz + 1e-12)
        dt = ax * bx + ay * by + az * bz
        return jnp.arctan2(cn, dt)

    a1 = ang(nix, niy, niz, dx, dy, dz)
    a2 = ang(njx, njy, njz, dx, dy, dz)
    a3 = ang(nix, niy, niz, njx, njy, njz)
    ppfT = jnp.concatenate([r0, a1, a2, a3, jnp.zeros((4, 1024), _f32)], axis=0)

    h1 = (jnp.dot(flo, w1xe[...], preferred_element_type=_f32)
          + jnp.dot(fhi, w1xo[...], preferred_element_type=_f32))
    h1 = h1 + lax.dot_general(ppfT, w1p[...], (((0,), (0,)), ((), ())),
                              preferred_element_type=_f32)
    h1 = jnp.maximum(h1 + b1[...], 0.0)
    h2 = jnp.maximum(jnp.dot(h1, w2[...], preferred_element_type=_f32)
                     + b2[...], 0.0)

    qi = lax.broadcasted_iota(_i32, (32, 1024), 0)
    ei = lax.broadcasted_iota(_i32, (32, 1024), 1) // K
    ki = lax.broadcasted_iota(_i32, (32, 1024), 1) % K
    cnt = cnt8[...][:, 0:1]
    sel = jnp.where((qi == ei) & (ki.astype(_f32) < cnt), 1.0, 0.0)
    sums = jnp.dot(sel, h2, preferred_element_type=_f32)
    agg = sums / jnp.maximum(cnt, 1.0)
    out = jnp.dot(agg, w3[...], preferred_element_type=_f32) + b3[...]
    out_o[...] = jnp.maximum(out, 0.0)


def _edge_mlp(gath, qgeoT, cnt8, w1xe, w1xo, w1p, b1, w2, b2, w3, b3):
    grid = E // 1024
    return pl.pallas_call(
        _edge_body,
        grid=(grid,),
        in_specs=[
            pl.BlockSpec((1024, TW), lambda i: (i, 0)),
            pl.BlockSpec((8, 1024), lambda i: (0, i)),
            pl.BlockSpec((32, 8), lambda i: (i, 0)),
            pl.BlockSpec((64, DP), lambda i: (0, 0)),
            pl.BlockSpec((64, DP), lambda i: (0, 0)),
            pl.BlockSpec((8, DP), lambda i: (0, 0)),
            pl.BlockSpec((1, DP), lambda i: (0, 0)),
            pl.BlockSpec((DP, DP), lambda i: (0, 0)),
            pl.BlockSpec((1, DP), lambda i: (0, 0)),
            pl.BlockSpec((DP, DIM_OUT), lambda i: (0, 0)),
            pl.BlockSpec((1, DIM_OUT), lambda i: (0, 0)),
        ],
        out_specs=pl.BlockSpec((32, DIM_OUT), lambda i: (i, 0)),
        out_shape=jax.ShapeDtypeStruct((MPAD, DIM_OUT), _f32),
    )(gath, qgeoT, cnt8, w1xe, w1xo, w1p, b1, w2, b2, w3, b3)


def kernel(x, pos, batch, norm, W1, b1, W2, b2, W3, b3):
    padn = NPAD - N
    px = jnp.pad(pos[:, 0], (0, padn)).reshape(80, 128)
    py = jnp.pad(pos[:, 1], (0, padn)).reshape(80, 128)
    pz = jnp.pad(pos[:, 2], (0, padn)).reshape(80, 128)
    pack = jnp.pad(jnp.concatenate([pos, norm], axis=1),
                   ((0, padn), (0, 2)))
    pT = jnp.pad(pos.T, ((0, 5), (0, padn)), constant_values=1e3)
    pT = pT.at[3:, :].set(0.0).at[:3, N:].set(1e3)
    x16 = x.astype(jnp.bfloat16)
    xpk = lax.bitcast_convert_type(x16.reshape(N, 64, 2), _f32)
    table = jnp.pad(jnp.concatenate([xpk, pos, norm], axis=1),
                    ((0, padn), (0, TW - 70)))

    idx2d, qx, qy, qz, qnx, qny, qnz = _fps(px, py, pz, pack)

    q8 = jnp.stack([qx.reshape(-1), qy.reshape(-1), qz.reshape(-1)]
                   + [jnp.zeros((MPAD,), _f32)] * 5, axis=1)
    cols2d, cnt8 = _radius(q8, pT)

    idx3 = cols2d.reshape(NW, CHUNKS, 128)
    gath = _sc_gather(table, idx3)

    qgeo = jnp.stack([qx.reshape(-1), qy.reshape(-1), qz.reshape(-1),
                      qnx.reshape(-1), qny.reshape(-1), qnz.reshape(-1),
                      jnp.zeros((MPAD,), _f32), jnp.zeros((MPAD,), _f32)],
                     axis=0)
    qgeoT = jnp.repeat(qgeo, K, axis=1)

    w1xe = jnp.pad(W1[0:DIM_IN:2, :], ((0, 0), (0, DP - DIM)))
    w1xo = jnp.pad(W1[1:DIM_IN:2, :], ((0, 0), (0, DP - DIM)))
    w1p = jnp.pad(W1[DIM_IN:, :], ((0, 4), (0, DP - DIM)))
    b1p = jnp.pad(b1, (0, DP - DIM)).reshape(1, DP)
    w2p = jnp.pad(W2, ((0, DP - DIM), (0, DP - DIM)))
    b2p = jnp.pad(b2, (0, DP - DIM)).reshape(1, DP)
    w3p = jnp.pad(W3, ((0, DP - DIM), (0, 0)))
    b3p = b3.reshape(1, DIM_OUT)

    outp = _edge_mlp(gath, qgeoT, cnt8, w1xe, w1xo, w1p, b1p, w2p, b2p,
                     w3p, b3p)

    idx = idx2d.reshape(-1)[:M]
    out = outp[:M]
    qpos = jnp.stack([qx.reshape(-1)[:M], qy.reshape(-1)[:M],
                      qz.reshape(-1)[:M]], axis=1)
    qbatch = jnp.zeros((M,), _i32)
    return (out, qpos, qbatch, idx)

# --- scband reference (transcript-rebuilt; emitter-appended) ---
"""Pipeline reference for scband-samodule-16707422781720 (READ-ONLY COPY).

The authoritative reference and input builder live on the scoring server;
editing this copy changes nothing except your own understanding.
"""

import jax, jax.numpy as jnp
import numpy as np

N = 10000
DIM_IN = 128
DIM = DIM_IN + 4
DIM_OUT = 128
RATIO = 0.25
RADIUS = 0.5
K = 32
M = int(np.ceil(RATIO * N))


def setup_inputs(seed: int = 0):
    key = jax.random.key(seed)
    ks = jax.random.split(key, 10)
    x = jax.random.normal(ks[0], (N, DIM_IN), dtype=jnp.float32)
    pos = jax.random.normal(ks[1], (N, 3), dtype=jnp.float32)
    nrm = jax.random.normal(ks[2], (N, 3), dtype=jnp.float32)
    nrm = nrm / jnp.sqrt(jnp.sum(nrm * nrm, axis=-1, keepdims=True) + 1e-12)
    batch = jnp.zeros((N,), dtype=jnp.int32)
    W1 = jax.random.normal(ks[3], (DIM, DIM), dtype=jnp.float32) / np.sqrt(DIM)
    b1 = jnp.zeros((DIM,), dtype=jnp.float32)
    W2 = jax.random.normal(ks[4], (DIM, DIM), dtype=jnp.float32) / np.sqrt(DIM)
    b2 = jnp.zeros((DIM,), dtype=jnp.float32)
    W3 = jax.random.normal(ks[5], (DIM, DIM_OUT), dtype=jnp.float32) / np.sqrt(DIM)
    b3 = jnp.zeros((DIM_OUT,), dtype=jnp.float32)
    return {"x": x, "pos": pos, "batch": batch, "norm": nrm,
            "W1": W1, "b1": b1, "W2": W2, "b2": b2, "W3": W3, "b3": b3}


def fps(pos):
    # deterministic farthest point sampling (random_start=False / eval mode), single batch
    idx0 = jnp.zeros((M,), dtype=jnp.int32)
    dists0 = jnp.full((N,), jnp.inf, dtype=jnp.float32)

    def body(i, carry):
        dists, idx = carry
        last = idx[i - 1]
        d = jnp.sum((pos - pos[last]) ** 2, axis=-1)
        dists = jnp.minimum(dists, d)
        nxt = jnp.argmax(dists).astype(jnp.int32)
        idx = idx.at[i].set(nxt)
        return (dists, idx)

    _, idx = jax.lax.fori_loop(1, M, body, (dists0, idx0))
    return idx


def radius_neighbors(pos, qpos, batch, qbatch):
    # for each query, first K points (by index order) within RADIUS and same batch
    d2 = jnp.sum((qpos[:, None, :] - pos[None, :, :]) ** 2, axis=-1)  # [M, N]
    mask = (d2 <= RADIUS * RADIUS) & (qbatch[:, None] == batch[None, :])
    keyv = jnp.where(mask, jnp.arange(N, dtype=jnp.int32)[None, :], N)
    negv, cols = jax.lax.top_k(-keyv, K)  # smallest K indices among valid
    valid = (-negv) < N
    cols = jnp.where(valid, cols, 0)
    return cols.astype(jnp.int32), valid


def _safe_norm(v):
    return jnp.sqrt(jnp.sum(v * v, axis=-1) + 1e-12)


def _angle(v1, v2):
    cr = jnp.cross(v1, v2)
    return jnp.arctan2(_safe_norm(cr), jnp.sum(v1 * v2, axis=-1))


def reference(x, pos, batch, norm, W1, b1, W2, b2, W3, b3):
    idx = fps(pos)
    cols, valid = radius_neighbors(pos, pos[idx], batch, batch[idx])
    row_q = jnp.repeat(jnp.arange(M, dtype=jnp.int32), K)
    col = cols.reshape(-1)
    vmask = valid.reshape(-1)
    row = idx[row_q]  # targets in original node index space

    pi = pos[row]
    pj = pos[col]
    ni = norm[row]
    nj = norm[col]
    d = pj - pi
    ppf = jnp.stack([_safe_norm(d), _angle(ni, d), _angle(nj, d), _angle(ni, nj)], axis=-1)
    msg = jnp.concatenate([x[col], ppf], axis=-1)  # [E, DIM]

    h = jax.nn.relu(msg @ W1 + b1)
    h = jax.nn.relu(h @ W2 + b2)
    h = h * vmask[:, None].astype(h.dtype)

    sums = jnp.zeros((N, DIM), dtype=h.dtype).at[row].add(h)
    cnt = jnp.zeros((N,), dtype=h.dtype).at[row].add(vmask.astype(h.dtype))
    agg = sums / jnp.maximum(cnt, 1.0)[:, None]

    out = jax.nn.relu(agg @ W3 + b3)
    return (out[idx], pos[idx], batch[idx], idx)

if __name__ == "__main__":
    import jax
    _d = setup_inputs()
    print(jax.jit(kernel)(*tuple(_d.values())))

</pallas_src>

<mosaic_0001>
#map = affine_map<(d0, d1) -> (0, 0)>
#map1 = affine_map<(d0, d1) -> (0, 0, 0)>
module attributes {stable_mosaic.version = 14 : i64} {
  func.func @kfn(%arg0: i32, %arg1: i32, %arg2: memref<10240x128xf32, #tpu.memory_space<hbm>>, %arg3: memref<32x20x128xi32, #tpu.memory_space<hbm>>, %arg4: memref<81920x128xf32, #tpu.memory_space<hbm>>, %arg5: memref<20x128xi32, #tpu.memory_space<vmem>>, %arg6: memref<3x128x128xf32, #tpu.memory_space<vmem>>, %arg7: memref<3x!tpu.dma_semaphore, #tpu.memory_space<semaphore_mem>>, %arg8: memref<3x!tpu.dma_semaphore, #tpu.memory_space<semaphore_mem>>) attributes {dimension_semantics = [#tpu.dimension_semantics<core_parallel>, #tpu.dimension_semantics<subcore_parallel>], iteration_bounds = array<i64: 2, 16>, scalar_prefetch = 0 : i64, scratch_operands = 4 : i64, tpu.core_type = #tpu.core_type<sc_vector_subcore>, window_params = [{transform_indices = #map}, {transform_indices = #map1}, {transform_indices = #map}]} {
    %mul3A = arith.constant 2 : i32
    %mul3A_0 = arith.muli %arg1, %mul3A : i32
    %add3A = arith.addi %mul3A_0, %arg0 : i32
    "tpu.region"() ({
      %run_scoped3A = tpu.sem_alloc : memref<!tpu.dma_semaphore, #tpu.memory_space<semaphore_mem>>
      %dma_start3A_1281 = arith.constant 0 : i32
      %dma_start3A_1282 = arith.constant 0 : i32
      %dma_start3A_1283 = tpu.memref_slice %arg3[%add3A, %dma_start3A_1281, %dma_start3A_1282] : memref<32x20x128xi32, #tpu.memory_space<hbm>> -> memref<1x20x128xi32, #tpu.memory_space<hbm>>
      %dma_start3A_1284 = tpu.memref_squeeze %dma_start3A_1283 : memref<1x20x128xi32, #tpu.memory_space<hbm>> -> memref<20x128xi32, #tpu.memory_space<hbm>>
      %dma_start3A_1285 = arith.constant 0 : i32
      %dma_start3A_1286 = arith.constant 0 : i32
      %dma_start3A_1287 = tpu.memref_slice %arg3[%add3A, %dma_start3A_1285, %dma_start3A_1286] : memref<32x20x128xi32, #tpu.memory_space<hbm>> -> memref<1x20x128xi32, #tpu.memory_space<hbm>>
      %dma_start3A_1288 = tpu.memref_squeeze %dma_start3A_1287 : memref<1x20x128xi32, #tpu.memory_space<hbm>> -> memref<20x128xi32, #tpu.memory_space<hbm>>
      tpu.enqueue_dma source(%dma_start3A_1288 : memref<20x128xi32, #tpu.memory_space<hbm>>) target(%arg5 : memref<20x128xi32, #tpu.memory_space<vmem>>) target_semaphore(%run_scoped3A : memref<!tpu.dma_semaphore, #tpu.memory_space<semaphore_mem>>)
      %dma_wait3A_1289 = arith.constant 0 : i32
      %dma_wait3A_1290 = arith.constant 0 : i32
      %dma_wait3A_1291 = tpu.memref_slice %arg3[%add3A, %dma_wait3A_1289, %dma_wait3A_1290] : memref<32x20x128xi32, #tpu.memory_space<hbm>> -> memref<1x20x128xi32, #tpu.memory_space<hbm>>
      %dma_wait3A_1292 = tpu.memref_squeeze %dma_wait3A_1291 : memref<1x20x128xi32, #tpu.memory_space<hbm>> -> memref<20x128xi32, #tpu.memory_space<hbm>>
      %dma_wait3A_1293 = arith.constant 0 : i32
      %dma_wait3A_1294 = arith.constant 0 : i32
      %dma_wait3A_1295 = tpu.memref_slice %arg3[%add3A, %dma_wait3A_1293, %dma_wait3A_1294] : memref<32x20x128xi32, #tpu.memory_space<hbm>> -> memref<1x20x128xi32, #tpu.memory_space<hbm>>
      %dma_wait3A_1296 = tpu.memref_squeeze %dma_wait3A_1295 : memref<1x20x128xi32, #tpu.memory_space<hbm>> -> memref<20x128xi32, #tpu.memory_space<hbm>>
      tpu.wait_dma2 semaphore(%run_scoped3A : memref<!tpu.dma_semaphore, #tpu.memory_space<semaphore_mem>>) src(%dma_wait3A_1296 : memref<20x128xi32, #tpu.memory_space<hbm>>) dst(%arg5 : memref<20x128xi32, #tpu.memory_space<vmem>>)
      tpu.yield
    }) : () -> ()
    %mul3A_1 = arith.constant 2560 : i32
    %mul3A_2 = arith.muli %add3A, %mul3A_1 : i32
    %dma_start3A = arith.constant 0 : i32
    %dma_start3A_3 = arith.constant 0 : i32
    %dma_start3A_4 = arith.constant 0 : i32
    %dma_start3A_5 = arith.constant 0 : i32
    %dma_start3A_6 = arith.constant 0 : i32
    %dma_start3A_7 = tpu.memref_slice %arg6[%dma_start3A_3, %dma_start3A_5, %dma_start3A_6] : memref<3x128x128xf32, #tpu.memory_space<vmem>> -> memref<1x128x128xf32, #tpu.memory_space<vmem>>
    %dma_start3A_8 = tpu.memref_squeeze %dma_start3A_7 : memref<1x128x128xf32, #tpu.memory_space<vmem>> -> memref<128x128xf32, #tpu.memory_space<vmem>>
    %dma_start3A_9 = arith.constant 0 : i32
    %dma_start3A_10 = tpu.memref_slice %arg5[%dma_start3A, %dma_start3A_9] : memref<20x128xi32, #tpu.memory_space<vmem>> -> memref<1x128xi32, #tpu.memory_space<vmem>>
    %dma_start3A_11 = tpu.memref_squeeze %dma_start3A_10 : memref<1x128xi32, #tpu.memory_space<vmem>> -> memref<128xi32, #tpu.memory_space<vmem>>
    %dma_start3A_12 = arith.constant 0 : i32
    %dma_start3A_13 = arith.constant 0 : i32
    %dma_start3A_14 = tpu.memref_slice %arg2[%dma_start3A_12, %dma_start3A_13] : memref<10240x128xf32, #tpu.memory_space<hbm>> -> memref<10240x128xf32, #tpu.memory_space<hbm>>
    %dma_start3A_15 = tpu.memref_slice %arg7[%dma_start3A_4] : memref<3x!tpu.dma_semaphore, #tpu.memory_space<semaphore_mem>> -> memref<1x!tpu.dma_semaphore, #tpu.memory_space<semaphore_mem>>
    %dma_start3A_16 = tpu.memref_squeeze %dma_start3A_15 : memref<1x!tpu.dma_semaphore, #tpu.memory_space<semaphore_mem>> -> memref<!tpu.dma_semaphore, #tpu.memory_space<semaphore_mem>>
    tpu.enqueue_indirect_dma source(%dma_start3A_14 : memref<10240x128xf32, #tpu.memory_space<hbm>>) target(%dma_start3A_8 : memref<128x128xf32, #tpu.memory_space<vmem>>) offsets(%dma_start3A_11 : memref<128xi32, #tpu.memory_space<vmem>>) semaphore(%dma_start3A_16 : memref<!tpu.dma_semaphore, #tpu.memory_space<semaphore_mem>>)
    %dma_start3A_17 = arith.constant 1 : i32
    %dma_start3A_18 = arith.constant 1 : i32
    %dma_start3A_19 = arith.constant 1 : i32
    %dma_start3A_20 = arith.constant 0 : i32
    %dma_start3A_21 = arith.constant 0 : i32
    %dma_start3A_22 = tpu.memref_slice %arg6[%dma_start3A_18, %dma_start3A_20, %dma_start3A_21] : memref<3x128x128xf32, #tpu.memory_space<vmem>> -> memref<1x128x128xf32, #tpu.memory_space<vmem>>
    %dma_start3A_23 = tpu.memref_squeeze %dma_start3A_22 : memref<1x128x128xf32, #tpu.memory_space<vmem>> -> memref<128x128xf32, #tpu.memory_space<vmem>>
    %dma_start3A_24 = arith.constant 0 : i32
    %dma_start3A_25 = tpu.memref_slice %arg5[%dma_start3A_17, %dma_start3A_24] : memref<20x128xi32, #tpu.memory_space<vmem>> -> memref<1x128xi32, #tpu.memory_space<vmem>>
    %dma_start3A_26 = tpu.memref_squeeze %dma_start3A_25 : memref<1x128xi32, #tpu.memory_space<vmem>> -> memref<128xi32, #tpu.memory_space<vmem>>
    %dma_start3A_27 = arith.constant 0 : i32
    %dma_start3A_28 = arith.constant 0 : i32
    %dma_start3A_29 = tpu.memref_slice %arg2[%dma_start3A_27, %dma_start3A_28] : memref<10240x128xf32, #tpu.memory_space<hbm>> -> memref<10240x128xf32, #tpu.memory_space<hbm>>
    %dma_start3A_30 = tpu.memref_slice %arg7[%dma_start3A_19] : memref<3x!tpu.dma_semaphore, #tpu.memory_space<semaphore_mem>> -> memref<1x!tpu.dma_semaphore, #tpu.memory_space<semaphore_mem>>
    %dma_start3A_31 = tpu.memref_squeeze %dma_start3A_30 : memref<1x!tpu.dma_semaphore, #tpu.memory_space<semaphore_mem>> -> memref<!tpu.dma_semaphore, #tpu.memory_space<semaphore_mem>>
    tpu.enqueue_indirect_dma source(%dma_start3A_29 : memref<10240x128xf32, #tpu.memory_space<hbm>>) target(%dma_start3A_23 : memref<128x128xf32, #tpu.memory_space<vmem>>) offsets(%dma_start3A_26 : memref<128xi32, #tpu.memory_space<vmem>>) semaphore(%dma_start3A_31 : memref<!tpu.dma_semaphore, #tpu.memory_space<semaphore_mem>>)
    %dma_start3A_32 = arith.constant 2 : i32
    %dma_start3A_33 = arith.constant 2 : i32
    %dma_start3A_34 = arith.constant 2 : i32
    %dma_start3A_35 = arith.constant 0 : i32
    %dma_start3A_36 = arith.constant 0 : i32
    %dma_start3A_37 = tpu.memref_slice %arg6[%dma_start3A_33, %dma_start3A_35, %dma_start3A_36] : memref<3x128x128xf32, #tpu.memory_space<vmem>> -> memref<1x128x128xf32, #tpu.memory_space<vmem>>
    %dma_start3A_38 = tpu.memref_squeeze %dma_start3A_37 : memref<1x128x128xf32, #tpu.memory_space<vmem>> -> memref<128x128xf32, #tpu.memory_space<vmem>>
    %dma_start3A_39 = arith.constant 0 : i32
    %dma_start3A_40 = tpu.memref_slice %arg5[%dma_start3A_32, %dma_start3A_39] : memref<20x128xi32, #tpu.memory_space<vmem>> -> memref<1x128xi32, #tpu.memory_space<vmem>>
    %dma_start3A_41 = tpu.memref_squeeze %dma_start3A_40 : memref<1x128xi32, #tpu.memory_space<vmem>> -> memref<128xi32, #tpu.memory_space<vmem>>
    %dma_start3A_42 = arith.constant 0 : i32
    %dma_start3A_43 = arith.constant 0 : i32
    %dma_start3A_44 = tpu.memref_slice %arg2[%dma_start3A_42, %dma_start3A_43] : memref<10240x128xf32, #tpu.memory_space<hbm>> -> memref<10240x128xf32, #tpu.memory_space<hbm>>
    %dma_start3A_45 = tpu.memref_slice %arg7[%dma_start3A_34] : memref<3x!tpu.dma_semaphore, #tpu.memory_space<semaphore_mem>> -> memref<1x!tpu.dma_semaphore, #tpu.memory_space<semaphore_mem>>
    %dma_start3A_46 = tpu.memref_squeeze %dma_start3A_45 : memref<1x!tpu.dma_semaphore, #tpu.memory_space<semaphore_mem>> -> memref<!tpu.dma_semaphore, #tpu.memory_space<semaphore_mem>>
    tpu.enqueue_indirect_dma source(%dma_start3A_44 : memref<10240x128xf32, #tpu.memory_space<hbm>>) target(%dma_start3A_38 : memref<128x128xf32, #tpu.memory_space<vmem>>) offsets(%dma_start3A_41 : memref<128xi32, #tpu.memory_space<vmem>>) semaphore(%dma_start3A_46 : memref<!tpu.dma_semaphore, #tpu.memory_space<semaphore_mem>>)
    %dma_wait3A = arith.constant 0 : i32
    %dma_wait3A_47 = arith.constant 0 : i32
    %dma_wait3A_48 = arith.constant 0 : i32
    %dma_wait3A_49 = arith.constant 0 : i32
    %dma_wait3A_50 = arith.constant 0 : i32
    %dma_wait3A_51 = tpu.memref_slice %arg6[%dma_wait3A_47, %dma_wait3A_49, %dma_wait3A_50] : memref<3x128x128xf32, #tpu.memory_space<vmem>> -> memref<1x128x128xf32, #tpu.memory_space<vmem>>
    %dma_wait3A_52 = tpu.memref_squeeze %dma_wait3A_51 : memref<1x128x128xf32, #tpu.memory_space<vmem>> -> memref<128x128xf32, #tpu.memory_space<vmem>>
    %dma_wait3A_53 = arith.constant 0 : i32
    %dma_wait3A_54 = tpu.memref_slice %arg5[%dma_wait3A, %dma_wait3A_53] : memref<20x128xi32, #tpu.memory_space<vmem>> -> memref<1x128xi32, #tpu.memory_space<vmem>>
    %dma_wait3A_55 = tpu.memref_squeeze %dma_wait3A_54 : memref<1x128xi32, #tpu.memory_space<vmem>> -> memref<128xi32, #tpu.memory_space<vmem>>
    %dma_wait3A_56 = arith.constant 0 : i32
    %dma_wait3A_57 = arith.constant 0 : i32
    %dma_wait3A_58 = tpu.memref_slice %arg2[%dma_wait3A_56, %dma_wait3A_57] : memref<10240x128xf32, #tpu.memory_space<hbm>> -> memref<10240x128xf32, #tpu.memory_space<hbm>>
    %dma_wait3A_59 = tpu.memref_slice %arg7[%dma_wait3A_48] : memref<3x!tpu.dma_semaphore, #tpu.memory_space<semaphore_mem>> -> memref<1x!tpu.dma_semaphore, #tpu.memory_space<semaphore_mem>>
    %dma_wait3A_60 = tpu.memref_squeeze %dma_wait3A_59 : memref<1x!tpu.dma_semaphore, #tpu.memory_space<semaphore_mem>> -> memref<!tpu.dma_semaphore, #tpu.memory_space<semaphore_mem>>
    tpu.wait_indirect_dma semaphore(%dma_wait3A_60 : memref<!tpu.dma_semaphore, #tpu.memory_space<semaphore_mem>>) src(%dma_wait3A_58 : memref<10240x128xf32, #tpu.memory_space<hbm>>) dst(%dma_wait3A_52 : memref<128x128xf32, #tpu.memory_space<vmem>>)
    %add3A_61 = arith.constant 0 : i32
    %add3A_62 = arith.addi %mul3A_2, %add3A_61 : i32
    %dma_start3A_63 = arith.constant 0 : i32
    %dma_start3A_64 = arith.constant 0 : i32
    %dma_start3A_65 = arith.constant 0 : i32
    %dma_start3A_66 = arith.constant 0 : i32
    %dma_start3A_67 = tpu.memref_slice %arg6[%dma_start3A_63, %dma_start3A_65, %dma_start3A_66] : memref<3x128x128xf32, #tpu.memory_space<vmem>> -> memref<1x128x128xf32, #tpu.memory_space<vmem>>
    %dma_start3A_68 = tpu.memref_squeeze %dma_start3A_67 : memref<1x128x128xf32, #tpu.memory_space<vmem>> -> memref<128x128xf32, #tpu.memory_space<vmem>>
    %dma_start3A_69 = arith.constant 0 : i32
    %dma_start3A_70 = tpu.memref_slice %arg4[%add3A_62, %dma_start3A_69] : memref<81920x128xf32, #tpu.memory_space<hbm>> -> memref<128x128xf32, #tpu.memory_space<hbm>>
    %dma_start3A_71 = tpu.memref_slice %arg8[%dma_start3A_64] : memref<3x!tpu.dma_semaphore, #tpu.memory_space<semaphore_mem>> -> memref<1x!tpu.dma_semaphore, #tpu.memory_space<semaphore_mem>>
    %dma_start3A_72 = tpu.memref_squeeze %dma_start3A_71 : memref<1x!tpu.dma_semaphore, #tpu.memory_space<semaphore_mem>> -> memref<!tpu.dma_semaphore, #tpu.memory_space<semaphore_mem>>
    %dma_start3A_73 = arith.constant 0 : i32
    %dma_start3A_74 = tpu.memref_slice %arg4[%add3A_62, %dma_start3A_73] : memref<81920x128xf32, #tpu.memory_space<hbm>> -> memref<128x128xf32, #tpu.memory_space<hbm>>
    %dma_start3A_75 = arith.constant 0 : i32
    %dma_start3A_76 = arith.constant 0 : i32
    %dma_start3A_77 = tpu.memref_slice %arg6[%dma_start3A_63, %dma_start3A_75, %dma_start3A_76] : memref<3x128x128xf32, #tpu.memory_space<vmem>> -> memref<1x128x128xf32, #tpu.memory_space<vmem>>
    %dma_start3A_78 = tpu.memref_squeeze %dma_start3A_77 : memref<1x128x128xf32, #tpu.memory_space<vmem>> -> memref<128x128xf32, #tpu.memory_space<vmem>>
    tpu.enqueue_dma source(%dma_start3A_78 : memref<128x128xf32, #tpu.memory_space<vmem>>) target(%dma_start3A_74 : memref<128x128xf32, #tpu.memory_space<hbm>>) target_semaphore(%dma_start3A_72 : memref<!tpu.dma_semaphore, #tpu.memory_space<semaphore_mem>>)
    %dma_wait3A_79 = arith.constant 0 : i32
    %dma_wait3A_80 = arith.constant 0 : i32
    %dma_wait3A_81 = arith.constant 0 : i32
    %dma_wait3A_82 = arith.constant 0 : i32
    %dma_wait3A_83 = tpu.memref_slice %arg6[%dma_wait3A_79, %dma_wait3A_81, %dma_wait3A_82] : memref<3x128x128xf32, #tpu.memory_space<vmem>> -> memref<1x128x128xf32, #tpu.memory_space<vmem>>
    %dma_wait3A_84 = tpu.memref_squeeze %dma_wait3A_83 : memref<1x128x128xf32, #tpu.memory_space<vmem>> -> memref<128x128xf32, #tpu.memory_space<vmem>>
    %dma_wait3A_85 = arith.constant 0 : i32
    %dma_wait3A_86 = tpu.memref_slice %arg4[%add3A_62, %dma_wait3A_85] : memref<81920x128xf32, #tpu.memory_space<hbm>> -> memref<128x128xf32, #tpu.memory_space<hbm>>
    %dma_wait3A_87 = tpu.memref_slice %arg8[%dma_wait3A_80] : memref<3x!tpu.dma_semaphore, #tpu.memory_space<semaphore_mem>> -> memref<1x!tpu.dma_semaphore, #tpu.memory_space<semaphore_mem>>
    %dma_wait3A_88 = tpu.memref_squeeze %dma_wait3A_87 : memref<1x!tpu.dma_semaphore, #tpu.memory_space<semaphore_mem>> -> memref<!tpu.dma_semaphore, #tpu.memory_space<semaphore_mem>>
    %dma_wait3A_89 = arith.constant 0 : i32
    %dma_wait3A_90 = tpu.memref_slice %arg4[%add3A_62, %dma_wait3A_89] : memref<81920x128xf32, #tpu.memory_space<hbm>> -> memref<128x128xf32, #tpu.memory_space<hbm>>
    %dma_wait3A_91 = arith.constant 0 : i32
    %dma_wait3A_92 = arith.constant 0 : i32
    %dma_wait3A_93 = tpu.memref_slice %arg6[%dma_wait3A_79, %dma_wait3A_91, %dma_wait3A_92] : memref<3x128x128xf32, #tpu.memory_space<vmem>> -> memref<1x128x128xf32, #tpu.memory_space<vmem>>
    %dma_wait3A_94 = tpu.memref_squeeze %dma_wait3A_93 : memref<1x128x128xf32, #tpu.memory_space<vmem>> -> memref<128x128xf32, #tpu.memory_space<vmem>>
    tpu.wait_dma2 semaphore(%dma_wait3A_88 : memref<!tpu.dma_semaphore, #tpu.memory_space<semaphore_mem>>) src(%dma_wait3A_94 : memref<128x128xf32, #tpu.memory_space<vmem>>) dst(%dma_wait3A_90 : memref<128x128xf32, #tpu.memory_space<hbm>>)
    %dma_start3A_95 = arith.constant 3 : i32
    %dma_start3A_96 = arith.constant 0 : i32
    %dma_start3A_97 = arith.constant 0 : i32
    %dma_start3A_98 = arith.constant 0 : i32
    %dma_start3A_99 = arith.constant 0 : i32
    %dma_start3A_100 = tpu.memref_slice %arg6[%dma_start3A_96, %dma_start3A_98, %dma_start3A_99] : memref<3x128x128xf32, #tpu.memory_space<vmem>> -> memref<1x128x128xf32, #tpu.memory_space<vmem>>
    %dma_start3A_101 = tpu.memref_squeeze %dma_start3A_100 : memref<1x128x128xf32, #tpu.memory_space<vmem>> -> memref<128x128xf32, #tpu.memory_space<vmem>>
    %dma_start3A_102 = arith.constant 0 : i32
    %dma_start3A_103 = tpu.memref_slice %arg5[%dma_start3A_95, %dma_start3A_102] : memref<20x128xi32, #tpu.memory_space<vmem>> -> memref<1x128xi32, #tpu.memory_space<vmem>>
    %dma_start3A_104 = tpu.memref_squeeze %dma_start3A_103 : memref<1x128xi32, #tpu.memory_space<vmem>> -> memref<128xi32, #tpu.memory_space<vmem>>
    %dma_start3A_105 = arith.constant 0 : i32
    %dma_start3A_106 = arith.constant 0 : i32
    %dma_start3A_107 = tpu.memref_slice %arg2[%dma_start3A_105, %dma_start3A_106] : memref<10240x128xf32, #tpu.memory_space<hbm>> -> memref<10240x128xf32, #tpu.memory_space<hbm>>
    %dma_start3A_108 = tpu.memref_slice %arg7[%dma_start3A_97] : memref<3x!tpu.dma_semaphore, #tpu.memory_space<semaphore_mem>> -> memref<1x!tpu.dma_semaphore, #tpu.memory_space<semaphore_mem>>
    %dma_start3A_109 = tpu.memref_squeeze %dma_start3A_108 : memref<1x!tpu.dma_semaphore, #tpu.memory_space<semaphore_mem>> -> memref<!tpu.dma_semaphore, #tpu.memory_space<semaphore_mem>>
    tpu.enqueue_indirect_dma source(%dma_start3A_107 : memref<10240x128xf32, #tpu.memory_space<hbm>>) target(%dma_start3A_101 : memref<128x128xf32, #tpu.memory_space<vmem>>) offsets(%dma_start3A_104 : memref<128xi32, #tpu.memory_space<vmem>>) semaphore(%dma_start3A_109 : memref<!tpu.dma_semaphore, #tpu.memory_space<semaphore_mem>>)
    %dma_wait3A_110 = arith.constant 1 : i32
    %dma_wait3A_111 = arith.constant 1 : i32
    %dma_wait3A_112 = arith.constant 1 : i32
    %dma_wait3A_113 = arith.constant 0 : i32
    %dma_wait3A_114 = arith.constant 0 : i32
    %dma_wait3A_115 = tpu.memref_slice %arg6[%dma_wait3A_111, %dma_wait3A_113, %dma_wait3A_114] : memref<3x128x128xf32, #tpu.memory_space<vmem>> -> memref<1x128x128xf32, #tpu.memory_space<vmem>>
    %dma_wait3A_116 = tpu.memref_squeeze %dma_wait3A_115 : memref<1x128x128xf32, #tpu.memory_space<vmem>> -> memref<128x128xf32, #tpu.memory_space<vmem>>
    %dma_wait3A_117 = arith.constant 0 : i32
    %dma_wait3A_118 = tpu.memref_slice %arg5[%dma_wait3A_110, %dma_wait3A_117] : memref<20x128xi32, #tpu.memory_space<vmem>> -> memref<1x128xi32, #tpu.memory_space<vmem>>
    %dma_wait3A_119 = tpu.memref_squeeze %dma_wait3A_118 : memref<1x128xi32, #tpu.memory_space<vmem>> -> memref<128xi32, #tpu.memory_space<vmem>>
    %dma_wait3A_120 = arith.constant 0 : i32
    %dma_wait3A_121 = arith.constant 0 : i32
    %dma_wait3A_122 = tpu.memref_slice %arg2[%dma_wait3A_120, %dma_wait3A_121] : memref<10240x128xf32, #tpu.memory_space<hbm>> -> memref<10240x128xf32, #tpu.memory_space<hbm>>
    %dma_wait3A_123 = tpu.memref_slice %arg7[%dma_wait3A_112] : memref<3x!tpu.dma_semaphore, #tpu.memory_space<semaphore_mem>> -> memref<1x!tpu.dma_semaphore, #tpu.memory_space<semaphore_mem>>
    %dma_wait3A_124 = tpu.memref_squeeze %dma_wait3A_123 : memref<1x!tpu.dma_semaphore, #tpu.memory_space<semaphore_mem>> -> memref<!tpu.dma_semaphore, #tpu.memory_space<semaphore_mem>>
    tpu.wait_indirect_dma semaphore(%dma_wait3A_124 : memref<!tpu.dma_semaphore, #tpu.memory_space<semaphore_mem>>) src(%dma_wait3A_122 : memref<10240x128xf32, #tpu.memory_space<hbm>>) dst(%dma_wait3A_116 : memref<128x128xf32, #tpu.memory_space<vmem>>)
    %add3A_125 = arith.constant 128 : i32
    %add3A_126 = arith.addi %mul3A_2, %add3A_125 : i32
    %dma_start3A_127 = arith.constant 1 : i32
    %dma_start3A_128 = arith.constant 1 : i32
    %dma_start3A_129 = arith.constant 0 : i32
    %dma_start3A_130 = arith.constant 0 : i32
    %dma_start3A_131 = tpu.memref_slice %arg6[%dma_start3A_127, %dma_start3A_129, %dma_start3A_130] : memref<3x128x128xf32, #tpu.memory_space<vmem>> -> memref<1x128x128xf32, #tpu.memory_space<vmem>>
    %dma_start3A_132 = tpu.memref_squeeze %dma_start3A_131 : memref<1x128x128xf32, #tpu.memory_space<vmem>> -> memref<128x128xf32, #tpu.memory_space<vmem>>
    %dma_start3A_133 = arith.constant 0 : i32
    %dma_start3A_134 = tpu.memref_slice %arg4[%add3A_126, %dma_start3A_133] : memref<81920x128xf32, #tpu.memory_space<hbm>> -> memref<128x128xf32, #tpu.memory_space<hbm>>
    %dma_start3A_135 = tpu.memref_slice %arg8[%dma_start3A_128] : memref<3x!tpu.dma_semaphore, #tpu.memory_space<semaphore_mem>> -> memref<1x!tpu.dma_semaphore, #tpu.memory_space<semaphore_mem>>
    %dma_start3A_136 = tpu.memref_squeeze %dma_start3A_135 : memref<1x!tpu.dma_semaphore, #tpu.memory_space<semaphore_mem>> -> memref<!tpu.dma_semaphore, #tpu.memory_space<semaphore_mem>>
    %dma_start3A_137 = arith.constant 0 : i32
    %dma_start3A_138 = tpu.memref_slice %arg4[%add3A_126, %dma_start3A_137] : memref<81920x128xf32, #tpu.memory_space<hbm>> -> memref<128x128xf32, #tpu.memory_space<hbm>>
    %dma_start3A_139 = arith.constant 0 : i32
    %dma_start3A_140 = arith.constant 0 : i32
    %dma_start3A_141 = tpu.memref_slice %arg6[%dma_start3A_127, %dma_start3A_139, %dma_start3A_140] : memref<3x128x128xf32, #tpu.memory_space<vmem>> -> memref<1x128x128xf32, #tpu.memory_space<vmem>>
    %dma_start3A_142 = tpu.memref_squeeze %dma_start3A_141 : memref<1x128x128xf32, #tpu.memory_space<vmem>> -> memref<128x128xf32, #tpu.memory_space<vmem>>
    tpu.enqueue_dma source(%dma_start3A_142 : memref<128x128xf32, #tpu.memory_space<vmem>>) target(%dma_start3A_138 : memref<128x128xf32, #tpu.memory_space<hbm>>) target_semaphore(%dma_start3A_136 : memref<!tpu.dma_semaphore, #tpu.memory_space<semaphore_mem>>)
    %dma_wait3A_143 = arith.constant 1 : i32
    %dma_wait3A_144 = arith.constant 1 : i32
    %dma_wait3A_145 = arith.constant 0 : i32
    %dma_wait3A_146 = arith.constant 0 : i32
    %dma_wait3A_147 = tpu.memref_slice %arg6[%dma_wait3A_143, %dma_wait3A_145, %dma_wait3A_146] : memref<3x128x128xf32, #tpu.memory_space<vmem>> -> memref<1x128x128xf32, #tpu.memory_space<vmem>>
    %dma_wait3A_148 = tpu.memref_squeeze %dma_wait3A_147 : memref<1x128x128xf32, #tpu.memory_space<vmem>> -> memref<128x128xf32, #tpu.memory_space<vmem>>
    %dma_wait3A_149 = arith.constant 0 : i32
    %dma_wait3A_150 = tpu.memref_slice %arg4[%add3A_126, %dma_wait3A_149] : memref<81920x128xf32, #tpu.memory_space<hbm>> -> memref<128x128xf32, #tpu.memory_space<hbm>>
    %dma_wait3A_151 = tpu.memref_slice %arg8[%dma_wait3A_144] : memref<3x!tpu.dma_semaphore, #tpu.memory_space<semaphore_mem>> -> memref<1x!tpu.dma_semaphore, #tpu.memory_space<semaphore_mem>>
    %dma_wait3A_152 = tpu.memref_squeeze %dma_wait3A_151 : memref<1x!tpu.dma_semaphore, #tpu.memory_space<semaphore_mem>> -> memref<!tpu.dma_semaphore, #tpu.memory_space<semaphore_mem>>
    %dma_wait3A_153 = arith.constant 0 : i32
    %dma_wait3A_154 = tpu.memref_slice %arg4[%add3A_126, %dma_wait3A_153] : memref<81920x128xf32, #tpu.memory_space<hbm>> -> memref<128x128xf32, #tpu.memory_space<hbm>>
    %dma_wait3A_155 = arith.constant 0 : i32
    %dma_wait3A_156 = arith.constant 0 : i32
    %dma_wait3A_157 = tpu.memref_slice %arg6[%dma_wait3A_143, %dma_wait3A_155, %dma_wait3A_156] : memref<3x128x128xf32, #tpu.memory_space<vmem>> -> memref<1x128x128xf32, #tpu.memory_space<vmem>>
    %dma_wait3A_158 = tpu.memref_squeeze %dma_wait3A_157 : memref<1x128x128xf32, #tpu.memory_space<vmem>> -> memref<128x128xf32, #tpu.memory_space<vmem>>
    tpu.wait_dma2 semaphore(%dma_wait3A_152 : memref<!tpu.dma_semaphore, #tpu.memory_space<semaphore_mem>>) src(%dma_wait3A_158 : memref<128x128xf32, #tpu.memory_space<vmem>>) dst(%dma_wait3A_154 : memref<128x128xf32, #tpu.memory_space<hbm>>)
    %dma_start3A_159 = arith.constant 4 : i32
    %dma_start3A_160 = arith.constant 1 : i32
    %dma_start3A_161 = arith.constant 1 : i32
    %dma_start3A_162 = arith.constant 0 : i32
    %dma_start3A_163 = arith.constant 0 : i32
    %dma_start3A_164 = tpu.memref_slice %arg6[%dma_start3A_160, %dma_start3A_162, %dma_start3A_163] : memref<3x128x128xf32, #tpu.memory_space<vmem>> -> memref<1x128x128xf32, #tpu.memory_space<vmem>>
    %dma_start3A_165 = tpu.memref_squeeze %dma_start3A_164 : memref<1x128x128xf32, #tpu.memory_space<vmem>> -> memref<128x128xf32, #tpu.memory_space<vmem>>
    %dma_start3A_166 = arith.constant 0 : i32
    %dma_start3A_167 = tpu.memref_slice %arg5[%dma_start3A_159, %dma_start3A_166] : memref<20x128xi32, #tpu.memory_space<vmem>> -> memref<1x128xi32, #tpu.memory_space<vmem>>
    %dma_start3A_168 = tpu.memref_squeeze %dma_start3A_167 : memref<1x128xi32, #tpu.memory_space<vmem>> -> memref<128xi32, #tpu.memory_space<vmem>>
    %dma_start3A_169 = arith.constant 0 : i32
    %dma_start3A_170 = arith.constant 0 : i32
    %dma_start3A_171 = tpu.memref_slice %arg2[%dma_start3A_169, %dma_start3A_170] : memref<10240x128xf32, #tpu.memory_space<hbm>> -> memref<10240x128xf32, #tpu.memory_space<hbm>>
    %dma_start3A_172 = tpu.memref_slice %arg7[%dma_start3A_161] : memref<3x!tpu.dma_semaphore, #tpu.memory_space<semaphore_mem>> -> memref<1x!tpu.dma_semaphore, #tpu.memory_space<semaphore_mem>>
    %dma_start3A_173 = tpu.memref_squeeze %dma_start3A_172 : memref<1x!tpu.dma_semaphore, #tpu.memory_space<semaphore_mem>> -> memref<!tpu.dma_semaphore, #tpu.memory_space<semaphore_mem>>
    tpu.enqueue_indirect_dma source(%dma_start3A_171 : memref<10240x128xf32, #tpu.memory_space<hbm>>) target(%dma_start3A_165 : memref<128x128xf32, #tpu.memory_space<vmem>>) offsets(%dma_start3A_168 : memref<128xi32, #tpu.memory_space<vmem>>) semaphore(%dma_start3A_173 : memref<!tpu.dma_semaphore, #tpu.memory_space<semaphore_mem>>)
    %dma_wait3A_174 = arith.constant 2 : i32
    %dma_wait3A_175 = arith.constant 2 : i32
    %dma_wait3A_176 = arith.constant 2 : i32
    %dma_wait3A_177 = arith.constant 0 : i32
    %dma_wait3A_178 = arith.constant 0 : i32
    %dma_wait3A_179 = tpu.memref_slice %arg6[%dma_wait3A_175, %dma_wait3A_177, %dma_wait3A_178] : memref<3x128x128xf32, #tpu.memory_space<vmem>> -> memref<1x128x128xf32, #tpu.memory_space<vmem>>
    %dma_wait3A_180 = tpu.memref_squeeze %dma_wait3A_179 : memref<1x128x128xf32, #tpu.memory_space<vmem>> -> memref<128x128xf32, #tpu.memory_space<vmem>>
    %dma_wait3A_181 = arith.constant 0 : i32
    %dma_wait3A_182 = tpu.memref_slice %arg5[%dma_wait3A_174, %dma_wait3A_181] : memref<20x128xi32, #tpu.memory_space<vmem>> -> memref<1x128xi32, #tpu.memory_space<vmem>>
    %dma_wait3A_183 = tpu.memref_squeeze %dma_wait3A_182 : memref<1x128xi32, #tpu.memory_space<vmem>> -> memref<128xi32, #tpu.memory_space<vmem>>
    %dma_wait3A_184 = arith.constant 0 : i32
    %dma_wait3A_185 = arith.constant 0 : i32
    %dma_wait3A_186 = tpu.memref_slice %arg2[%dma_wait3A_184, %dma_wait3A_185] : memref<10240x128xf32, #tpu.memory_space<hbm>> -> memref<10240x128xf32, #tpu.memory_space<hbm>>
    %dma_wait3A_187 = tpu.memref_slice %arg7[%dma_wait3A_176] : memref<3x!tpu.dma_semaphore, #tpu.memory_space<semaphore_mem>> -> memref<1x!tpu.dma_semaphore, #tpu.memory_space<semaphore_mem>>
    %dma_wait3A_188 = tpu.memref_squeeze %dma_wait3A_187 : memref<1x!tpu.dma_semaphore, #tpu.memory_space<semaphore_mem>> -> memref<!tpu.dma_semaphore, #tpu.memory_space<semaphore_mem>>
    tpu.wait_indirect_dma semaphore(%dma_wait3A_188 : memref<!tpu.dma_semaphore, #tpu.memory_space<semaphore_mem>>) src(%dma_wait3A_186 : memref<10240x128xf32, #tpu.memory_space<hbm>>) dst(%dma_wait3A_180 : memref<128x128xf32, #tpu.memory_space<vmem>>)
    %add3A_189 = arith.constant 256 : i32
    %add3A_190 = arith.addi %mul3A_2, %add3A_189 : i32
    %dma_start3A_191 = arith.constant 2 : i32
    %dma_start3A_192 = arith.constant 2 : i32
    %dma_start3A_193 = arith.constant 0 : i32
    %dma_start3A_194 = arith.constant 0 : i32
    %dma_start3A_195 = tpu.memref_slice %arg6[%dma_start3A_191, %dma_start3A_193, %dma_start3A_194] : memref<3x128x128xf32, #tpu.memory_space<vmem>> -> memref<1x128x128xf32, #tpu.memory_space<vmem>>
    %dma_start3A_196 = tpu.memref_squeeze %dma_start3A_195 : memref<1x128x128xf32, #tpu.memory_space<vmem>> -> memref<128x128xf32, #tpu.memory_space<vmem>>
    %dma_start3A_197 = arith.constant 0 : i32
    %dma_start3A_198 = tpu.memref_slice %arg4[%add3A_190, %dma_start3A_197] : memref<81920x128xf32, #tpu.memory_space<hbm>> -> memref<128x128xf32, #tpu.memory_space<hbm>>
    %dma_start3A_199 = tpu.memref_slice %arg8[%dma_start3A_192] : memref<3x!tpu.dma_semaphore, #tpu.memory_space<semaphore_mem>> -> memref<1x!tpu.dma_semaphore, #tpu.memory_space<semaphore_mem>>
    %dma_start3A_200 = tpu.memref_squeeze %dma_start3A_199 : memref<1x!tpu.dma_semaphore, #tpu.memory_space<semaphore_mem>> -> memref<!tpu.dma_semaphore, #tpu.memory_space<semaphore_mem>>
    %dma_start3A_201 = arith.constant 0 : i32
    %dma_start3A_202 = tpu.memref_slice %arg4[%add3A_190, %dma_start3A_201] : memref<81920x128xf32, #tpu.memory_space<hbm>> -> memref<128x128xf32, #tpu.memory_space<hbm>>
    %dma_start3A_203 = arith.constant 0 : i32
    %dma_start3A_204 = arith.constant 0 : i32
    %dma_start3A_205 = tpu.memref_slice %arg6[%dma_start3A_191, %dma_start3A_203, %dma_start3A_204] : memref<3x128x128xf32, #tpu.memory_space<vmem>> -> memref<1x128x128xf32, #tpu.memory_space<vmem>>
    %dma_start3A_206 = tpu.memref_squeeze %dma_start3A_205 : memref<1x128x128xf32, #tpu.memory_space<vmem>> -> memref<128x128xf32, #tpu.memory_space<vmem>>
    tpu.enqueue_dma source(%dma_start3A_206 : memref<128x128xf32, #tpu.memory_space<vmem>>) target(%dma_start3A_202 : memref<128x128xf32, #tpu.memory_space<hbm>>) target_semaphore(%dma_start3A_200 : memref<!tpu.dma_semaphore, #tpu.memory_space<semaphore_mem>>)
    %dma_wait3A_207 = arith.constant 2 : i32
    %dma_wait3A_208 = arith.constant 2 : i32
    %dma_wait3A_209 = arith.constant 0 : i32
    %dma_wait3A_210 = arith.constant 0 : i32
    %dma_wait3A_211 = tpu.memref_slice %arg6[%dma_wait3A_207, %dma_wait3A_209, %dma_wait3A_210] : memref<3x128x128xf32, #tpu.memory_space<vmem>> -> memref<1x128x128xf32, #tpu.memory_space<vmem>>
    %dma_wait3A_212 = tpu.memref_squeeze %dma_wait3A_211 : memref<1x128x128xf32, #tpu.memory_space<vmem>> -> memref<128x128xf32, #tpu.memory_space<vmem>>
    %dma_wait3A_213 = arith.constant 0 : i32
    %dma_wait3A_214 = tpu.memref_slice %arg4[%add3A_190, %dma_wait3A_213] : memref<81920x128xf32, #tpu.memory_space<hbm>> -> memref<128x128xf32, #tpu.memory_space<hbm>>
    %dma_wait3A_215 = tpu.memref_slice %arg8[%dma_wait3A_208] : memref<3x!tpu.dma_semaphore, #tpu.memory_space<semaphore_mem>> -> memref<1x!tpu.dma_semaphore, #tpu.memory_space<semaphore_mem>>
    %dma_wait3A_216 = tpu.memref_squeeze %dma_wait3A_215 : memref<1x!tpu.dma_semaphore, #tpu.memory_space<semaphore_mem>> -> memref<!tpu.dma_semaphore, #tpu.memory_space<semaphore_mem>>
    %dma_wait3A_217 = arith.constant 0 : i32
    %dma_wait3A_218 = tpu.memref_slice %arg4[%add3A_190, %dma_wait3A_217] : memref<81920x128xf32, #tpu.memory_space<hbm>> -> memref<128x128xf32, #tpu.memory_space<hbm>>
    %dma_wait3A_219 = arith.constant 0 : i32
    %dma_wait3A_220 = arith.constant 0 : i32
    %dma_wait3A_221 = tpu.memref_slice %arg6[%dma_wait3A_207, %dma_wait3A_219, %dma_wait3A_220] : memref<3x128x128xf32, #tpu.memory_space<vmem>> -> memref<1x128x128xf32, #tpu.memory_space<vmem>>
    %dma_wait3A_222 = tpu.memref_squeeze %dma_wait3A_221 : memref<1x128x128xf32, #tpu.memory_space<vmem>> -> memref<128x128xf32, #tpu.memory_space<vmem>>
    tpu.wait_dma2 semaphore(%dma_wait3A_216 : memref<!tpu.dma_semaphore, #tpu.memory_space<semaphore_mem>>) src(%dma_wait3A_222 : memref<128x128xf32, #tpu.memory_space<vmem>>) dst(%dma_wait3A_218 : memref<128x128xf32, #tpu.memory_space<hbm>>)
    %dma_start3A_223 = arith.constant 5 : i32
    %dma_start3A_224 = arith.constant 2 : i32
    %dma_start3A_225 = arith.constant 2 : i32
    %dma_start3A_226 = arith.constant 0 : i32
    %dma_start3A_227 = arith.constant 0 : i32
    %dma_start3A_228 = tpu.memref_slice %arg6[%dma_start3A_224, %dma_start3A_226, %dma_start3A_227] : memref<3x128x128xf32, #tpu.memory_space<vmem>> -> memref<1x128x128xf32, #tpu.memory_space<vmem>>
    %dma_start3A_229 = tpu.memref_squeeze %dma_start3A_228 : memref<1x128x128xf32, #tpu.memory_space<vmem>> -> memref<128x128xf32, #tpu.memory_space<vmem>>
    %dma_start3A_230 = arith.constant 0 : i32
    %dma_start3A_231 = tpu.memref_slice %arg5[%dma_start3A_223, %dma_start3A_230] : memref<20x128xi32, #tpu.memory_space<vmem>> -> memref<1x128xi32, #tpu.memory_space<vmem>>
    %dma_start3A_232 = tpu.memref_squeeze %dma_start3A_231 : memref<1x128xi32, #tpu.memory_space<vmem>> -> memref<128xi32, #tpu.memory_space<vmem>>
    %dma_start3A_233 = arith.constant 0 : i32
    %dma_start3A_234 = arith.constant 0 : i32
    %dma_start3A_235 = tpu.memref_slice %arg2[%dma_start3A_233, %dma_start3A_234] : memref<10240x128xf32, #tpu.memory_space<hbm>> -> memref<10240x128xf32, #tpu.memory_space<hbm>>
    %dma_start3A_236 = tpu.memref_slice %arg7[%dma_start3A_225] : memref<3x!tpu.dma_semaphore, #tpu.memory_space<semaphore_mem>> -> memref<1x!tpu.dma_semaphore, #tpu.memory_space<semaphore_mem>>
    %dma_start3A_237 = tpu.memref_squeeze %dma_start3A_236 : memref<1x!tpu.dma_semaphore, #tpu.memory_space<semaphore_mem>> -> memref<!tpu.dma_semaphore, #tpu.memory_space<semaphore_mem>>
    tpu.enqueue_indirect_dma source(%dma_start3A_235 : memref<10240x128xf32, #tpu.memory_space<hbm>>) target(%dma_start3A_229 : memref<128x128xf32, #tpu.memory_space<vmem>>) offsets(%dma_start3A_232 : memref<128xi32, #tpu.memory_space<vmem>>) semaphore(%dma_start3A_237 : memref<!tpu.dma_semaphore, #tpu.memory_space<semaphore_mem>>)
    %dma_wait3A_238 = arith.constant 3 : i32
    %dma_wait3A_239 = arith.constant 0 : i32
    %dma_wait3A_240 = arith.constant 0 : i32
    %dma_wait3A_241 = arith.constant 0 : i32
    %dma_wait3A_242 = arith.constant 0 : i32
    %dma_wait3A_243 = tpu.memref_slice %arg6[%dma_wait3A_239, %dma_wait3A_241, %dma_wait3A_242] : memref<3x128x128xf32, #tpu.memory_space<vmem>> -> memref<1x128x128xf32, #tpu.memory_space<vmem>>
    %dma_wait3A_244 = tpu.memref_squeeze %dma_wait3A_243 : memref<1x128x128xf32, #tpu.memory_space<vmem>> -> memref<128x128xf32, #tpu.memory_space<vmem>>
    %dma_wait3A_245 = arith.constant 0 : i32
    %dma_wait3A_246 = tpu.memref_slice %arg5[%dma_wait3A_238, %dma_wait3A_245] : memref<20x128xi32, #tpu.memory_space<vmem>> -> memref<1x128xi32, #tpu.memory_space<vmem>>
    %dma_wait3A_247 = tpu.memref_squeeze %dma_wait3A_246 : memref<1x128xi32, #tpu.memory_space<vmem>> -> memref<128xi32, #tpu.memory_space<vmem>>
    %dma_wait3A_248 = arith.constant 0 : i32
    %dma_wait3A_249 = arith.constant 0 : i32
    %dma_wait3A_250 = tpu.memref_slice %arg2[%dma_wait3A_248, %dma_wait3A_249] : memref<10240x128xf32, #tpu.memory_space<hbm>> -> memref<10240x128xf32, #tpu.memory_space<hbm>>
    %dma_wait3A_251 = tpu.memref_slice %arg7[%dma_wait3A_240] : memref<3x!tpu.dma_semaphore, #tpu.memory_space<semaphore_mem>> -> memref<1x!tpu.dma_semaphore, #tpu.memory_space<semaphore_mem>>
    %dma_wait3A_252 = tpu.memref_squeeze %dma_wait3A_251 : memref<1x!tpu.dma_semaphore, #tpu.memory_space<semaphore_mem>> -> memref<!tpu.dma_semaphore, #tpu.memory_space<semaphore_mem>>
    tpu.wait_indirect_dma semaphore(%dma_wait3A_252 : memref<!tpu.dma_semaphore, #tpu.memory_space<semaphore_mem>>) src(%dma_wait3A_250 : memref<10240x128xf32, #tpu.memory_space<hbm>>) dst(%dma_wait3A_244 : memref<128x128xf32, #tpu.memory_space<vmem>>)
    %add3A_253 = arith.constant 384 : i32
    %add3A_254 = arith.addi %mul3A_2, %add3A_253 : i32
    %dma_start3A_255 = arith.constant 0 : i32
    %dma_start3A_256 = arith.constant 0 : i32
    %dma_start3A_257 = arith.constant 0 : i32
    %dma_start3A_258 = arith.constant 0 : i32
    %dma_start3A_259 = tpu.memref_slice %arg6[%dma_start3A_255, %dma_start3A_257, %dma_start3A_258] : memref<3x128x128xf32, #tpu.memory_space<vmem>> -> memref<1x128x128xf32, #tpu.memory_space<vmem>>
    %dma_start3A_260 = tpu.memref_squeeze %dma_start3A_259 : memref<1x128x128xf32, #tpu.memory_space<vmem>> -> memref<128x128xf32, #tpu.memory_space<vmem>>
    %dma_start3A_261 = arith.constant 0 : i32
    %dma_start3A_262 = tpu.memref_slice %arg4[%add3A_254, %dma_start3A_261] : memref<81920x128xf32, #tpu.memory_space<hbm>> -> memref<128x128xf32, #tpu.memory_space<hbm>>
    %dma_start3A_263 = tpu.memref_slice %arg8[%dma_start3A_256] : memref<3x!tpu.dma_semaphore, #tpu.memory_space<semaphore_mem>> -> memref<1x!tpu.dma_semaphore, #tpu.memory_space<semaphore_mem>>
    %dma_start3A_264 = tpu.memref_squeeze %dma_start3A_263 : memref<1x!tpu.dma_semaphore, #tpu.memory_space<semaphore_mem>> -> memref<!tpu.dma_semaphore, #tpu.memory_space<semaphore_mem>>
    %dma_start3A_265 = arith.constant 0 : i32
    %dma_start3A_266 = tpu.memref_slice %arg4[%add3A_254, %dma_start3A_265] : memref<81920x128xf32, #tpu.memory_space<hbm>> -> memref<128x128xf32, #tpu.memory_space<hbm>>
    %dma_start3A_267 = arith.constant 0 : i32
    %dma_start3A_268 = arith.constant 0 : i32
    %dma_start3A_269 = tpu.memref_slice %arg6[%dma_start3A_255, %dma_start3A_267, %dma_start3A_268] : memref<3x128x128xf32, #tpu.memory_space<vmem>> -> memref<1x128x128xf32, #tpu.memory_space<vmem>>
    %dma_start3A_270 = tpu.memref_squeeze %dma_start3A_269 : memref<1x128x128xf32, #tpu.memory_space<vmem>> -> memref<128x128xf32, #tpu.memory_space<vmem>>
    tpu.enqueue_dma source(%dma_start3A_270 : memref<128x128xf32, #tpu.memory_space<vmem>>) target(%dma_start3A_266 : memref<128x128xf32, #tpu.memory_space<hbm>>) target_semaphore(%dma_start3A_264 : memref<!tpu.dma_semaphore, #tpu.memory_space<semaphore_mem>>)
    %dma_wait3A_271 = arith.constant 0 : i32
    %dma_wait3A_272 = arith.constant 0 : i32
    %dma_wait3A_273 = arith.constant 0 : i32
    %dma_wait3A_274 = arith.constant 0 : i32
    %dma_wait3A_275 = tpu.memref_slice %arg6[%dma_wait3A_271, %dma_wait3A_273, %dma_wait3A_274] : memref<3x128x128xf32, #tpu.memory_space<vmem>> -> memref<1x128x128xf32, #tpu.memory_space<vmem>>
    %dma_wait3A_276 = tpu.memref_squeeze %dma_wait3A_275 : memref<1x128x128xf32, #tpu.memory_space<vmem>> -> memref<128x128xf32, #tpu.memory_space<vmem>>
    %dma_wait3A_277 = arith.constant 0 : i32
    %dma_wait3A_278 = tpu.memref_slice %arg4[%add3A_254, %dma_wait3A_277] : memref<81920x128xf32, #tpu.memory_space<hbm>> -> memref<128x128xf32, #tpu.memory_space<hbm>>
    %dma_wait3A_279 = tpu.memref_slice %arg8[%dma_wait3A_272] : memref<3x!tpu.dma_semaphore, #tpu.memory_space<semaphore_mem>> -> memref<1x!tpu.dma_semaphore, #tpu.memory_space<semaphore_mem>>
    %dma_wait3A_280 = tpu.memref_squeeze %dma_wait3A_279 : memref<1x!tpu.dma_semaphore, #tpu.memory_space<semaphore_mem>> -> memref<!tpu.dma_semaphore, #tpu.memory_space<semaphore_mem>>
    %dma_wait3A_281 = arith.constant 0 : i32
    %dma_wait3A_282 = tpu.memref_slice %arg4[%add3A_254, %dma_wait3A_281] : memref<81920x128xf32, #tpu.memory_space<hbm>> -> memref<128x128xf32, #tpu.memory_space<hbm>>
    %dma_wait3A_283 = arith.constant 0 : i32
    %dma_wait3A_284 = arith.constant 0 : i32
    %dma_wait3A_285 = tpu.memref_slice %arg6[%dma_wait3A_271, %dma_wait3A_283, %dma_wait3A_284] : memref<3x128x128xf32, #tpu.memory_space<vmem>> -> memref<1x128x128xf32, #tpu.memory_space<vmem>>
    %dma_wait3A_286 = tpu.memref_squeeze %dma_wait3A_285 : memref<1x128x128xf32, #tpu.memory_space<vmem>> -> memref<128x128xf32, #tpu.memory_space<vmem>>
    tpu.wait_dma2 semaphore(%dma_wait3A_280 : memref<!tpu.dma_semaphore, #tpu.memory_space<semaphore_mem>>) src(%dma_wait3A_286 : memref<128x128xf32, #tpu.memory_space<vmem>>) dst(%dma_wait3A_282 : memref<128x128xf32, #tpu.memory_space<hbm>>)
    %dma_start3A_287 = arith.constant 6 : i32
    %dma_start3A_288 = arith.constant 0 : i32
    %dma_start3A_289 = arith.constant 0 : i32
    %dma_start3A_290 = arith.constant 0 : i32
    %dma_start3A_291 = arith.constant 0 : i32
    %dma_start3A_292 = tpu.memref_slice %arg6[%dma_start3A_288, %dma_start3A_290, %dma_start3A_291] : memref<3x128x128xf32, #tpu.memory_space<vmem>> -> memref<1x128x128xf32, #tpu.memory_space<vmem>>
    %dma_start3A_293 = tpu.memref_squeeze %dma_start3A_292 : memref<1x128x128xf32, #tpu.memory_space<vmem>> -> memref<128x128xf32, #tpu.memory_space<vmem>>
    %dma_start3A_294 = arith.constant 0 : i32
    %dma_start3A_295 = tpu.memref_slice %arg5[%dma_start3A_287, %dma_start3A_294] : memref<20x128xi32, #tpu.memory_space<vmem>> -> memref<1x128xi32, #tpu.memory_space<vmem>>
    %dma_start3A_296 = tpu.memref_squeeze %dma_start3A_295 : memref<1x128xi32, #tpu.memory_space<vmem>> -> memref<128xi32, #tpu.memory_space<vmem>>
    %dma_start3A_297 = arith.constant 0 : i32
    %dma_start3A_298 = arith.constant 0 : i32
    %dma_start3A_299 = tpu.memref_slice %arg2[%dma_start3A_297, %dma_start3A_298] : memref<10240x128xf32, #tpu.memory_space<hbm>> -> memref<10240x128xf32, #tpu.memory_space<hbm>>
    %dma_start3A_300 = tpu.memref_slice %arg7[%dma_start3A_289] : memref<3x!tpu.dma_semaphore, #tpu.memory_space<semaphore_mem>> -> memref<1x!tpu.dma_semaphore, #tpu.memory_space<semaphore_mem>>
    %dma_start3A_301 = tpu.memref_squeeze %dma_start3A_300 : memref<1x!tpu.dma_semaphore, #tpu.memory_space<semaphore_mem>> -> memref<!tpu.dma_semaphore, #tpu.memory_space<semaphore_mem>>
    tpu.enqueue_indirect_dma source(%dma_start3A_299 : memref<10240x128xf32, #tpu.memory_space<hbm>>) target(%dma_start3A_293 : memref<128x128xf32, #tpu.memory_space<vmem>>) offsets(%dma_start3A_296 : memref<128xi32, #tpu.memory_space<vmem>>) semaphore(%dma_start3A_301 : memref<!tpu.dma_semaphore, #tpu.memory_space<semaphore_mem>>)
    %dma_wait3A_302 = arith.constant 4 : i32
    %dma_wait3A_303 = arith.constant 1 : i32
    %dma_wait3A_304 = arith.constant 1 : i32
    %dma_wait3A_305 = arith.constant 0 : i32
    %dma_wait3A_306 = arith.constant 0 : i32
    %dma_wait3A_307 = tpu.memref_slice %arg6[%dma_wait3A_303, %dma_wait3A_305, %dma_wait3A_306] : memref<3x128x128xf32, #tpu.memory_space<vmem>> -> memref<1x128x128xf32, #tpu.memory_space<vmem>>
    %dma_wait3A_308 = tpu.memref_squeeze %dma_wait3A_307 : memref<1x128x128xf32, #tpu.memory_space<vmem>> -> memref<128x128xf32, #tpu.memory_space<vmem>>
    %dma_wait3A_309 = arith.constant 0 : i32
    %dma_wait3A_310 = tpu.memref_slice %arg5[%dma_wait3A_302, %dma_wait3A_309] : memref<20x128xi32, #tpu.memory_space<vmem>> -> memref<1x128xi32, #tpu.memory_space<vmem>>
    %dma_wait3A_311 = tpu.memref_squeeze %dma_wait3A_310 : memref<1x128xi32, #tpu.memory_space<vmem>> -> memref<128xi32, #tpu.memory_space<vmem>>
    %dma_wait3A_312 = arith.constant 0 : i32
    %dma_wait3A_313 = arith.constant 0 : i32
    %dma_wait3A_314 = tpu.memref_slice %arg2[%dma_wait3A_312, %dma_wait3A_313] : memref<10240x128xf32, #tpu.memory_space<hbm>> -> memref<10240x128xf32, #tpu.memory_space<hbm>>
    %dma_wait3A_315 = tpu.memref_slice %arg7[%dma_wait3A_304] : memref<3x!tpu.dma_semaphore, #tpu.memory_space<semaphore_mem>> -> memref<1x!tpu.dma_semaphore, #tpu.memory_space<semaphore_mem>>
    %dma_wait3A_316 = tpu.memref_squeeze %dma_wait3A_315 : memref<1x!tpu.dma_semaphore, #tpu.memory_space<semaphore_mem>> -> memref<!tpu.dma_semaphore, #tpu.memory_space<semaphore_mem>>
    tpu.wait_indirect_dma semaphore(%dma_wait3A_316 : memref<!tpu.dma_semaphore, #tpu.memory_space<semaphore_mem>>) src(%dma_wait3A_314 : memref<10240x128xf32, #tpu.memory_space<hbm>>) dst(%dma_wait3A_308 : memref<128x128xf32, #tpu.memory_space<vmem>>)
    %add3A_317 = arith.constant 512 : i32
    %add3A_318 = arith.addi %mul3A_2, %add3A_317 : i32
    %dma_start3A_319 = arith.constant 1 : i32
    %dma_start3A_320 = arith.constant 1 : i32
    %dma_start3A_321 = arith.constant 0 : i32
    %dma_start3A_322 = arith.constant 0 : i32
    %dma_start3A_323 = tpu.memref_slice %arg6[%dma_start3A_319, %dma_start3A_321, %dma_start3A_322] : memref<3x128x128xf32, #tpu.memory_space<vmem>> -> memref<1x128x128xf32, #tpu.memory_space<vmem>>
    %dma_start3A_324 = tpu.memref_squeeze %dma_start3A_323 : memref<1x128x128xf32, #tpu.memory_space<vmem>> -> memref<128x128xf32, #tpu.memory_space<vmem>>
    %dma_start3A_325 = arith.constant 0 : i32
    %dma_start3A_326 = tpu.memref_slice %arg4[%add3A_318, %dma_start3A_325] : memref<81920x128xf32, #tpu.memory_space<hbm>> -> memref<128x128xf32, #tpu.memory_space<hbm>>
    %dma_start3A_327 = tpu.memref_slice %arg8[%dma_start3A_320] : memref<3x!tpu.dma_semaphore, #tpu.memory_space<semaphore_mem>> -> memref<1x!tpu.dma_semaphore, #tpu.memory_space<semaphore_mem>>
    %dma_start3A_328 = tpu.memref_squeeze %dma_start3A_327 : memref<1x!tpu.dma_semaphore, #tpu.memory_space<semaphore_mem>> -> memref<!tpu.dma_semaphore, #tpu.memory_space<semaphore_mem>>
    %dma_start3A_329 = arith.constant 0 : i32
    %dma_start3A_330 = tpu.memref_slice %arg4[%add3A_318, %dma_start3A_329] : memref<81920x128xf32, #tpu.memory_space<hbm>> -> memref<128x128xf32, #tpu.memory_space<hbm>>
    %dma_start3A_331 = arith.constant 0 : i32
    %dma_start3A_332 = arith.constant 0 : i32
    %dma_start3A_333 = tpu.memref_slice %arg6[%dma_start3A_319, %dma_start3A_331, %dma_start3A_332] : memref<3x128x128xf32, #tpu.memory_space<vmem>> -> memref<1x128x128xf32, #tpu.memory_space<vmem>>
    %dma_start3A_334 = tpu.memref_squeeze %dma_start3A_333 : memref<1x128x128xf32, #tpu.memory_space<vmem>> -> memref<128x128xf32, #tpu.memory_space<vmem>>
    tpu.enqueue_dma source(%dma_start3A_334 : memref<128x128xf32, #tpu.memory_space<vmem>>) target(%dma_start3A_330 : memref<128x128xf32, #tpu.memory_space<hbm>>) target_semaphore(%dma_start3A_328 : memref<!tpu.dma_semaphore, #tpu.memory_space<semaphore_mem>>)
    %dma_wait3A_335 = arith.constant 1 : i32
    %dma_wait3A_336 = arith.constant 1 : i32
    %dma_wait3A_337 = arith.constant 0 : i32
    %dma_wait3A_338 = arith.constant 0 : i32
    %dma_wait3A_339 = tpu.memref_slice %arg6[%dma_wait3A_335, %dma_wait3A_337, %dma_wait3A_338] : memref<3x128x128xf32, #tpu.memory_space<vmem>> -> memref<1x128x128xf32, #tpu.memory_space<vmem>>
    %dma_wait3A_340 = tpu.memref_squeeze %dma_wait3A_339 : memref<1x128x128xf32, #tpu.memory_space<vmem>> -> memref<128x128xf32, #tpu.memory_space<vmem>>
    %dma_wait3A_341 = arith.constant 0 : i32
    %dma_wait3A_342 = tpu.memref_slice %arg4[%add3A_318, %dma_wait3A_341] : memref<81920x128xf32, #tpu.memory_space<hbm>> -> memref<128x128xf32, #tpu.memory_space<hbm>>
    %dma_wait3A_343 = tpu.memref_slice %arg8[%dma_wait3A_336] : memref<3x!tpu.dma_semaphore, #tpu.memory_space<semaphore_mem>> -> memref<1x!tpu.dma_semaphore, #tpu.memory_space<semaphore_mem>>
    %dma_wait3A_344 = tpu.memref_squeeze %dma_wait3A_343 : memref<1x!tpu.dma_semaphore, #tpu.memory_space<semaphore_mem>> -> memref<!tpu.dma_semaphore, #tpu.memory_space<semaphore_mem>>
    %dma_wait3A_345 = arith.constant 0 : i32
    %dma_wait3A_346 = tpu.memref_slice %arg4[%add3A_318, %dma_wait3A_345] : memref<81920x128xf32, #tpu.memory_space<hbm>> -> memref<128x128xf32, #tpu.memory_space<hbm>>
    %dma_wait3A_347 = arith.constant 0 : i32
    %dma_wait3A_348 = arith.constant 0 : i32
    %dma_wait3A_349 = tpu.memref_slice %arg6[%dma_wait3A_335, %dma_wait3A_347, %dma_wait3A_348] : memref<3x128x128xf32, #tpu.memory_space<vmem>> -> memref<1x128x128xf32, #tpu.memory_space<vmem>>
    %dma_wait3A_350 = tpu.memref_squeeze %dma_wait3A_349 : memref<1x128x128xf32, #tpu.memory_space<vmem>> -> memref<128x128xf32, #tpu.memory_space<vmem>>
    tpu.wait_dma2 semaphore(%dma_wait3A_344 : memref<!tpu.dma_semaphore, #tpu.memory_space<semaphore_mem>>) src(%dma_wait3A_350 : memref<128x128xf32, #tpu.memory_space<vmem>>) dst(%dma_wait3A_346 : memref<128x128xf32, #tpu.memory_space<hbm>>)
    %dma_start3A_351 = arith.constant 7 : i32
    %dma_start3A_352 = arith.constant 1 : i32
    %dma_start3A_353 = arith.constant 1 : i32
    %dma_start3A_354 = arith.constant 0 : i32
    %dma_start3A_355 = arith.constant 0 : i32
    %dma_start3A_356 = tpu.memref_slice %arg6[%dma_start3A_352, %dma_start3A_354, %dma_start3A_355] : memref<3x128x128xf32, #tpu.memory_space<vmem>> -> memref<1x128x128xf32, #tpu.memory_space<vmem>>
    %dma_start3A_357 = tpu.memref_squeeze %dma_start3A_356 : memref<1x128x128xf32, #tpu.memory_space<vmem>> -> memref<128x128xf32, #tpu.memory_space<vmem>>
    %dma_start3A_358 = arith.constant 0 : i32
    %dma_start3A_359 = tpu.memref_slice %arg5[%dma_start3A_351, %dma_start3A_358] : memref<20x128xi32, #tpu.memory_space<vmem>> -> memref<1x128xi32, #tpu.memory_space<vmem>>
    %dma_start3A_360 = tpu.memref_squeeze %dma_start3A_359 : memref<1x128xi32, #tpu.memory_space<vmem>> -> memref<128xi32, #tpu.memory_space<vmem>>
    %dma_start3A_361 = arith.constant 0 : i32
    %dma_start3A_362 = arith.constant 0 : i32
    %dma_start3A_363 = tpu.memref_slice %arg2[%dma_start3A_361, %dma_start3A_362] : memref<10240x128xf32, #tpu.memory_space<hbm>> -> memref<10240x128xf32, #tpu.memory_space<hbm>>
    %dma_start3A_364 = tpu.memref_slice %arg7[%dma_start3A_353] : memref<3x!tpu.dma_semaphore, #tpu.memory_space<semaphore_mem>> -> memref<1x!tpu.dma_semaphore, #tpu.memory_space<semaphore_mem>>
    %dma_start3A_365 = tpu.memref_squeeze %dma_start3A_364 : memref<1x!tpu.dma_semaphore, #tpu.memory_space<semaphore_mem>> -> memref<!tpu.dma_semaphore, #tpu.memory_space<semaphore_mem>>
    tpu.enqueue_indirect_dma source(%dma_start3A_363 : memref<10240x128xf32, #tpu.memory_space<hbm>>) target(%dma_start3A_357 : memref<128x128xf32, #tpu.memory_space<vmem>>) offsets(%dma_start3A_360 : memref<128xi32, #tpu.memory_space<vmem>>) semaphore(%dma_start3A_365 : memref<!tpu.dma_semaphore, #tpu.memory_space<semaphore_mem>>)
    %dma_wait3A_366 = arith.constant 5 : i32
    %dma_wait3A_367 = arith.constant 2 : i32
    %dma_wait3A_368 = arith.constant 2 : i32
    %dma_wait3A_369 = arith.constant 0 : i32
    %dma_wait3A_370 = arith.constant 0 : i32
    %dma_wait3A_371 = tpu.memref_slice %arg6[%dma_wait3A_367, %dma_wait3A_369, %dma_wait3A_370] : memref<3x128x128xf32, #tpu.memory_space<vmem>> -> memref<1x128x128xf32, #tpu.memory_space<vmem>>
    %dma_wait3A_372 = tpu.memref_squeeze %dma_wait3A_371 : memref<1x128x128xf32, #tpu.memory_space<vmem>> -> memref<128x128xf32, #tpu.memory_space<vmem>>
    %dma_wait3A_373 = arith.constant 0 : i32
    %dma_wait3A_374 = tpu.memref_slice %arg5[%dma_wait3A_366, %dma_wait3A_373] : memref<20x128xi32, #tpu.memory_space<vmem>> -> memref<1x128xi32, #tpu.memory_space<vmem>>
    %dma_wait3A_375 = tpu.memref_squeeze %dma_wait3A_374 : memref<1x128xi32, #tpu.memory_space<vmem>> -> memref<128xi32, #tpu.memory_space<vmem>>
    %dma_wait3A_376 = arith.constant 0 : i32
    %dma_wait3A_377 = arith.constant 0 : i32
    %dma_wait3A_378 = tpu.memref_slice %arg2[%dma_wait3A_376, %dma_wait3A_377] : memref<10240x128xf32, #tpu.memory_space<hbm>> -> memref<10240x128xf32, #tpu.memory_space<hbm>>
    %dma_wait3A_379 = tpu.memref_slice %arg7[%dma_wait3A_368] : memref<3x!tpu.dma_semaphore, #tpu.memory_space<semaphore_mem>> -> memref<1x!tpu.dma_semaphore, #tpu.memory_space<semaphore_mem>>
    %dma_wait3A_380 = tpu.memref_squeeze %dma_wait3A_379 : memref<1x!tpu.dma_semaphore, #tpu.memory_space<semaphore_mem>> -> memref<!tpu.dma_semaphore, #tpu.memory_space<semaphore_mem>>
    tpu.wait_indirect_dma semaphore(%dma_wait3A_380 : memref<!tpu.dma_semaphore, #tpu.memory_space<semaphore_mem>>) src(%dma_wait3A_378 : memref<10240x128xf32, #tpu.memory_space<hbm>>) dst(%dma_wait3A_372 : memref<128x128xf32, #tpu.memory_space<vmem>>)
    %add3A_381 = arith.constant 640 : i32
    %add3A_382 = arith.addi %mul3A_2, %add3A_381 : i32
    %dma_start3A_383 = arith.constant 2 : i32
    %dma_start3A_384 = arith.constant 2 : i32
    %dma_start3A_385 = arith.constant 0 : i32
    %dma_start3A_386 = arith.constant 0 : i32
    %dma_start3A_387 = tpu.memref_slice %arg6[%dma_start3A_383, %dma_start3A_385, %dma_start3A_386] : memref<3x128x128xf32, #tpu.memory_space<vmem>> -> memref<1x128x128xf32, #tpu.memory_space<vmem>>
    %dma_start3A_388 = tpu.memref_squeeze %dma_start3A_387 : memref<1x128x128xf32, #tpu.memory_space<vmem>> -> memref<128x128xf32, #tpu.memory_space<vmem>>
    %dma_start3A_389 = arith.constant 0 : i32
    %dma_start3A_390 = tpu.memref_slice %arg4[%add3A_382, %dma_start3A_389] : memref<81920x128xf32, #tpu.memory_space<hbm>> -> memref<128x128xf32, #tpu.memory_space<hbm>>
    %dma_start3A_391 = tpu.memref_slice %arg8[%dma_start3A_384] : memref<3x!tpu.dma_semaphore, #tpu.memory_space<semaphore_mem>> -> memref<1x!tpu.dma_semaphore, #tpu.memory_space<semaphore_mem>>
    %dma_start3A_392 = tpu.memref_squeeze %dma_start3A_391 : memref<1x!tpu.dma_semaphore, #tpu.memory_space<semaphore_mem>> -> memref<!tpu.dma_semaphore, #tpu.memory_space<semaphore_mem>>
    %dma_start3A_393 = arith.constant 0 : i32
    %dma_start3A_394 = tpu.memref_slice %arg4[%add3A_382, %dma_start3A_393] : memref<81920x128xf32, #tpu.memory_space<hbm>> -> memref<128x128xf32, #tpu.memory_space<hbm>>
    %dma_start3A_395 = arith.constant 0 : i32
    %dma_start3A_396 = arith.constant 0 : i32
    %dma_start3A_397 = tpu.memref_slice %arg6[%dma_start3A_383, %dma_start3A_395, %dma_start3A_396] : memref<3x128x128xf32, #tpu.memory_space<vmem>> -> memref<1x128x128xf32, #tpu.memory_space<vmem>>
    %dma_start3A_398 = tpu.memref_squeeze %dma_start3A_397 : memref<1x128x128xf32, #tpu.memory_space<vmem>> -> memref<128x128xf32, #tpu.memory_space<vmem>>
    tpu.enqueue_dma source(%dma_start3A_398 : memref<128x128xf32, #tpu.memory_space<vmem>>) target(%dma_start3A_394 : memref<128x128xf32, #tpu.memory_space<hbm>>) target_semaphore(%dma_start3A_392 : memref<!tpu.dma_semaphore, #tpu.memory_space<semaphore_mem>>)
    %dma_wait3A_399 = arith.constant 2 : i32
    %dma_wait3A_400 = arith.constant 2 : i32
    %dma_wait3A_401 = arith.constant 0 : i32
    %dma_wait3A_402 = arith.constant 0 : i32
    %dma_wait3A_403 = tpu.memref_slice %arg6[%dma_wait3A_399, %dma_wait3A_401, %dma_wait3A_402] : memref<3x128x128xf32, #tpu.memory_space<vmem>> -> memref<1x128x128xf32, #tpu.memory_space<vmem>>
    %dma_wait3A_404 = tpu.memref_squeeze %dma_wait3A_403 : memref<1x128x128xf32, #tpu.memory_space<vmem>> -> memref<128x128xf32, #tpu.memory_space<vmem>>
    %dma_wait3A_405 = arith.constant 0 : i32
    %dma_wait3A_406 = tpu.memref_slice %arg4[%add3A_382, %dma_wait3A_405] : memref<81920x128xf32, #tpu.memory_space<hbm>> -> memref<128x128xf32, #tpu.memory_space<hbm>>
    %dma_wait3A_407 = tpu.memref_slice %arg8[%dma_wait3A_400] : memref<3x!tpu.dma_semaphore, #tpu.memory_space<semaphore_mem>> -> memref<1x!tpu.dma_semaphore, #tpu.memory_space<semaphore_mem>>
    %dma_wait3A_408 = tpu.memref_squeeze %dma_wait3A_407 : memref<1x!tpu.dma_semaphore, #tpu.memory_space<semaphore_mem>> -> memref<!tpu.dma_semaphore, #tpu.memory_space<semaphore_mem>>
    %dma_wait3A_409 = arith.constant 0 : i32
    %dma_wait3A_410 = tpu.memref_slice %arg4[%add3A_382, %dma_wait3A_409] : memref<81920x128xf32, #tpu.memory_space<hbm>> -> memref<128x128xf32, #tpu.memory_space<hbm>>
    %dma_wait3A_411 = arith.constant 0 : i32
    %dma_wait3A_412 = arith.constant 0 : i32
    %dma_wait3A_413 = tpu.memref_slice %arg6[%dma_wait3A_399, %dma_wait3A_411, %dma_wait3A_412] : memref<3x128x128xf32, #tpu.memory_space<vmem>> -> memref<1x128x128xf32, #tpu.memory_space<vmem>>
    %dma_wait3A_414 = tpu.memref_squeeze %dma_wait3A_413 : memref<1x128x128xf32, #tpu.memory_space<vmem>> -> memref<128x128xf32, #tpu.memory_space<vmem>>
    tpu.wait_dma2 semaphore(%dma_wait3A_408 : memref<!tpu.dma_semaphore, #tpu.memory_space<semaphore_mem>>) src(%dma_wait3A_414 : memref<128x128xf32, #tpu.memory_space<vmem>>) dst(%dma_wait3A_410 : memref<128x128xf32, #tpu.memory_space<hbm>>)
    %dma_start3A_415 = arith.constant 8 : i32
    %dma_start3A_416 = arith.constant 2 : i32
    %dma_start3A_417 = arith.constant 2 : i32
    %dma_start3A_418 = arith.constant 0 : i32
    %dma_start3A_419 = arith.constant 0 : i32
    %dma_start3A_420 = tpu.memref_slice %arg6[%dma_start3A_416, %dma_start3A_418, %dma_start3A_419] : memref<3x128x128xf32, #tpu.memory_space<vmem>> -> memref<1x128x128xf32, #tpu.memory_space<vmem>>
    %dma_start3A_421 = tpu.memref_squeeze %dma_start3A_420 : memref<1x128x128xf32, #tpu.memory_space<vmem>> -> memref<128x128xf32, #tpu.memory_space<vmem>>
    %dma_start3A_422 = arith.constant 0 : i32
    %dma_start3A_423 = tpu.memref_slice %arg5[%dma_start3A_415, %dma_start3A_422] : memref<20x128xi32, #tpu.memory_space<vmem>> -> memref<1x128xi32, #tpu.memory_space<vmem>>
    %dma_start3A_424 = tpu.memref_squeeze %dma_start3A_423 : memref<1x128xi32, #tpu.memory_space<vmem>> -> memref<128xi32, #tpu.memory_space<vmem>>
    %dma_start3A_425 = arith.constant 0 : i32
    %dma_start3A_426 = arith.constant 0 : i32
    %dma_start3A_427 = tpu.memref_slice %arg2[%dma_start3A_425, %dma_start3A_426] : memref<10240x128xf32, #tpu.memory_space<hbm>> -> memref<10240x128xf32, #tpu.memory_space<hbm>>
    %dma_start3A_428 = tpu.memref_slice %arg7[%dma_start3A_417] : memref<3x!tpu.dma_semaphore, #tpu.memory_space<semaphore_mem>> -> memref<1x!tpu.dma_semaphore, #tpu.memory_space<semaphore_mem>>
    %dma_start3A_429 = tpu.memref_squeeze %dma_start3A_428 : memref<1x!tpu.dma_semaphore, #tpu.memory_space<semaphore_mem>> -> memref<!tpu.dma_semaphore, #tpu.memory_space<semaphore_mem>>
    tpu.enqueue_indirect_dma source(%dma_start3A_427 : memref<10240x128xf32, #tpu.memory_space<hbm>>) target(%dma_start3A_421 : memref<128x128xf32, #tpu.memory_space<vmem>>) offsets(%dma_start3A_424 : memref<128xi32, #tpu.memory_space<vmem>>) semaphore(%dma_start3A_429 : memref<!tpu.dma_semaphore, #tpu.memory_space<semaphore_mem>>)
    %dma_wait3A_430 = arith.constant 6 : i32
    %dma_wait3A_431 = arith.constant 0 : i32
    %dma_wait3A_432 = arith.constant 0 : i32
    %dma_wait3A_433 = arith.constant 0 : i32
    %dma_wait3A_434 = arith.constant 0 : i32
    %dma_wait3A_435 = tpu.memref_slice %arg6[%dma_wait3A_431, %dma_wait3A_433, %dma_wait3A_434] : memref<3x128x128xf32, #tpu.memory_space<vmem>> -> memref<1x128x128xf32, #tpu.memory_space<vmem>>
    %dma_wait3A_436 = tpu.memref_squeeze %dma_wait3A_435 : memref<1x128x128xf32, #tpu.memory_space<vmem>> -> memref<128x128xf32, #tpu.memory_space<vmem>>
    %dma_wait3A_437 = arith.constant 0 : i32
    %dma_wait3A_438 = tpu.memref_slice %arg5[%dma_wait3A_430, %dma_wait3A_437] : memref<20x128xi32, #tpu.memory_space<vmem>> -> memref<1x128xi32, #tpu.memory_space<vmem>>
    %dma_wait3A_439 = tpu.memref_squeeze %dma_wait3A_438 : memref<1x128xi32, #tpu.memory_space<vmem>> -> memref<128xi32, #tpu.memory_space<vmem>>
    %dma_wait3A_440 = arith.constant 0 : i32
    %dma_wait3A_441 = arith.constant 0 : i32
    %dma_wait3A_442 = tpu.memref_slice %arg2[%dma_wait3A_440, %dma_wait3A_441] : memref<10240x128xf32, #tpu.memory_space<hbm>> -> memref<10240x128xf32, #tpu.memory_space<hbm>>
    %dma_wait3A_443 = tpu.memref_slice %arg7[%dma_wait3A_432] : memref<3x!tpu.dma_semaphore, #tpu.memory_space<semaphore_mem>> -> memref<1x!tpu.dma_semaphore, #tpu.memory_space<semaphore_mem>>
    %dma_wait3A_444 = tpu.memref_squeeze %dma_wait3A_443 : memref<1x!tpu.dma_semaphore, #tpu.memory_space<semaphore_mem>> -> memref<!tpu.dma_semaphore, #tpu.memory_space<semaphore_mem>>
    tpu.wait_indirect_dma semaphore(%dma_wait3A_444 : memref<!tpu.dma_semaphore, #tpu.memory_space<semaphore_mem>>) src(%dma_wait3A_442 : memref<10240x128xf32, #tpu.memory_space<hbm>>) dst(%dma_wait3A_436 : memref<128x128xf32, #tpu.memory_space<vmem>>)
    %add3A_445 = arith.constant 768 : i32
    %add3A_446 = arith.addi %mul3A_2, %add3A_445 : i32
    %dma_start3A_447 = arith.constant 0 : i32
    %dma_start3A_448 = arith.constant 0 : i32
    %dma_start3A_449 = arith.constant 0 : i32
    %dma_start3A_450 = arith.constant 0 : i32
    %dma_start3A_451 = tpu.memref_slice %arg6[%dma_start3A_447, %dma_start3A_449, %dma_start3A_450] : memref<3x128x128xf32, #tpu.memory_space<vmem>> -> memref<1x128x128xf32, #tpu.memory_space<vmem>>
    %dma_start3A_452 = tpu.memref_squeeze %dma_start3A_451 : memref<1x128x128xf32, #tpu.memory_space<vmem>> -> memref<128x128xf32, #tpu.memory_space<vmem>>
    %dma_start3A_453 = arith.constant 0 : i32
    %dma_start3A_454 = tpu.memref_slice %arg4[%add3A_446, %dma_start3A_453] : memref<81920x128xf32, #tpu.memory_space<hbm>> -> memref<128x128xf32, #tpu.memory_space<hbm>>
    %dma_start3A_455 = tpu.memref_slice %arg8[%dma_start3A_448] : memref<3x!tpu.dma_semaphore, #tpu.memory_space<semaphore_mem>> -> memref<1x!tpu.dma_semaphore, #tpu.memory_space<semaphore_mem>>
    %dma_start3A_456 = tpu.memref_squeeze %dma_start3A_455 : memref<1x!tpu.dma_semaphore, #tpu.memory_space<semaphore_mem>> -> memref<!tpu.dma_semaphore, #tpu.memory_space<semaphore_mem>>
    %dma_start3A_457 = arith.constant 0 : i32
    %dma_start3A_458 = tpu.memref_slice %arg4[%add3A_446, %dma_start3A_457] : memref<81920x128xf32, #tpu.memory_space<hbm>> -> memref<128x128xf32, #tpu.memory_space<hbm>>
    %dma_start3A_459 = arith.constant 0 : i32
    %dma_start3A_460 = arith.constant 0 : i32
    %dma_start3A_461 = tpu.memref_slice %arg6[%dma_start3A_447, %dma_start3A_459, %dma_start3A_460] : memref<3x128x128xf32, #tpu.memory_space<vmem>> -> memref<1x128x128xf32, #tpu.memory_space<vmem>>
    %dma_start3A_462 = tpu.memref_squeeze %dma_start3A_461 : memref<1x128x128xf32, #tpu.memory_space<vmem>> -> memref<128x128xf32, #tpu.memory_space<vmem>>
    tpu.enqueue_dma source(%dma_start3A_462 : memref<128x128xf32, #tpu.memory_space<vmem>>) target(%dma_start3A_458 : memref<128x128xf32, #tpu.memory_space<hbm>>) target_semaphore(%dma_start3A_456 : memref<!tpu.dma_semaphore, #tpu.memory_space<semaphore_mem>>)
    %dma_wait3A_463 = arith.constant 0 : i32
    %dma_wait3A_464 = arith.constant 0 : i32
    %dma_wait3A_465 = arith.constant 0 : i32
    %dma_wait3A_466 = arith.constant 0 : i32
    %dma_wait3A_467 = tpu.memref_slice %arg6[%dma_wait3A_463, %dma_wait3A_465, %dma_wait3A_466] : memref<3x128x128xf32, #tpu.memory_space<vmem>> -> memref<1x128x128xf32, #tpu.memory_space<vmem>>
    %dma_wait3A_468 = tpu.memref_squeeze %dma_wait3A_467 : memref<1x128x128xf32, #tpu.memory_space<vmem>> -> memref<128x128xf32, #tpu.memory_space<vmem>>
    %dma_wait3A_469 = arith.constant 0 : i32
    %dma_wait3A_470 = tpu.memref_slice %arg4[%add3A_446, %dma_wait3A_469] : memref<81920x128xf32, #tpu.memory_space<hbm>> -> memref<128x128xf32, #tpu.memory_space<hbm>>
    %dma_wait3A_471 = tpu.memref_slice %arg8[%dma_wait3A_464] : memref<3x!tpu.dma_semaphore, #tpu.memory_space<semaphore_mem>> -> memref<1x!tpu.dma_semaphore, #tpu.memory_space<semaphore_mem>>
    %dma_wait3A_472 = tpu.memref_squeeze %dma_wait3A_471 : memref<1x!tpu.dma_semaphore, #tpu.memory_space<semaphore_mem>> -> memref<!tpu.dma_semaphore, #tpu.memory_space<semaphore_mem>>
    %dma_wait3A_473 = arith.constant 0 : i32
    %dma_wait3A_474 = tpu.memref_slice %arg4[%add3A_446, %dma_wait3A_473] : memref<81920x128xf32, #tpu.memory_space<hbm>> -> memref<128x128xf32, #tpu.memory_space<hbm>>
    %dma_wait3A_475 = arith.constant 0 : i32
    %dma_wait3A_476 = arith.constant 0 : i32
    %dma_wait3A_477 = tpu.memref_slice %arg6[%dma_wait3A_463, %dma_wait3A_475, %dma_wait3A_476] : memref<3x128x128xf32, #tpu.memory_space<vmem>> -> memref<1x128x128xf32, #tpu.memory_space<vmem>>
    %dma_wait3A_478 = tpu.memref_squeeze %dma_wait3A_477 : memref<1x128x128xf32, #tpu.memory_space<vmem>> -> memref<128x128xf32, #tpu.memory_space<vmem>>
    tpu.wait_dma2 semaphore(%dma_wait3A_472 : memref<!tpu.dma_semaphore, #tpu.memory_space<semaphore_mem>>) src(%dma_wait3A_478 : memref<128x128xf32, #tpu.memory_space<vmem>>) dst(%dma_wait3A_474 : memref<128x128xf32, #tpu.memory_space<hbm>>)
    %dma_start3A_479 = arith.constant 9 : i32
    %dma_start3A_480 = arith.constant 0 : i32
    %dma_start3A_481 = arith.constant 0 : i32
    %dma_start3A_482 = arith.constant 0 : i32
    %dma_start3A_483 = arith.constant 0 : i32
    %dma_start3A_484 = tpu.memref_slice %arg6[%dma_start3A_480, %dma_start3A_482, %dma_start3A_483] : memref<3x128x128xf32, #tpu.memory_space<vmem>> -> memref<1x128x128xf32, #tpu.memory_space<vmem>>
    %dma_start3A_485 = tpu.memref_squeeze %dma_start3A_484 : memref<1x128x128xf32, #tpu.memory_space<vmem>> -> memref<128x128xf32, #tpu.memory_space<vmem>>
    %dma_start3A_486 = arith.constant 0 : i32
    %dma_start3A_487 = tpu.memref_slice %arg5[%dma_start3A_479, %dma_start3A_486] : memref<20x128xi32, #tpu.memory_space<vmem>> -> memref<1x128xi32, #tpu.memory_space<vmem>>
    %dma_start3A_488 = tpu.memref_squeeze %dma_start3A_487 : memref<1x128xi32, #tpu.memory_space<vmem>> -> memref<128xi32, #tpu.memory_space<vmem>>
    %dma_start3A_489 = arith.constant 0 : i32
    %dma_start3A_490 = arith.constant 0 : i32
    %dma_start3A_491 = tpu.memref_slice %arg2[%dma_start3A_489, %dma_start3A_490] : memref<10240x128xf32, #tpu.memory_space<hbm>> -> memref<10240x128xf32, #tpu.memory_space<hbm>>
    %dma_start3A_492 = tpu.memref_slice %arg7[%dma_start3A_481] : memref<3x!tpu.dma_semaphore, #tpu.memory_space<semaphore_mem>> -> memref<1x!tpu.dma_semaphore, #tpu.memory_space<semaphore_mem>>
    %dma_start3A_493 = tpu.memref_squeeze %dma_start3A_492 : memref<1x!tpu.dma_semaphore, #tpu.memory_space<semaphore_mem>> -> memref<!tpu.dma_semaphore, #tpu.memory_space<semaphore_mem>>
    tpu.enqueue_indirect_dma source(%dma_start3A_491 : memref<10240x128xf32, #tpu.memory_space<hbm>>) target(%dma_start3A_485 : memref<128x128xf32, #tpu.memory_space<vmem>>) offsets(%dma_start3A_488 : memref<128xi32, #tpu.memory_space<vmem>>) semaphore(%dma_start3A_493 : memref<!tpu.dma_semaphore, #tpu.memory_space<semaphore_mem>>)
    %dma_wait3A_494 = arith.constant 7 : i32
    %dma_wait3A_495 = arith.constant 1 : i32
    %dma_wait3A_496 = arith.constant 1 : i32
    %dma_wait3A_497 = arith.constant 0 : i32
    %dma_wait3A_498 = arith.constant 0 : i32
    %dma_wait3A_499 = tpu.memref_slice %arg6[%dma_wait3A_495, %dma_wait3A_497, %dma_wait3A_498] : memref<3x128x128xf32, #tpu.memory_space<vmem>> -> memref<1x128x128xf32, #tpu.memory_space<vmem>>
    %dma_wait3A_500 = tpu.memref_squeeze %dma_wait3A_499 : memref<1x128x128xf32, #tpu.memory_space<vmem>> -> memref<128x128xf32, #tpu.memory_space<vmem>>
    %dma_wait3A_501 = arith.constant 0 : i32
    %dma_wait3A_502 = tpu.memref_slice %arg5[%dma_wait3A_494, %dma_wait3A_501] : memref<20x128xi32, #tpu.memory_space<vmem>> -> memref<1x128xi32, #tpu.memory_space<vmem>>
    %dma_wait3A_503 = tpu.memref_squeeze %dma_wait3A_502 : memref<1x128xi32, #tpu.memory_space<vmem>> -> memref<128xi32, #tpu.memory_space<vmem>>
    %dma_wait3A_504 = arith.constant 0 : i32
    %dma_wait3A_505 = arith.constant 0 : i32
    %dma_wait3A_506 = tpu.memref_slice %arg2[%dma_wait3A_504, %dma_wait3A_505] : memref<10240x128xf32, #tpu.memory_space<hbm>> -> memref<10240x128xf32, #tpu.memory_space<hbm>>
    %dma_wait3A_507 = tpu.memref_slice %arg7[%dma_wait3A_496] : memref<3x!tpu.dma_semaphore, #tpu.memory_space<semaphore_mem>> -> memref<1x!tpu.dma_semaphore, #tpu.memory_space<semaphore_mem>>
    %dma_wait3A_508 = tpu.memref_squeeze %dma_wait3A_507 : memref<1x!tpu.dma_semaphore, #tpu.memory_space<semaphore_mem>> -> memref<!tpu.dma_semaphore, #tpu.memory_space<semaphore_mem>>
    tpu.wait_indirect_dma semaphore(%dma_wait3A_508 : memref<!tpu.dma_semaphore, #tpu.memory_space<semaphore_mem>>) src(%dma_wait3A_506 : memref<10240x128xf32, #tpu.memory_space<hbm>>) dst(%dma_wait3A_500 : memref<128x128xf32, #tpu.memory_space<vmem>>)
    %add3A_509 = arith.constant 896 : i32
    %add3A_510 = arith.addi %mul3A_2, %add3A_509 : i32
    %dma_start3A_511 = arith.constant 1 : i32
    %dma_start3A_512 = arith.constant 1 : i32
    %dma_start3A_513 = arith.constant 0 : i32
    %dma_start3A_514 = arith.constant 0 : i32
    %dma_start3A_515 = tpu.memref_slice %arg6[%dma_start3A_511, %dma_start3A_513, %dma_start3A_514] : memref<3x128x128xf32, #tpu.memory_space<vmem>> -> memref<1x128x128xf32, #tpu.memory_space<vmem>>
    %dma_start3A_516 = tpu.memref_squeeze %dma_start3A_515 : memref<1x128x128xf32, #tpu.memory_space<vmem>> -> memref<128x128xf32, #tpu.memory_space<vmem>>
    %dma_start3A_517 = arith.constant 0 : i32
    %dma_start3A_518 = tpu.memref_slice %arg4[%add3A_510, %dma_start3A_517] : memref<81920x128xf32, #tpu.memory_space<hbm>> -> memref<128x128xf32, #tpu.memory_space<hbm>>
    %dma_start3A_519 = tpu.memref_slice %arg8[%dma_start3A_512] : memref<3x!tpu.dma_semaphore, #tpu.memory_space<semaphore_mem>> -> memref<1x!tpu.dma_semaphore, #tpu.memory_space<semaphore_mem>>
    %dma_start3A_520 = tpu.memref_squeeze %dma_start3A_519 : memref<1x!tpu.dma_semaphore, #tpu.memory_space<semaphore_mem>> -> memref<!tpu.dma_semaphore, #tpu.memory_space<semaphore_mem>>
    %dma_start3A_521 = arith.constant 0 : i32
    %dma_start3A_522 = tpu.memref_slice %arg4[%add3A_510, %dma_start3A_521] : memref<81920x128xf32, #tpu.memory_space<hbm>> -> memref<128x128xf32, #tpu.memory_space<hbm>>
    %dma_start3A_523 = arith.constant 0 : i32
    %dma_start3A_524 = arith.constant 0 : i32
    %dma_start3A_525 = tpu.memref_slice %arg6[%dma_start3A_511, %dma_start3A_523, %dma_start3A_524] : memref<3x128x128xf32, #tpu.memory_space<vmem>> -> memref<1x128x128xf32, #tpu.memory_space<vmem>>
    %dma_start3A_526 = tpu.memref_squeeze %dma_start3A_525 : memref<1x128x128xf32, #tpu.memory_space<vmem>> -> memref<128x128xf32, #tpu.memory_space<vmem>>
    tpu.enqueue_dma source(%dma_start3A_526 : memref<128x128xf32, #tpu.memory_space<vmem>>) target(%dma_start3A_522 : memref<128x128xf32, #tpu.memory_space<hbm>>) target_semaphore(%dma_start3A_520 : memref<!tpu.dma_semaphore, #tpu.memory_space<semaphore_mem>>)
    %dma_wait3A_527 = arith.constant 1 : i32
    %dma_wait3A_528 = arith.constant 1 : i32
    %dma_wait3A_529 = arith.constant 0 : i32
    %dma_wait3A_530 = arith.constant 0 : i32
    %dma_wait3A_531 = tpu.memref_slice %arg6[%dma_wait3A_527, %dma_wait3A_529, %dma_wait3A_530] : memref<3x128x128xf32, #tpu.memory_space<vmem>> -> memref<1x128x128xf32, #tpu.memory_space<vmem>>
    %dma_wait3A_532 = tpu.memref_squeeze %dma_wait3A_531 : memref<1x128x128xf32, #tpu.memory_space<vmem>> -> memref<128x128xf32, #tpu.memory_space<vmem>>
    %dma_wait3A_533 = arith.constant 0 : i32
    %dma_wait3A_534 = tpu.memref_slice %arg4[%add3A_510, %dma_wait3A_533] : memref<81920x128xf32, #tpu.memory_space<hbm>> -> memref<128x128xf32, #tpu.memory_space<hbm>>
    %dma_wait3A_535 = tpu.memref_slice %arg8[%dma_wait3A_528] : memref<3x!tpu.dma_semaphore, #tpu.memory_space<semaphore_mem>> -> memref<1x!tpu.dma_semaphore, #tpu.memory_space<semaphore_mem>>
    %dma_wait3A_536 = tpu.memref_squeeze %dma_wait3A_535 : memref<1x!tpu.dma_semaphore, #tpu.memory_space<semaphore_mem>> -> memref<!tpu.dma_semaphore, #tpu.memory_space<semaphore_mem>>
    %dma_wait3A_537 = arith.constant 0 : i32
    %dma_wait3A_538 = tpu.memref_slice %arg4[%add3A_510, %dma_wait3A_537] : memref<81920x128xf32, #tpu.memory_space<hbm>> -> memref<128x128xf32, #tpu.memory_space<hbm>>
    %dma_wait3A_539 = arith.constant 0 : i32
    %dma_wait3A_540 = arith.constant 0 : i32
    %dma_wait3A_541 = tpu.memref_slice %arg6[%dma_wait3A_527, %dma_wait3A_539, %dma_wait3A_540] : memref<3x128x128xf32, #tpu.memory_space<vmem>> -> memref<1x128x128xf32, #tpu.memory_space<vmem>>
    %dma_wait3A_542 = tpu.memref_squeeze %dma_wait3A_541 : memref<1x128x128xf32, #tpu.memory_space<vmem>> -> memref<128x128xf32, #tpu.memory_space<vmem>>
    tpu.wait_dma2 semaphore(%dma_wait3A_536 : memref<!tpu.dma_semaphore, #tpu.memory_space<semaphore_mem>>) src(%dma_wait3A_542 : memref<128x128xf32, #tpu.memory_space<vmem>>) dst(%dma_wait3A_538 : memref<128x128xf32, #tpu.memory_space<hbm>>)
    %dma_start3A_543 = arith.constant 10 : i32
    %dma_start3A_544 = arith.constant 1 : i32
    %dma_start3A_545 = arith.constant 1 : i32
    %dma_start3A_546 = arith.constant 0 : i32
    %dma_start3A_547 = arith.constant 0 : i32
    %dma_start3A_548 = tpu.memref_slice %arg6[%dma_start3A_544, %dma_start3A_546, %dma_start3A_547] : memref<3x128x128xf32, #tpu.memory_space<vmem>> -> memref<1x128x128xf32, #tpu.memory_space<vmem>>
    %dma_start3A_549 = tpu.memref_squeeze %dma_start3A_548 : memref<1x128x128xf32, #tpu.memory_space<vmem>> -> memref<128x128xf32, #tpu.memory_space<vmem>>
    %dma_start3A_550 = arith.constant 0 : i32
    %dma_start3A_551 = tpu.memref_slice %arg5[%dma_start3A_543, %dma_start3A_550] : memref<20x128xi32, #tpu.memory_space<vmem>> -> memref<1x128xi32, #tpu.memory_space<vmem>>
    %dma_start3A_552 = tpu.memref_squeeze %dma_start3A_551 : memref<1x128xi32, #tpu.memory_space<vmem>> -> memref<128xi32, #tpu.memory_space<vmem>>
    %dma_start3A_553 = arith.constant 0 : i32
    %dma_start3A_554 = arith.constant 0 : i32
    %dma_start3A_555 = tpu.memref_slice %arg2[%dma_start3A_553, %dma_start3A_554] : memref<10240x128xf32, #tpu.memory_space<hbm>> -> memref<10240x128xf32, #tpu.memory_space<hbm>>
    %dma_start3A_556 = tpu.memref_slice %arg7[%dma_start3A_545] : memref<3x!tpu.dma_semaphore, #tpu.memory_space<semaphore_mem>> -> memref<1x!tpu.dma_semaphore, #tpu.memory_space<semaphore_mem>>
    %dma_start3A_557 = tpu.memref_squeeze %dma_start3A_556 : memref<1x!tpu.dma_semaphore, #tpu.memory_space<semaphore_mem>> -> memref<!tpu.dma_semaphore, #tpu.memory_space<semaphore_mem>>
    tpu.enqueue_indirect_dma source(%dma_start3A_555 : memref<10240x128xf32, #tpu.memory_space<hbm>>) target(%dma_start3A_549 : memref<128x128xf32, #tpu.memory_space<vmem>>) offsets(%dma_start3A_552 : memref<128xi32, #tpu.memory_space<vmem>>) semaphore(%dma_start3A_557 : memref<!tpu.dma_semaphore, #tpu.memory_space<semaphore_mem>>)
    %dma_wait3A_558 = arith.constant 8 : i32
    %dma_wait3A_559 = arith.constant 2 : i32
    %dma_wait3A_560 = arith.constant 2 : i32
    %dma_wait3A_561 = arith.constant 0 : i32
    %dma_wait3A_562 = arith.constant 0 : i32
    %dma_wait3A_563 = tpu.memref_slice %arg6[%dma_wait3A_559, %dma_wait3A_561, %dma_wait3A_562] : memref<3x128x128xf32, #tpu.memory_space<vmem>> -> memref<1x128x128xf32, #tpu.memory_space<vmem>>
    %dma_wait3A_564 = tpu.memref_squeeze %dma_wait3A_563 : memref<1x128x128xf32, #tpu.memory_space<vmem>> -> memref<128x128xf32, #tpu.memory_space<vmem>>
    %dma_wait3A_565 = arith.constant 0 : i32
    %dma_wait3A_566 = tpu.memref_slice %arg5[%dma_wait3A_558, %dma_wait3A_565] : memref<20x128xi32, #tpu.memory_space<vmem>> -> memref<1x128xi32, #tpu.memory_space<vmem>>
    %dma_wait3A_567 = tpu.memref_squeeze %dma_wait3A_566 : memref<1x128xi32, #tpu.memory_space<vmem>> -> memref<128xi32, #tpu.memory_space<vmem>>
    %dma_wait3A_568 = arith.constant 0 : i32
    %dma_wait3A_569 = arith.constant 0 : i32
    %dma_wait3A_570 = tpu.memref_slice %arg2[%dma_wait3A_568, %dma_wait3A_569] : memref<10240x128xf32, #tpu.memory_space<hbm>> -> memref<10240x128xf32, #tpu.memory_space<hbm>>
    %dma_wait3A_571 = tpu.memref_slice %arg7[%dma_wait3A_560] : memref<3x!tpu.dma_semaphore, #tpu.memory_space<semaphore_mem>> -> memref<1x!tpu.dma_semaphore, #tpu.memory_space<semaphore_mem>>
    %dma_wait3A_572 = tpu.memref_squeeze %dma_wait3A_571 : memref<1x!tpu.dma_semaphore, #tpu.memory_space<semaphore_mem>> -> memref<!tpu.dma_semaphore, #tpu.memory_space<semaphore_mem>>
    tpu.wait_indirect_dma semaphore(%dma_wait3A_572 : memref<!tpu.dma_semaphore, #tpu.memory_space<semaphore_mem>>) src(%dma_wait3A_570 : memref<10240x128xf32, #tpu.memory_space<hbm>>) dst(%dma_wait3A_564 : memref<128x128xf32, #tpu.memory_space<vmem>>)
    %add3A_573 = arith.constant 1024 : i32
    %add3A_574 = arith.addi %mul3A_2, %add3A_573 : i32
    %dma_start3A_575 = arith.constant 2 : i32
    %dma_start3A_576 = arith.constant 2 : i32
    %dma_start3A_577 = arith.constant 0 : i32
    %dma_start3A_578 = arith.constant 0 : i32
    %dma_start3A_579 = tpu.memref_slice %arg6[%dma_start3A_575, %dma_start3A_577, %dma_start3A_578] : memref<3x128x128xf32, #tpu.memory_space<vmem>> -> memref<1x128x128xf32, #tpu.memory_space<vmem>>
    %dma_start3A_580 = tpu.memref_squeeze %dma_start3A_579 : memref<1x128x128xf32, #tpu.memory_space<vmem>> -> memref<128x128xf32, #tpu.memory_space<vmem>>
    %dma_start3A_581 = arith.constant 0 : i32
    %dma_start3A_582 = tpu.memref_slice %arg4[%add3A_574, %dma_start3A_581] : memref<81920x128xf32, #tpu.memory_space<hbm>> -> memref<128x128xf32, #tpu.memory_space<hbm>>
    %dma_start3A_583 = tpu.memref_slice %arg8[%dma_start3A_576] : memref<3x!tpu.dma_semaphore, #tpu.memory_space<semaphore_mem>> -> memref<1x!tpu.dma_semaphore, #tpu.memory_space<semaphore_mem>>
    %dma_start3A_584 = tpu.memref_squeeze %dma_start3A_583 : memref<1x!tpu.dma_semaphore, #tpu.memory_space<semaphore_mem>> -> memref<!tpu.dma_semaphore, #tpu.memory_space<semaphore_mem>>
    %dma_start3A_585 = arith.constant 0 : i32
    %dma_start3A_586 = tpu.memref_slice %arg4[%add3A_574, %dma_start3A_585] : memref<81920x128xf32, #tpu.memory_space<hbm>> -> memref<128x128xf32, #tpu.memory_space<hbm>>
    %dma_start3A_587 = arith.constant 0 : i32
    %dma_start3A_588 = arith.constant 0 : i32
    %dma_start3A_589 = tpu.memref_slice %arg6[%dma_start3A_575, %dma_start3A_587, %dma_start3A_588] : memref<3x128x128xf32, #tpu.memory_space<vmem>> -> memref<1x128x128xf32, #tpu.memory_space<vmem>>
    %dma_start3A_590 = tpu.memref_squeeze %dma_start3A_589 : memref<1x128x128xf32, #tpu.memory_space<vmem>> -> memref<128x128xf32, #tpu.memory_space<vmem>>
    tpu.enqueue_dma source(%dma_start3A_590 : memref<128x128xf32, #tpu.memory_space<vmem>>) target(%dma_start3A_586 : memref<128x128xf32, #tpu.memory_space<hbm>>) target_semaphore(%dma_start3A_584 : memref<!tpu.dma_semaphore, #tpu.memory_space<semaphore_mem>>)
    %dma_wait3A_591 = arith.constant 2 : i32
    %dma_wait3A_592 = arith.constant 2 : i32
    %dma_wait3A_593 = arith.constant 0 : i32
    %dma_wait3A_594 = arith.constant 0 : i32
    %dma_wait3A_595 = tpu.memref_slice %arg6[%dma_wait3A_591, %dma_wait3A_593, %dma_wait3A_594] : memref<3x128x128xf32, #tpu.memory_space<vmem>> -> memref<1x128x128xf32, #tpu.memory_space<vmem>>
    %dma_wait3A_596 = tpu.memref_squeeze %dma_wait3A_595 : memref<1x128x128xf32, #tpu.memory_space<vmem>> -> memref<128x128xf32, #tpu.memory_space<vmem>>
    %dma_wait3A_597 = arith.constant 0 : i32
    %dma_wait3A_598 = tpu.memref_slice %arg4[%add3A_574, %dma_wait3A_597] : memref<81920x128xf32, #tpu.memory_space<hbm>> -> memref<128x128xf32, #tpu.memory_space<hbm>>
    %dma_wait3A_599 = tpu.memref_slice %arg8[%dma_wait3A_592] : memref<3x!tpu.dma_semaphore, #tpu.memory_space<semaphore_mem>> -> memref<1x!tpu.dma_semaphore, #tpu.memory_space<semaphore_mem>>
    %dma_wait3A_600 = tpu.memref_squeeze %dma_wait3A_599 : memref<1x!tpu.dma_semaphore, #tpu.memory_space<semaphore_mem>> -> memref<!tpu.dma_semaphore, #tpu.memory_space<semaphore_mem>>
    %dma_wait3A_601 = arith.constant 0 : i32
    %dma_wait3A_602 = tpu.memref_slice %arg4[%add3A_574, %dma_wait3A_601] : memref<81920x128xf32, #tpu.memory_space<hbm>> -> memref<128x128xf32, #tpu.memory_space<hbm>>
    %dma_wait3A_603 = arith.constant 0 : i32
    %dma_wait3A_604 = arith.constant 0 : i32
    %dma_wait3A_605 = tpu.memref_slice %arg6[%dma_wait3A_591, %dma_wait3A_603, %dma_wait3A_604] : memref<3x128x128xf32, #tpu.memory_space<vmem>> -> memref<1x128x128xf32, #tpu.memory_space<vmem>>
    %dma_wait3A_606 = tpu.memref_squeeze %dma_wait3A_605 : memref<1x128x128xf32, #tpu.memory_space<vmem>> -> memref<128x128xf32, #tpu.memory_space<vmem>>
    tpu.wait_dma2 semaphore(%dma_wait3A_600 : memref<!tpu.dma_semaphore, #tpu.memory_space<semaphore_mem>>) src(%dma_wait3A_606 : memref<128x128xf32, #tpu.memory_space<vmem>>) dst(%dma_wait3A_602 : memref<128x128xf32, #tpu.memory_space<hbm>>)
    %dma_start3A_607 = arith.constant 11 : i32
    %dma_start3A_608 = arith.constant 2 : i32
    %dma_start3A_609 = arith.constant 2 : i32
    %dma_start3A_610 = arith.constant 0 : i32
    %dma_start3A_611 = arith.constant 0 : i32
    %dma_start3A_612 = tpu.memref_slice %arg6[%dma_start3A_608, %dma_start3A_610, %dma_start3A_611] : memref<3x128x128xf32, #tpu.memory_space<vmem>> -> memref<1x128x128xf32, #tpu.memory_space<vmem>>
    %dma_start3A_613 = tpu.memref_squeeze %dma_start3A_612 : memref<1x128x128xf32, #tpu.memory_space<vmem>> -> memref<128x128xf32, #tpu.memory_space<vmem>>
    %dma_start3A_614 = arith.constant 0 : i32
    %dma_start3A_615 = tpu.memref_slice %arg5[%dma_start3A_607, %dma_start3A_614] : memref<20x128xi32, #tpu.memory_space<vmem>> -> memref<1x128xi32, #tpu.memory_space<vmem>>
    %dma_start3A_616 = tpu.memref_squeeze %dma_start3A_615 : memref<1x128xi32, #tpu.memory_space<vmem>> -> memref<128xi32, #tpu.memory_space<vmem>>
    %dma_start3A_617 = arith.constant 0 : i32
    %dma_start3A_618 = arith.constant 0 : i32
    %dma_start3A_619 = tpu.memref_slice %arg2[%dma_start3A_617, %dma_start3A_618] : memref<10240x128xf32, #tpu.memory_space<hbm>> -> memref<10240x128xf32, #tpu.memory_space<hbm>>
    %dma_start3A_620 = tpu.memref_slice %arg7[%dma_start3A_609] : memref<3x!tpu.dma_semaphore, #tpu.memory_space<semaphore_mem>> -> memref<1x!tpu.dma_semaphore, #tpu.memory_space<semaphore_mem>>
    %dma_start3A_621 = tpu.memref_squeeze %dma_start3A_620 : memref<1x!tpu.dma_semaphore, #tpu.memory_space<semaphore_mem>> -> memref<!tpu.dma_semaphore, #tpu.memory_space<semaphore_mem>>
    tpu.enqueue_indirect_dma source(%dma_start3A_619 : memref<10240x128xf32, #tpu.memory_space<hbm>>) target(%dma_start3A_613 : memref<128x128xf32, #tpu.memory_space<vmem>>) offsets(%dma_start3A_616 : memref<128xi32, #tpu.memory_space<vmem>>) semaphore(%dma_start3A_621 : memref<!tpu.dma_semaphore, #tpu.memory_space<semaphore_mem>>)
    %dma_wait3A_622 = arith.constant 9 : i32
    %dma_wait3A_623 = arith.constant 0 : i32
    %dma_wait3A_624 = arith.constant 0 : i32
    %dma_wait3A_625 = arith.constant 0 : i32
    %dma_wait3A_626 = arith.constant 0 : i32
    %dma_wait3A_627 = tpu.memref_slice %arg6[%dma_wait3A_623, %dma_wait3A_625, %dma_wait3A_626] : memref<3x128x128xf32, #tpu.memory_space<vmem>> -> memref<1x128x128xf32, #tpu.memory_space<vmem>>
    %dma_wait3A_628 = tpu.memref_squeeze %dma_wait3A_627 : memref<1x128x128xf32, #tpu.memory_space<vmem>> -> memref<128x128xf32, #tpu.memory_space<vmem>>
    %dma_wait3A_629 = arith.constant 0 : i32
    %dma_wait3A_630 = tpu.memref_slice %arg5[%dma_wait3A_622, %dma_wait3A_629] : memref<20x128xi32, #tpu.memory_space<vmem>> -> memref<1x128xi32, #tpu.memory_space<vmem>>
    %dma_wait3A_631 = tpu.memref_squeeze %dma_wait3A_630 : memref<1x128xi32, #tpu.memory_space<vmem>> -> memref<128xi32, #tpu.memory_space<vmem>>
    %dma_wait3A_632 = arith.constant 0 : i32
    %dma_wait3A_633 = arith.constant 0 : i32
    %dma_wait3A_634 = tpu.memref_slice %arg2[%dma_wait3A_632, %dma_wait3A_633] : memref<10240x128xf32, #tpu.memory_space<hbm>> -> memref<10240x128xf32, #tpu.memory_space<hbm>>
    %dma_wait3A_635 = tpu.memref_slice %arg7[%dma_wait3A_624] : memref<3x!tpu.dma_semaphore, #tpu.memory_space<semaphore_mem>> -> memref<1x!tpu.dma_semaphore, #tpu.memory_space<semaphore_mem>>
    %dma_wait3A_636 = tpu.memref_squeeze %dma_wait3A_635 : memref<1x!tpu.dma_semaphore, #tpu.memory_space<semaphore_mem>> -> memref<!tpu.dma_semaphore, #tpu.memory_space<semaphore_mem>>
    tpu.wait_indirect_dma semaphore(%dma_wait3A_636 : memref<!tpu.dma_semaphore, #tpu.memory_space<semaphore_mem>>) src(%dma_wait3A_634 : memref<10240x128xf32, #tpu.memory_space<hbm>>) dst(%dma_wait3A_628 : memref<128x128xf32, #tpu.memory_space<vmem>>)
    %add3A_637 = arith.constant 1152 : i32
    %add3A_638 = arith.addi %mul3A_2, %add3A_637 : i32
    %dma_start3A_639 = arith.constant 0 : i32
    %dma_start3A_640 = arith.constant 0 : i32
    %dma_start3A_641 = arith.constant 0 : i32
    %dma_start3A_642 = arith.constant 0 : i32
    %dma_start3A_643 = tpu.memref_slice %arg6[%dma_start3A_639, %dma_start3A_641, %dma_start3A_642] : memref<3x128x128xf32, #tpu.memory_space<vmem>> -> memref<1x128x128xf32, #tpu.memory_space<vmem>>
    %dma_start3A_644 = tpu.memref_squeeze %dma_start3A_643 : memref<1x128x128xf32, #tpu.memory_space<vmem>> -> memref<128x128xf32, #tpu.memory_space<vmem>>
    %dma_start3A_645 = arith.constant 0 : i32
    %dma_start3A_646 = tpu.memref_slice %arg4[%add3A_638, %dma_start3A_645] : memref<81920x128xf32, #tpu.memory_space<hbm>> -> memref<128x128xf32, #tpu.memory_space<hbm>>
    %dma_start3A_647 = tpu.memref_slice %arg8[%dma_start3A_640] : memref<3x!tpu.dma_semaphore, #tpu.memory_space<semaphore_mem>> -> memref<1x!tpu.dma_semaphore, #tpu.memory_space<semaphore_mem>>
    %dma_start3A_648 = tpu.memref_squeeze %dma_start3A_647 : memref<1x!tpu.dma_semaphore, #tpu.memory_space<semaphore_mem>> -> memref<!tpu.dma_semaphore, #tpu.memory_space<semaphore_mem>>
    %dma_start3A_649 = arith.constant 0 : i32
    %dma_start3A_650 = tpu.memref_slice %arg4[%add3A_638, %dma_start3A_649] : memref<81920x128xf32, #tpu.memory_space<hbm>> -> memref<128x128xf32, #tpu.memory_space<hbm>>
    %dma_start3A_651 = arith.constant 0 : i32
    %dma_start3A_652 = arith.constant 0 : i32
    %dma_start3A_653 = tpu.memref_slice %arg6[%dma_start3A_639, %dma_start3A_651, %dma_start3A_652] : memref<3x128x128xf32, #tpu.memory_space<vmem>> -> memref<1x128x128xf32, #tpu.memory_space<vmem>>
    %dma_start3A_654 = tpu.memref_squeeze %dma_start3A_653 : memref<1x128x128xf32, #tpu.memory_space<vmem>> -> memref<128x128xf32, #tpu.memory_space<vmem>>
    tpu.enqueue_dma source(%dma_start3A_654 : memref<128x128xf32, #tpu.memory_space<vmem>>) target(%dma_start3A_650 : memref<128x128xf32, #tpu.memory_space<hbm>>) target_semaphore(%dma_start3A_648 : memref<!tpu.dma_semaphore, #tpu.memory_space<semaphore_mem>>)
    %dma_wait3A_655 = arith.constant 0 : i32
    %dma_wait3A_656 = arith.constant 0 : i32
    %dma_wait3A_657 = arith.constant 0 : i32
    %dma_wait3A_658 = arith.constant 0 : i32
    %dma_wait3A_659 = tpu.memref_slice %arg6[%dma_wait3A_655, %dma_wait3A_657, %dma_wait3A_658] : memref<3x128x128xf32, #tpu.memory_space<vmem>> -> memref<1x128x128xf32, #tpu.memory_space<vmem>>
    %dma_wait3A_660 = tpu.memref_squeeze %dma_wait3A_659 : memref<1x128x128xf32, #tpu.memory_space<vmem>> -> memref<128x128xf32, #tpu.memory_space<vmem>>
    %dma_wait3A_661 = arith.constant 0 : i32
    %dma_wait3A_662 = tpu.memref_slice %arg4[%add3A_638, %dma_wait3A_661] : memref<81920x128xf32, #tpu.memory_space<hbm>> -> memref<128x128xf32, #tpu.memory_space<hbm>>
    %dma_wait3A_663 = tpu.memref_slice %arg8[%dma_wait3A_656] : memref<3x!tpu.dma_semaphore, #tpu.memory_space<semaphore_mem>> -> memref<1x!tpu.dma_semaphore, #tpu.memory_space<semaphore_mem>>
    %dma_wait3A_664 = tpu.memref_squeeze %dma_wait3A_663 : memref<1x!tpu.dma_semaphore, #tpu.memory_space<semaphore_mem>> -> memref<!tpu.dma_semaphore, #tpu.memory_space<semaphore_mem>>
    %dma_wait3A_665 = arith.constant 0 : i32
    %dma_wait3A_666 = tpu.memref_slice %arg4[%add3A_638, %dma_wait3A_665] : memref<81920x128xf32, #tpu.memory_space<hbm>> -> memref<128x128xf32, #tpu.memory_space<hbm>>
    %dma_wait3A_667 = arith.constant 0 : i32
    %dma_wait3A_668 = arith.constant 0 : i32
    %dma_wait3A_669 = tpu.memref_slice %arg6[%dma_wait3A_655, %dma_wait3A_667, %dma_wait3A_668] : memref<3x128x128xf32, #tpu.memory_space<vmem>> -> memref<1x128x128xf32, #tpu.memory_space<vmem>>
    %dma_wait3A_670 = tpu.memref_squeeze %dma_wait3A_669 : memref<1x128x128xf32, #tpu.memory_space<vmem>> -> memref<128x128xf32, #tpu.memory_space<vmem>>
    tpu.wait_dma2 semaphore(%dma_wait3A_664 : memref<!tpu.dma_semaphore, #tpu.memory_space<semaphore_mem>>) src(%dma_wait3A_670 : memref<128x128xf32, #tpu.memory_space<vmem>>) dst(%dma_wait3A_666 : memref<128x128xf32, #tpu.memory_space<hbm>>)
    %dma_start3A_671 = arith.constant 12 : i32
    %dma_start3A_672 = arith.constant 0 : i32
    %dma_start3A_673 = arith.constant 0 : i32
    %dma_start3A_674 = arith.constant 0 : i32
    %dma_start3A_675 = arith.constant 0 : i32
    %dma_start3A_676 = tpu.memref_slice %arg6[%dma_start3A_672, %dma_start3A_674, %dma_start3A_675] : memref<3x128x128xf32, #tpu.memory_space<vmem>> -> memref<1x128x128xf32, #tpu.memory_space<vmem>>
    %dma_start3A_677 = tpu.memref_squeeze %dma_start3A_676 : memref<1x128x128xf32, #tpu.memory_space<vmem>> -> memref<128x128xf32, #tpu.memory_space<vmem>>
    %dma_start3A_678 = arith.constant 0 : i32
    %dma_start3A_679 = tpu.memref_slice %arg5[%dma_start3A_671, %dma_start3A_678] : memref<20x128xi32, #tpu.memory_space<vmem>> -> memref<1x128xi32, #tpu.memory_space<vmem>>
    %dma_start3A_680 = tpu.memref_squeeze %dma_start3A_679 : memref<1x128xi32, #tpu.memory_space<vmem>> -> memref<128xi32, #tpu.memory_space<vmem>>
    %dma_start3A_681 = arith.constant 0 : i32
    %dma_start3A_682 = arith.constant 0 : i32
    %dma_start3A_683 = tpu.memref_slice %arg2[%dma_start3A_681, %dma_start3A_682] : memref<10240x128xf32, #tpu.memory_space<hbm>> -> memref<10240x128xf32, #tpu.memory_space<hbm>>
    %dma_start3A_684 = tpu.memref_slice %arg7[%dma_start3A_673] : memref<3x!tpu.dma_semaphore, #tpu.memory_space<semaphore_mem>> -> memref<1x!tpu.dma_semaphore, #tpu.memory_space<semaphore_mem>>
    %dma_start3A_685 = tpu.memref_squeeze %dma_start3A_684 : memref<1x!tpu.dma_semaphore, #tpu.memory_space<semaphore_mem>> -> memref<!tpu.dma_semaphore, #tpu.memory_space<semaphore_mem>>
    tpu.enqueue_indirect_dma source(%dma_start3A_683 : memref<10240x128xf32, #tpu.memory_space<hbm>>) target(%dma_start3A_677 : memref<128x128xf32, #tpu.memory_space<vmem>>) offsets(%dma_start3A_680 : memref<128xi32, #tpu.memory_space<vmem>>) semaphore(%dma_start3A_685 : memref<!tpu.dma_semaphore, #tpu.memory_space<semaphore_mem>>)
    %dma_wait3A_686 = arith.constant 10 : i32
    %dma_wait3A_687 = arith.constant 1 : i32
    %dma_wait3A_688 = arith.constant 1 : i32
    %dma_wait3A_689 = arith.constant 0 : i32
    %dma_wait3A_690 = arith.constant 0 : i32
    %dma_wait3A_691 = tpu.memref_slice %arg6[%dma_wait3A_687, %dma_wait3A_689, %dma_wait3A_690] : memref<3x128x128xf32, #tpu.memory_space<vmem>> -> memref<1x128x128xf32, #tpu.memory_space<vmem>>
    %dma_wait3A_692 = tpu.memref_squeeze %dma_wait3A_691 : memref<1x128x128xf32, #tpu.memory_space<vmem>> -> memref<128x128xf32, #tpu.memory_space<vmem>>
    %dma_wait3A_693 = arith.constant 0 : i32
    %dma_wait3A_694 = tpu.memref_slice %arg5[%dma_wait3A_686, %dma_wait3A_693] : memref<20x128xi32, #tpu.memory_space<vmem>> -> memref<1x128xi32, #tpu.memory_space<vmem>>
    %dma_wait3A_695 = tpu.memref_squeeze %dma_wait3A_694 : memref<1x128xi32, #tpu.memory_space<vmem>> -> memref<128xi32, #tpu.memory_space<vmem>>
    %dma_wait3A_696 = arith.constant 0 : i32
    %dma_wait3A_697 = arith.constant 0 : i32
    %dma_wait3A_698 = tpu.memref_slice %arg2[%dma_wait3A_696, %dma_wait3A_697] : memref<10240x128xf32, #tpu.memory_space<hbm>> -> memref<10240x128xf32, #tpu.memory_space<hbm>>
    %dma_wait3A_699 = tpu.memref_slice %arg7[%dma_wait3A_688] : memref<3x!tpu.dma_semaphore, #tpu.memory_space<semaphore_mem>> -> memref<1x!tpu.dma_semaphore, #tpu.memory_space<semaphore_mem>>
    %dma_wait3A_700 = tpu.memref_squeeze %dma_wait3A_699 : memref<1x!tpu.dma_semaphore, #tpu.memory_space<semaphore_mem>> -> memref<!tpu.dma_semaphore, #tpu.memory_space<semaphore_mem>>
    tpu.wait_indirect_dma semaphore(%dma_wait3A_700 : memref<!tpu.dma_semaphore, #tpu.memory_space<semaphore_mem>>) src(%dma_wait3A_698 : memref<10240x128xf32, #tpu.memory_space<hbm>>) dst(%dma_wait3A_692 : memref<128x128xf32, #tpu.memory_space<vmem>>)
    %add3A_701 = arith.constant 1280 : i32
    %add3A_702 = arith.addi %mul3A_2, %add3A_701 : i32
    %dma_start3A_703 = arith.constant 1 : i32
    %dma_start3A_704 = arith.constant 1 : i32
    %dma_start3A_705 = arith.constant 0 : i32
    %dma_start3A_706 = arith.constant 0 : i32
    %dma_start3A_707 = tpu.memref_slice %arg6[%dma_start3A_703, %dma_start3A_705, %dma_start3A_706] : memref<3x128x128xf32, #tpu.memory_space<vmem>> -> memref<1x128x128xf32, #tpu.memory_space<vmem>>
    %dma_start3A_708 = tpu.memref_squeeze %dma_start3A_707 : memref<1x128x128xf32, #tpu.memory_space<vmem>> -> memref<128x128xf32, #tpu.memory_space<vmem>>
    %dma_start3A_709 = arith.constant 0 : i32
    %dma_start3A_710 = tpu.memref_slice %arg4[%add3A_702, %dma_start3A_709] : memref<81920x128xf32, #tpu.memory_space<hbm>> -> memref<128x128xf32, #tpu.memory_space<hbm>>
    %dma_start3A_711 = tpu.memref_slice %arg8[%dma_start3A_704] : memref<3x!tpu.dma_semaphore, #tpu.memory_space<semaphore_mem>> -> memref<1x!tpu.dma_semaphore, #tpu.memory_space<semaphore_mem>>
    %dma_start3A_712 = tpu.memref_squeeze %dma_start3A_711 : memref<1x!tpu.dma_semaphore, #tpu.memory_space<semaphore_mem>> -> memref<!tpu.dma_semaphore, #tpu.memory_space<semaphore_mem>>
    %dma_start3A_713 = arith.constant 0 : i32
    %dma_start3A_714 = tpu.memref_slice %arg4[%add3A_702, %dma_start3A_713] : memref<81920x128xf32, #tpu.memory_space<hbm>> -> memref<128x128xf32, #tpu.memory_space<hbm>>
    %dma_start3A_715 = arith.constant 0 : i32
    %dma_start3A_716 = arith.constant 0 : i32
    %dma_start3A_717 = tpu.memref_slice %arg6[%dma_start3A_703, %dma_start3A_715, %dma_start3A_716] : memref<3x128x128xf32, #tpu.memory_space<vmem>> -> memref<1x128x128xf32, #tpu.memory_space<vmem>>
    %dma_start3A_718 = tpu.memref_squeeze %dma_start3A_717 : memref<1x128x128xf32, #tpu.memory_space<vmem>> -> memref<128x128xf32, #tpu.memory_space<vmem>>
    tpu.enqueue_dma source(%dma_start3A_718 : memref<128x128xf32, #tpu.memory_space<vmem>>) target(%dma_start3A_714 : memref<128x128xf32, #tpu.memory_space<hbm>>) target_semaphore(%dma_start3A_712 : memref<!tpu.dma_semaphore, #tpu.memory_space<semaphore_mem>>)
    %dma_wait3A_719 = arith.constant 1 : i32
    %dma_wait3A_720 = arith.constant 1 : i32
    %dma_wait3A_721 = arith.constant 0 : i32
    %dma_wait3A_722 = arith.constant 0 : i32
    %dma_wait3A_723 = tpu.memref_slice %arg6[%dma_wait3A_719, %dma_wait3A_721, %dma_wait3A_722] : memref<3x128x128xf32, #tpu.memory_space<vmem>> -> memref<1x128x128xf32, #tpu.memory_space<vmem>>
    %dma_wait3A_724 = tpu.memref_squeeze %dma_wait3A_723 : memref<1x128x128xf32, #tpu.memory_space<vmem>> -> memref<128x128xf32, #tpu.memory_space<vmem>>
    %dma_wait3A_725 = arith.constant 0 : i32
    %dma_wait3A_726 = tpu.memref_slice %arg4[%add3A_702, %dma_wait3A_725] : memref<81920x128xf32, #tpu.memory_space<hbm>> -> memref<128x128xf32, #tpu.memory_space<hbm>>
    %dma_wait3A_727 = tpu.memref_slice %arg8[%dma_wait3A_720] : memref<3x!tpu.dma_semaphore, #tpu.memory_space<semaphore_mem>> -> memref<1x!tpu.dma_semaphore, #tpu.memory_space<semaphore_mem>>
    %dma_wait3A_728 = tpu.memref_squeeze %dma_wait3A_727 : memref<1x!tpu.dma_semaphore, #tpu.memory_space<semaphore_mem>> -> memref<!tpu.dma_semaphore, #tpu.memory_space<semaphore_mem>>
    %dma_wait3A_729 = arith.constant 0 : i32
    %dma_wait3A_730 = tpu.memref_slice %arg4[%add3A_702, %dma_wait3A_729] : memref<81920x128xf32, #tpu.memory_space<hbm>> -> memref<128x128xf32, #tpu.memory_space<hbm>>
    %dma_wait3A_731 = arith.constant 0 : i32
    %dma_wait3A_732 = arith.constant 0 : i32
    %dma_wait3A_733 = tpu.memref_slice %arg6[%dma_wait3A_719, %dma_wait3A_731, %dma_wait3A_732] : memref<3x128x128xf32, #tpu.memory_space<vmem>> -> memref<1x128x128xf32, #tpu.memory_space<vmem>>
    %dma_wait3A_734 = tpu.memref_squeeze %dma_wait3A_733 : memref<1x128x128xf32, #tpu.memory_space<vmem>> -> memref<128x128xf32, #tpu.memory_space<vmem>>
    tpu.wait_dma2 semaphore(%dma_wait3A_728 : memref<!tpu.dma_semaphore, #tpu.memory_space<semaphore_mem>>) src(%dma_wait3A_734 : memref<128x128xf32, #tpu.memory_space<vmem>>) dst(%dma_wait3A_730 : memref<128x128xf32, #tpu.memory_space<hbm>>)
    %dma_start3A_735 = arith.constant 13 : i32
    %dma_start3A_736 = arith.constant 1 : i32
    %dma_start3A_737 = arith.constant 1 : i32
    %dma_start3A_738 = arith.constant 0 : i32
    %dma_start3A_739 = arith.constant 0 : i32
    %dma_start3A_740 = tpu.memref_slice %arg6[%dma_start3A_736, %dma_start3A_738, %dma_start3A_739] : memref<3x128x128xf32, #tpu.memory_space<vmem>> -> memref<1x128x128xf32, #tpu.memory_space<vmem>>
    %dma_start3A_741 = tpu.memref_squeeze %dma_start3A_740 : memref<1x128x128xf32, #tpu.memory_space<vmem>> -> memref<128x128xf32, #tpu.memory_space<vmem>>
    %dma_start3A_742 = arith.constant 0 : i32
    %dma_start3A_743 = tpu.memref_slice %arg5[%dma_start3A_735, %dma_start3A_742] : memref<20x128xi32, #tpu.memory_space<vmem>> -> memref<1x128xi32, #tpu.memory_space<vmem>>
    %dma_start3A_744 = tpu.memref_squeeze %dma_start3A_743 : memref<1x128xi32, #tpu.memory_space<vmem>> -> memref<128xi32, #tpu.memory_space<vmem>>
    %dma_start3A_745 = arith.constant 0 : i32
    %dma_start3A_746 = arith.constant 0 : i32
    %dma_start3A_747 = tpu.memref_slice %arg2[%dma_start3A_745, %dma_start3A_746] : memref<10240x128xf32, #tpu.memory_space<hbm>> -> memref<10240x128xf32, #tpu.memory_space<hbm>>
    %dma_start3A_748 = tpu.memref_slice %arg7[%dma_start3A_737] : memref<3x!tpu.dma_semaphore, #tpu.memory_space<semaphore_mem>> -> memref<1x!tpu.dma_semaphore, #tpu.memory_space<semaphore_mem>>
    %dma_start3A_749 = tpu.memref_squeeze %dma_start3A_748 : memref<1x!tpu.dma_semaphore, #tpu.memory_space<semaphore_mem>> -> memref<!tpu.dma_semaphore, #tpu.memory_space<semaphore_mem>>
    tpu.enqueue_indirect_dma source(%dma_start3A_747 : memref<10240x128xf32, #tpu.memory_space<hbm>>) target(%dma_start3A_741 : memref<128x128xf32, #tpu.memory_space<vmem>>) offsets(%dma_start3A_744 : memref<128xi32, #tpu.memory_space<vmem>>) semaphore(%dma_start3A_749 : memref<!tpu.dma_semaphore, #tpu.memory_space<semaphore_mem>>)
    %dma_wait3A_750 = arith.constant 11 : i32
    %dma_wait3A_751 = arith.constant 2 : i32
    %dma_wait3A_752 = arith.constant 2 : i32
    %dma_wait3A_753 = arith.constant 0 : i32
    %dma_wait3A_754 = arith.constant 0 : i32
    %dma_wait3A_755 = tpu.memref_slice %arg6[%dma_wait3A_751, %dma_wait3A_753, %dma_wait3A_754] : memref<3x128x128xf32, #tpu.memory_space<vmem>> -> memref<1x128x128xf32, #tpu.memory_space<vmem>>
    %dma_wait3A_756 = tpu.memref_squeeze %dma_wait3A_755 : memref<1x128x128xf32, #tpu.memory_space<vmem>> -> memref<128x128xf32, #tpu.memory_space<vmem>>
    %dma_wait3A_757 = arith.constant 0 : i32
    %dma_wait3A_758 = tpu.memref_slice %arg5[%dma_wait3A_750, %dma_wait3A_757] : memref<20x128xi32, #tpu.memory_space<vmem>> -> memref<1x128xi32, #tpu.memory_space<vmem>>
    %dma_wait3A_759 = tpu.memref_squeeze %dma_wait3A_758 : memref<1x128xi32, #tpu.memory_space<vmem>> -> memref<128xi32, #tpu.memory_space<vmem>>
    %dma_wait3A_760 = arith.constant 0 : i32
    %dma_wait3A_761 = arith.constant 0 : i32
    %dma_wait3A_762 = tpu.memref_slice %arg2[%dma_wait3A_760, %dma_wait3A_761] : memref<10240x128xf32, #tpu.memory_space<hbm>> -> memref<10240x128xf32, #tpu.memory_space<hbm>>
    %dma_wait3A_763 = tpu.memref_slice %arg7[%dma_wait3A_752] : memref<3x!tpu.dma_semaphore, #tpu.memory_space<semaphore_mem>> -> memref<1x!tpu.dma_semaphore, #tpu.memory_space<semaphore_mem>>
    %dma_wait3A_764 = tpu.memref_squeeze %dma_wait3A_763 : memref<1x!tpu.dma_semaphore, #tpu.memory_space<semaphore_mem>> -> memref<!tpu.dma_semaphore, #tpu.memory_space<semaphore_mem>>
    tpu.wait_indirect_dma semaphore(%dma_wait3A_764 : memref<!tpu.dma_semaphore, #tpu.memory_space<semaphore_mem>>) src(%dma_wait3A_762 : memref<10240x128xf32, #tpu.memory_space<hbm>>) dst(%dma_wait3A_756 : memref<128x128xf32, #tpu.memory_space<vmem>>)
    %add3A_765 = arith.constant 1408 : i32
    %add3A_766 = arith.addi %mul3A_2, %add3A_765 : i32
    %dma_start3A_767 = arith.constant 2 : i32
    %dma_start3A_768 = arith.constant 2 : i32
    %dma_start3A_769 = arith.constant 0 : i32
    %dma_start3A_770 = arith.constant 0 : i32
    %dma_start3A_771 = tpu.memref_slice %arg6[%dma_start3A_767, %dma_start3A_769, %dma_start3A_770] : memref<3x128x128xf32, #tpu.memory_space<vmem>> -> memref<1x128x128xf32, #tpu.memory_space<vmem>>
    %dma_start3A_772 = tpu.memref_squeeze %dma_start3A_771 : memref<1x128x128xf32, #tpu.memory_space<vmem>> -> memref<128x128xf32, #tpu.memory_space<vmem>>
    %dma_start3A_773 = arith.constant 0 : i32
    %dma_start3A_774 = tpu.memref_slice %arg4[%add3A_766, %dma_start3A_773] : memref<81920x128xf32, #tpu.memory_space<hbm>> -> memref<128x128xf32, #tpu.memory_space<hbm>>
    %dma_start3A_775 = tpu.memref_slice %arg8[%dma_start3A_768] : memref<3x!tpu.dma_semaphore, #tpu.memory_space<semaphore_mem>> -> memref<1x!tpu.dma_semaphore, #tpu.memory_space<semaphore_mem>>
    %dma_start3A_776 = tpu.memref_squeeze %dma_start3A_775 : memref<1x!tpu.dma_semaphore, #tpu.memory_space<semaphore_mem>> -> memref<!tpu.dma_semaphore, #tpu.memory_space<semaphore_mem>>
    %dma_start3A_777 = arith.constant 0 : i32
    %dma_start3A_778 = tpu.memref_slice %arg4[%add3A_766, %dma_start3A_777] : memref<81920x128xf32, #tpu.memory_space<hbm>> -> memref<128x128xf32, #tpu.memory_space<hbm>>
    %dma_start3A_779 = arith.constant 0 : i32
    %dma_start3A_780 = arith.constant 0 : i32
    %dma_start3A_781 = tpu.memref_slice %arg6[%dma_start3A_767, %dma_start3A_779, %dma_start3A_780] : memref<3x128x128xf32, #tpu.memory_space<vmem>> -> memref<1x128x128xf32, #tpu.memory_space<vmem>>
    %dma_start3A_782 = tpu.memref_squeeze %dma_start3A_781 : memref<1x128x128xf32, #tpu.memory_space<vmem>> -> memref<128x128xf32, #tpu.memory_space<vmem>>
    tpu.enqueue_dma source(%dma_start3A_782 : memref<128x128xf32, #tpu.memory_space<vmem>>) target(%dma_start3A_778 : memref<128x128xf32, #tpu.memory_space<hbm>>) target_semaphore(%dma_start3A_776 : memref<!tpu.dma_semaphore, #tpu.memory_space<semaphore_mem>>)
    %dma_wait3A_783 = arith.constant 2 : i32
    %dma_wait3A_784 = arith.constant 2 : i32
    %dma_wait3A_785 = arith.constant 0 : i32
    %dma_wait3A_786 = arith.constant 0 : i32
    %dma_wait3A_787 = tpu.memref_slice %arg6[%dma_wait3A_783, %dma_wait3A_785, %dma_wait3A_786] : memref<3x128x128xf32, #tpu.memory_space<vmem>> -> memref<1x128x128xf32, #tpu.memory_space<vmem>>
    %dma_wait3A_788 = tpu.memref_squeeze %dma_wait3A_787 : memref<1x128x128xf32, #tpu.memory_space<vmem>> -> memref<128x128xf32, #tpu.memory_space<vmem>>
    %dma_wait3A_789 = arith.constant 0 : i32
    %dma_wait3A_790 = tpu.memref_slice %arg4[%add3A_766, %dma_wait3A_789] : memref<81920x128xf32, #tpu.memory_space<hbm>> -> memref<128x128xf32, #tpu.memory_space<hbm>>
    %dma_wait3A_791 = tpu.memref_slice %arg8[%dma_wait3A_784] : memref<3x!tpu.dma_semaphore, #tpu.memory_space<semaphore_mem>> -> memref<1x!tpu.dma_semaphore, #tpu.memory_space<semaphore_mem>>
    %dma_wait3A_792 = tpu.memref_squeeze %dma_wait3A_791 : memref<1x!tpu.dma_semaphore, #tpu.memory_space<semaphore_mem>> -> memref<!tpu.dma_semaphore, #tpu.memory_space<semaphore_mem>>
    %dma_wait3A_793 = arith.constant 0 : i32
    %dma_wait3A_794 = tpu.memref_slice %arg4[%add3A_766, %dma_wait3A_793] : memref<81920x128xf32, #tpu.memory_space<hbm>> -> memref<128x128xf32, #tpu.memory_space<hbm>>
    %dma_wait3A_795 = arith.constant 0 : i32
    %dma_wait3A_796 = arith.constant 0 : i32
    %dma_wait3A_797 = tpu.memref_slice %arg6[%dma_wait3A_783, %dma_wait3A_795, %dma_wait3A_796] : memref<3x128x128xf32, #tpu.memory_space<vmem>> -> memref<1x128x128xf32, #tpu.memory_space<vmem>>
    %dma_wait3A_798 = tpu.memref_squeeze %dma_wait3A_797 : memref<1x128x128xf32, #tpu.memory_space<vmem>> -> memref<128x128xf32, #tpu.memory_space<vmem>>
    tpu.wait_dma2 semaphore(%dma_wait3A_792 : memref<!tpu.dma_semaphore, #tpu.memory_space<semaphore_mem>>) src(%dma_wait3A_798 : memref<128x128xf32, #tpu.memory_space<vmem>>) dst(%dma_wait3A_794 : memref<128x128xf32, #tpu.memory_space<hbm>>)
    %dma_start3A_799 = arith.constant 14 : i32
    %dma_start3A_800 = arith.constant 2 : i32
    %dma_start3A_801 = arith.constant 2 : i32
    %dma_start3A_802 = arith.constant 0 : i32
    %dma_start3A_803 = arith.constant 0 : i32
    %dma_start3A_804 = tpu.memref_slice %arg6[%dma_start3A_800, %dma_start3A_802, %dma_start3A_803] : memref<3x128x128xf32, #tpu.memory_space<vmem>> -> memref<1x128x128xf32, #tpu.memory_space<vmem>>
    %dma_start3A_805 = tpu.memref_squeeze %dma_start3A_804 : memref<1x128x128xf32, #tpu.memory_space<vmem>> -> memref<128x128xf32, #tpu.memory_space<vmem>>
    %dma_start3A_806 = arith.constant 0 : i32
    %dma_start3A_807 = tpu.memref_slice %arg5[%dma_start3A_799, %dma_start3A_806] : memref<20x128xi32, #tpu.memory_space<vmem>> -> memref<1x128xi32, #tpu.memory_space<vmem>>
    %dma_start3A_808 = tpu.memref_squeeze %dma_start3A_807 : memref<1x128xi32, #tpu.memory_space<vmem>> -> memref<128xi32, #tpu.memory_space<vmem>>
    %dma_start3A_809 = arith.constant 0 : i32
    %dma_start3A_810 = arith.constant 0 : i32
    %dma_start3A_811 = tpu.memref_slice %arg2[%dma_start3A_809, %dma_start3A_810] : memref<10240x128xf32, #tpu.memory_space<hbm>> -> memref<10240x128xf32, #tpu.memory_space<hbm>>
    %dma_start3A_812 = tpu.memref_slice %arg7[%dma_start3A_801] : memref<3x!tpu.dma_semaphore, #tpu.memory_space<semaphore_mem>> -> memref<1x!tpu.dma_semaphore, #tpu.memory_space<semaphore_mem>>
    %dma_start3A_813 = tpu.memref_squeeze %dma_start3A_812 : memref<1x!tpu.dma_semaphore, #tpu.memory_space<semaphore_mem>> -> memref<!tpu.dma_semaphore, #tpu.memory_space<semaphore_mem>>
    tpu.enqueue_indirect_dma source(%dma_start3A_811 : memref<10240x128xf32, #tpu.memory_space<hbm>>) target(%dma_start3A_805 : memref<128x128xf32, #tpu.memory_space<vmem>>) offsets(%dma_start3A_808 : memref<128xi32, #tpu.memory_space<vmem>>) semaphore(%dma_start3A_813 : memref<!tpu.dma_semaphore, #tpu.memory_space<semaphore_mem>>)
    %dma_wait3A_814 = arith.constant 12 : i32
    %dma_wait3A_815 = arith.constant 0 : i32
    %dma_wait3A_816 = arith.constant 0 : i32
    %dma_wait3A_817 = arith.constant 0 : i32
    %dma_wait3A_818 = arith.constant 0 : i32
    %dma_wait3A_819 = tpu.memref_slice %arg6[%dma_wait3A_815, %dma_wait3A_817, %dma_wait3A_818] : memref<3x128x128xf32, #tpu.memory_space<vmem>> -> memref<1x128x128xf32, #tpu.memory_space<vmem>>
    %dma_wait3A_820 = tpu.memref_squeeze %dma_wait3A_819 : memref<1x128x128xf32, #tpu.memory_space<vmem>> -> memref<128x128xf32, #tpu.memory_space<vmem>>
    %dma_wait3A_821 = arith.constant 0 : i32
    %dma_wait3A_822 = tpu.memref_slice %arg5[%dma_wait3A_814, %dma_wait3A_821] : memref<20x128xi32, #tpu.memory_space<vmem>> -> memref<1x128xi32, #tpu.memory_space<vmem>>
    %dma_wait3A_823 = tpu.memref_squeeze %dma_wait3A_822 : memref<1x128xi32, #tpu.memory_space<vmem>> -> memref<128xi32, #tpu.memory_space<vmem>>
    %dma_wait3A_824 = arith.constant 0 : i32
    %dma_wait3A_825 = arith.constant 0 : i32
    %dma_wait3A_826 = tpu.memref_slice %arg2[%dma_wait3A_824, %dma_wait3A_825] : memref<10240x128xf32, #tpu.memory_space<hbm>> -> memref<10240x128xf32, #tpu.memory_space<hbm>>
    %dma_wait3A_827 = tpu.memref_slice %arg7[%dma_wait3A_816] : memref<3x!tpu.dma_semaphore, #tpu.memory_space<semaphore_mem>> -> memref<1x!tpu.dma_semaphore, #tpu.memory_space<semaphore_mem>>
    %dma_wait3A_828 = tpu.memref_squeeze %dma_wait3A_827 : memref<1x!tpu.dma_semaphore, #tpu.memory_space<semaphore_mem>> -> memref<!tpu.dma_semaphore, #tpu.memory_space<semaphore_mem>>
    tpu.wait_indirect_dma semaphore(%dma_wait3A_828 : memref<!tpu.dma_semaphore, #tpu.memory_space<semaphore_mem>>) src(%dma_wait3A_826 : memref<10240x128xf32, #tpu.memory_space<hbm>>) dst(%dma_wait3A_820 : memref<128x128xf32, #tpu.memory_space<vmem>>)
    %add3A_829 = arith.constant 1536 : i32
    %add3A_830 = arith.addi %mul3A_2, %add3A_829 : i32
    %dma_start3A_831 = arith.constant 0 : i32
    %dma_start3A_832 = arith.constant 0 : i32
    %dma_start3A_833 = arith.constant 0 : i32
    %dma_start3A_834 = arith.constant 0 : i32
    %dma_start3A_835 = tpu.memref_slice %arg6[%dma_start3A_831, %dma_start3A_833, %dma_start3A_834] : memref<3x128x128xf32, #tpu.memory_space<vmem>> -> memref<1x128x128xf32, #tpu.memory_space<vmem>>
    %dma_start3A_836 = tpu.memref_squeeze %dma_start3A_835 : memref<1x128x128xf32, #tpu.memory_space<vmem>> -> memref<128x128xf32, #tpu.memory_space<vmem>>
    %dma_start3A_837 = arith.constant 0 : i32
    %dma_start3A_838 = tpu.memref_slice %arg4[%add3A_830, %dma_start3A_837] : memref<81920x128xf32, #tpu.memory_space<hbm>> -> memref<128x128xf32, #tpu.memory_space<hbm>>
    %dma_start3A_839 = tpu.memref_slice %arg8[%dma_start3A_832] : memref<3x!tpu.dma_semaphore, #tpu.memory_space<semaphore_mem>> -> memref<1x!tpu.dma_semaphore, #tpu.memory_space<semaphore_mem>>
    %dma_start3A_840 = tpu.memref_squeeze %dma_start3A_839 : memref<1x!tpu.dma_semaphore, #tpu.memory_space<semaphore_mem>> -> memref<!tpu.dma_semaphore, #tpu.memory_space<semaphore_mem>>
    %dma_start3A_841 = arith.constant 0 : i32
    %dma_start3A_842 = tpu.memref_slice %arg4[%add3A_830, %dma_start3A_841] : memref<81920x128xf32, #tpu.memory_space<hbm>> -> memref<128x128xf32, #tpu.memory_space<hbm>>
    %dma_start3A_843 = arith.constant 0 : i32
    %dma_start3A_844 = arith.constant 0 : i32
    %dma_start3A_845 = tpu.memref_slice %arg6[%dma_start3A_831, %dma_start3A_843, %dma_start3A_844] : memref<3x128x128xf32, #tpu.memory_space<vmem>> -> memref<1x128x128xf32, #tpu.memory_space<vmem>>
    %dma_start3A_846 = tpu.memref_squeeze %dma_start3A_845 : memref<1x128x128xf32, #tpu.memory_space<vmem>> -> memref<128x128xf32, #tpu.memory_space<vmem>>
    tpu.enqueue_dma source(%dma_start3A_846 : memref<128x128xf32, #tpu.memory_space<vmem>>) target(%dma_start3A_842 : memref<128x128xf32, #tpu.memory_space<hbm>>) target_semaphore(%dma_start3A_840 : memref<!tpu.dma_semaphore, #tpu.memory_space<semaphore_mem>>)
    %dma_wait3A_847 = arith.constant 0 : i32
    %dma_wait3A_848 = arith.constant 0 : i32
    %dma_wait3A_849 = arith.constant 0 : i32
    %dma_wait3A_850 = arith.constant 0 : i32
    %dma_wait3A_851 = tpu.memref_slice %arg6[%dma_wait3A_847, %dma_wait3A_849, %dma_wait3A_850] : memref<3x128x128xf32, #tpu.memory_space<vmem>> -> memref<1x128x128xf32, #tpu.memory_space<vmem>>
    %dma_wait3A_852 = tpu.memref_squeeze %dma_wait3A_851 : memref<1x128x128xf32, #tpu.memory_space<vmem>> -> memref<128x128xf32, #tpu.memory_space<vmem>>
    %dma_wait3A_853 = arith.constant 0 : i32
    %dma_wait3A_854 = tpu.memref_slice %arg4[%add3A_830, %dma_wait3A_853] : memref<81920x128xf32, #tpu.memory_space<hbm>> -> memref<128x128xf32, #tpu.memory_space<hbm>>
    %dma_wait3A_855 = tpu.memref_slice %arg8[%dma_wait3A_848] : memref<3x!tpu.dma_semaphore, #tpu.memory_space<semaphore_mem>> -> memref<1x!tpu.dma_semaphore, #tpu.memory_space<semaphore_mem>>
    %dma_wait3A_856 = tpu.memref_squeeze %dma_wait3A_855 : memref<1x!tpu.dma_semaphore, #tpu.memory_space<semaphore_mem>> -> memref<!tpu.dma_semaphore, #tpu.memory_space<semaphore_mem>>
    %dma_wait3A_857 = arith.constant 0 : i32
    %dma_wait3A_858 = tpu.memref_slice %arg4[%add3A_830, %dma_wait3A_857] : memref<81920x128xf32, #tpu.memory_space<hbm>> -> memref<128x128xf32, #tpu.memory_space<hbm>>
    %dma_wait3A_859 = arith.constant 0 : i32
    %dma_wait3A_860 = arith.constant 0 : i32
    %dma_wait3A_861 = tpu.memref_slice %arg6[%dma_wait3A_847, %dma_wait3A_859, %dma_wait3A_860] : memref<3x128x128xf32, #tpu.memory_space<vmem>> -> memref<1x128x128xf32, #tpu.memory_space<vmem>>
    %dma_wait3A_862 = tpu.memref_squeeze %dma_wait3A_861 : memref<1x128x128xf32, #tpu.memory_space<vmem>> -> memref<128x128xf32, #tpu.memory_space<vmem>>
    tpu.wait_dma2 semaphore(%dma_wait3A_856 : memref<!tpu.dma_semaphore, #tpu.memory_space<semaphore_mem>>) src(%dma_wait3A_862 : memref<128x128xf32, #tpu.memory_space<vmem>>) dst(%dma_wait3A_858 : memref<128x128xf32, #tpu.memory_space<hbm>>)
    %dma_start3A_863 = arith.constant 15 : i32
    %dma_start3A_864 = arith.constant 0 : i32
    %dma_start3A_865 = arith.constant 0 : i32
    %dma_start3A_866 = arith.constant 0 : i32
    %dma_start3A_867 = arith.constant 0 : i32
    %dma_start3A_868 = tpu.memref_slice %arg6[%dma_start3A_864, %dma_start3A_866, %dma_start3A_867] : memref<3x128x128xf32, #tpu.memory_space<vmem>> -> memref<1x128x128xf32, #tpu.memory_space<vmem>>
    %dma_start3A_869 = tpu.memref_squeeze %dma_start3A_868 : memref<1x128x128xf32, #tpu.memory_space<vmem>> -> memref<128x128xf32, #tpu.memory_space<vmem>>
    %dma_start3A_870 = arith.constant 0 : i32
    %dma_start3A_871 = tpu.memref_slice %arg5[%dma_start3A_863, %dma_start3A_870] : memref<20x128xi32, #tpu.memory_space<vmem>> -> memref<1x128xi32, #tpu.memory_space<vmem>>
    %dma_start3A_872 = tpu.memref_squeeze %dma_start3A_871 : memref<1x128xi32, #tpu.memory_space<vmem>> -> memref<128xi32, #tpu.memory_space<vmem>>
    %dma_start3A_873 = arith.constant 0 : i32
    %dma_start3A_874 = arith.constant 0 : i32
    %dma_start3A_875 = tpu.memref_slice %arg2[%dma_start3A_873, %dma_start3A_874] : memref<10240x128xf32, #tpu.memory_space<hbm>> -> memref<10240x128xf32, #tpu.memory_space<hbm>>
    %dma_start3A_876 = tpu.memref_slice %arg7[%dma_start3A_865] : memref<3x!tpu.dma_semaphore, #tpu.memory_space<semaphore_mem>> -> memref<1x!tpu.dma_semaphore, #tpu.memory_space<semaphore_mem>>
    %dma_start3A_877 = tpu.memref_squeeze %dma_start3A_876 : memref<1x!tpu.dma_semaphore, #tpu.memory_space<semaphore_mem>> -> memref<!tpu.dma_semaphore, #tpu.memory_space<semaphore_mem>>
    tpu.enqueue_indirect_dma source(%dma_start3A_875 : memref<10240x128xf32, #tpu.memory_space<hbm>>) target(%dma_start3A_869 : memref<128x128xf32, #tpu.memory_space<vmem>>) offsets(%dma_start3A_872 : memref<128xi32, #tpu.memory_space<vmem>>) semaphore(%dma_start3A_877 : memref<!tpu.dma_semaphore, #tpu.memory_space<semaphore_mem>>)
    %dma_wait3A_878 = arith.constant 13 : i32
    %dma_wait3A_879 = arith.constant 1 : i32
    %dma_wait3A_880 = arith.constant 1 : i32
    %dma_wait3A_881 = arith.constant 0 : i32
    %dma_wait3A_882 = arith.constant 0 : i32
    %dma_wait3A_883 = tpu.memref_slice %arg6[%dma_wait3A_879, %dma_wait3A_881, %dma_wait3A_882] : memref<3x128x128xf32, #tpu.memory_space<vmem>> -> memref<1x128x128xf32, #tpu.memory_space<vmem>>
    %dma_wait3A_884 = tpu.memref_squeeze %dma_wait3A_883 : memref<1x128x128xf32, #tpu.memory_space<vmem>> -> memref<128x128xf32, #tpu.memory_space<vmem>>
    %dma_wait3A_885 = arith.constant 0 : i32
    %dma_wait3A_886 = tpu.memref_slice %arg5[%dma_wait3A_878, %dma_wait3A_885] : memref<20x128xi32, #tpu.memory_space<vmem>> -> memref<1x128xi32, #tpu.memory_space<vmem>>
    %dma_wait3A_887 = tpu.memref_squeeze %dma_wait3A_886 : memref<1x128xi32, #tpu.memory_space<vmem>> -> memref<128xi32, #tpu.memory_space<vmem>>
    %dma_wait3A_888 = arith.constant 0 : i32
    %dma_wait3A_889 = arith.constant 0 : i32
    %dma_wait3A_890 = tpu.memref_slice %arg2[%dma_wait3A_888, %dma_wait3A_889] : memref<10240x128xf32, #tpu.memory_space<hbm>> -> memref<10240x128xf32, #tpu.memory_space<hbm>>
    %dma_wait3A_891 = tpu.memref_slice %arg7[%dma_wait3A_880] : memref<3x!tpu.dma_semaphore, #tpu.memory_space<semaphore_mem>> -> memref<1x!tpu.dma_semaphore, #tpu.memory_space<semaphore_mem>>
    %dma_wait3A_892 = tpu.memref_squeeze %dma_wait3A_891 : memref<1x!tpu.dma_semaphore, #tpu.memory_space<semaphore_mem>> -> memref<!tpu.dma_semaphore, #tpu.memory_space<semaphore_mem>>
    tpu.wait_indirect_dma semaphore(%dma_wait3A_892 : memref<!tpu.dma_semaphore, #tpu.memory_space<semaphore_mem>>) src(%dma_wait3A_890 : memref<10240x128xf32, #tpu.memory_space<hbm>>) dst(%dma_wait3A_884 : memref<128x128xf32, #tpu.memory_space<vmem>>)
    %add3A_893 = arith.constant 1664 : i32
    %add3A_894 = arith.addi %mul3A_2, %add3A_893 : i32
    %dma_start3A_895 = arith.constant 1 : i32
    %dma_start3A_896 = arith.constant 1 : i32
    %dma_start3A_897 = arith.constant 0 : i32
    %dma_start3A_898 = arith.constant 0 : i32
    %dma_start3A_899 = tpu.memref_slice %arg6[%dma_start3A_895, %dma_start3A_897, %dma_start3A_898] : memref<3x128x128xf32, #tpu.memory_space<vmem>> -> memref<1x128x128xf32, #tpu.memory_space<vmem>>
    %dma_start3A_900 = tpu.memref_squeeze %dma_start3A_899 : memref<1x128x128xf32, #tpu.memory_space<vmem>> -> memref<128x128xf32, #tpu.memory_space<vmem>>
    %dma_start3A_901 = arith.constant 0 : i32
    %dma_start3A_902 = tpu.memref_slice %arg4[%add3A_894, %dma_start3A_901] : memref<81920x128xf32, #tpu.memory_space<hbm>> -> memref<128x128xf32, #tpu.memory_space<hbm>>
    %dma_start3A_903 = tpu.memref_slice %arg8[%dma_start3A_896] : memref<3x!tpu.dma_semaphore, #tpu.memory_space<semaphore_mem>> -> memref<1x!tpu.dma_semaphore, #tpu.memory_space<semaphore_mem>>
    %dma_start3A_904 = tpu.memref_squeeze %dma_start3A_903 : memref<1x!tpu.dma_semaphore, #tpu.memory_space<semaphore_mem>> -> memref<!tpu.dma_semaphore, #tpu.memory_space<semaphore_mem>>
    %dma_start3A_905 = arith.constant 0 : i32
    %dma_start3A_906 = tpu.memref_slice %arg4[%add3A_894, %dma_start3A_905] : memref<81920x128xf32, #tpu.memory_space<hbm>> -> memref<128x128xf32, #tpu.memory_space<hbm>>
    %dma_start3A_907 = arith.constant 0 : i32
    %dma_start3A_908 = arith.constant 0 : i32
    %dma_start3A_909 = tpu.memref_slice %arg6[%dma_start3A_895, %dma_start3A_907, %dma_start3A_908] : memref<3x128x128xf32, #tpu.memory_space<vmem>> -> memref<1x128x128xf32, #tpu.memory_space<vmem>>
    %dma_start3A_910 = tpu.memref_squeeze %dma_start3A_909 : memref<1x128x128xf32, #tpu.memory_space<vmem>> -> memref<128x128xf32, #tpu.memory_space<vmem>>
    tpu.enqueue_dma source(%dma_start3A_910 : memref<128x128xf32, #tpu.memory_space<vmem>>) target(%dma_start3A_906 : memref<128x128xf32, #tpu.memory_space<hbm>>) target_semaphore(%dma_start3A_904 : memref<!tpu.dma_semaphore, #tpu.memory_space<semaphore_mem>>)
    %dma_wait3A_911 = arith.constant 1 : i32
    %dma_wait3A_912 = arith.constant 1 : i32
    %dma_wait3A_913 = arith.constant 0 : i32
    %dma_wait3A_914 = arith.constant 0 : i32
    %dma_wait3A_915 = tpu.memref_slice %arg6[%dma_wait3A_911, %dma_wait3A_913, %dma_wait3A_914] : memref<3x128x128xf32, #tpu.memory_space<vmem>> -> memref<1x128x128xf32, #tpu.memory_space<vmem>>
    %dma_wait3A_916 = tpu.memref_squeeze %dma_wait3A_915 : memref<1x128x128xf32, #tpu.memory_space<vmem>> -> memref<128x128xf32, #tpu.memory_space<vmem>>
    %dma_wait3A_917 = arith.constant 0 : i32
    %dma_wait3A_918 = tpu.memref_slice %arg4[%add3A_894, %dma_wait3A_917] : memref<81920x128xf32, #tpu.memory_space<hbm>> -> memref<128x128xf32, #tpu.memory_space<hbm>>
    %dma_wait3A_919 = tpu.memref_slice %arg8[%dma_wait3A_912] : memref<3x!tpu.dma_semaphore, #tpu.memory_space<semaphore_mem>> -> memref<1x!tpu.dma_semaphore, #tpu.memory_space<semaphore_mem>>
    %dma_wait3A_920 = tpu.memref_squeeze %dma_wait3A_919 : memref<1x!tpu.dma_semaphore, #tpu.memory_space<semaphore_mem>> -> memref<!tpu.dma_semaphore, #tpu.memory_space<semaphore_mem>>
    %dma_wait3A_921 = arith.constant 0 : i32
    %dma_wait3A_922 = tpu.memref_slice %arg4[%add3A_894, %dma_wait3A_921] : memref<81920x128xf32, #tpu.memory_space<hbm>> -> memref<128x128xf32, #tpu.memory_space<hbm>>
    %dma_wait3A_923 = arith.constant 0 : i32
    %dma_wait3A_924 = arith.constant 0 : i32
    %dma_wait3A_925 = tpu.memref_slice %arg6[%dma_wait3A_911, %dma_wait3A_923, %dma_wait3A_924] : memref<3x128x128xf32, #tpu.memory_space<vmem>> -> memref<1x128x128xf32, #tpu.memory_space<vmem>>
    %dma_wait3A_926 = tpu.memref_squeeze %dma_wait3A_925 : memref<1x128x128xf32, #tpu.memory_space<vmem>> -> memref<128x128xf32, #tpu.memory_space<vmem>>
    tpu.wait_dma2 semaphore(%dma_wait3A_920 : memref<!tpu.dma_semaphore, #tpu.memory_space<semaphore_mem>>) src(%dma_wait3A_926 : memref<128x128xf32, #tpu.memory_space<vmem>>) dst(%dma_wait3A_922 : memref<128x128xf32, #tpu.memory_space<hbm>>)
    %dma_start3A_927 = arith.constant 16 : i32
    %dma_start3A_928 = arith.constant 1 : i32
    %dma_start3A_929 = arith.constant 1 : i32
    %dma_start3A_930 = arith.constant 0 : i32
    %dma_start3A_931 = arith.constant 0 : i32
    %dma_start3A_932 = tpu.memref_slice %arg6[%dma_start3A_928, %dma_start3A_930, %dma_start3A_931] : memref<3x128x128xf32, #tpu.memory_space<vmem>> -> memref<1x128x128xf32, #tpu.memory_space<vmem>>
    %dma_start3A_933 = tpu.memref_squeeze %dma_start3A_932 : memref<1x128x128xf32, #tpu.memory_space<vmem>> -> memref<128x128xf32, #tpu.memory_space<vmem>>
    %dma_start3A_934 = arith.constant 0 : i32
    %dma_start3A_935 = tpu.memref_slice %arg5[%dma_start3A_927, %dma_start3A_934] : memref<20x128xi32, #tpu.memory_space<vmem>> -> memref<1x128xi32, #tpu.memory_space<vmem>>
    %dma_start3A_936 = tpu.memref_squeeze %dma_start3A_935 : memref<1x128xi32, #tpu.memory_space<vmem>> -> memref<128xi32, #tpu.memory_space<vmem>>
    %dma_start3A_937 = arith.constant 0 : i32
    %dma_start3A_938 = arith.constant 0 : i32
    %dma_start3A_939 = tpu.memref_slice %arg2[%dma_start3A_937, %dma_start3A_938] : memref<10240x128xf32, #tpu.memory_space<hbm>> -> memref<10240x128xf32, #tpu.memory_space<hbm>>
    %dma_start3A_940 = tpu.memref_slice %arg7[%dma_start3A_929] : memref<3x!tpu.dma_semaphore, #tpu.memory_space<semaphore_mem>> -> memref<1x!tpu.dma_semaphore, #tpu.memory_space<semaphore_mem>>
    %dma_start3A_941 = tpu.memref_squeeze %dma_start3A_940 : memref<1x!tpu.dma_semaphore, #tpu.memory_space<semaphore_mem>> -> memref<!tpu.dma_semaphore, #tpu.memory_space<semaphore_mem>>
    tpu.enqueue_indirect_dma source(%dma_start3A_939 : memref<10240x128xf32, #tpu.memory_space<hbm>>) target(%dma_start3A_933 : memref<128x128xf32, #tpu.memory_space<vmem>>) offsets(%dma_start3A_936 : memref<128xi32, #tpu.memory_space<vmem>>) semaphore(%dma_start3A_941 : memref<!tpu.dma_semaphore, #tpu.memory_space<semaphore_mem>>)
    %dma_wait3A_942 = arith.constant 14 : i32
    %dma_wait3A_943 = arith.constant 2 : i32
    %dma_wait3A_944 = arith.constant 2 : i32
    %dma_wait3A_945 = arith.constant 0 : i32
    %dma_wait3A_946 = arith.constant 0 : i32
    %dma_wait3A_947 = tpu.memref_slice %arg6[%dma_wait3A_943, %dma_wait3A_945, %dma_wait3A_946] : memref<3x128x128xf32, #tpu.memory_space<vmem>> -> memref<1x128x128xf32, #tpu.memory_space<vmem>>
    %dma_wait3A_948 = tpu.memref_squeeze %dma_wait3A_947 : memref<1x128x128xf32, #tpu.memory_space<vmem>> -> memref<128x128xf32, #tpu.memory_space<vmem>>
    %dma_wait3A_949 = arith.constant 0 : i32
    %dma_wait3A_950 = tpu.memref_slice %arg5[%dma_wait3A_942, %dma_wait3A_949] : memref<20x128xi32, #tpu.memory_space<vmem>> -> memref<1x128xi32, #tpu.memory_space<vmem>>
    %dma_wait3A_951 = tpu.memref_squeeze %dma_wait3A_950 : memref<1x128xi32, #tpu.memory_space<vmem>> -> memref<128xi32, #tpu.memory_space<vmem>>
    %dma_wait3A_952 = arith.constant 0 : i32
    %dma_wait3A_953 = arith.constant 0 : i32
    %dma_wait3A_954 = tpu.memref_slice %arg2[%dma_wait3A_952, %dma_wait3A_953] : memref<10240x128xf32, #tpu.memory_space<hbm>> -> memref<10240x128xf32, #tpu.memory_space<hbm>>
    %dma_wait3A_955 = tpu.memref_slice %arg7[%dma_wait3A_944] : memref<3x!tpu.dma_semaphore, #tpu.memory_space<semaphore_mem>> -> memref<1x!tpu.dma_semaphore, #tpu.memory_space<semaphore_mem>>
    %dma_wait3A_956 = tpu.memref_squeeze %dma_wait3A_955 : memref<1x!tpu.dma_semaphore, #tpu.memory_space<semaphore_mem>> -> memref<!tpu.dma_semaphore, #tpu.memory_space<semaphore_mem>>
    tpu.wait_indirect_dma semaphore(%dma_wait3A_956 : memref<!tpu.dma_semaphore, #tpu.memory_space<semaphore_mem>>) src(%dma_wait3A_954 : memref<10240x128xf32, #tpu.memory_space<hbm>>) dst(%dma_wait3A_948 : memref<128x128xf32, #tpu.memory_space<vmem>>)
    %add3A_957 = arith.constant 1792 : i32
    %add3A_958 = arith.addi %mul3A_2, %add3A_957 : i32
    %dma_start3A_959 = arith.constant 2 : i32
    %dma_start3A_960 = arith.constant 2 : i32
    %dma_start3A_961 = arith.constant 0 : i32
    %dma_start3A_962 = arith.constant 0 : i32
    %dma_start3A_963 = tpu.memref_slice %arg6[%dma_start3A_959, %dma_start3A_961, %dma_start3A_962] : memref<3x128x128xf32, #tpu.memory_space<vmem>> -> memref<1x128x128xf32, #tpu.memory_space<vmem>>
    %dma_start3A_964 = tpu.memref_squeeze %dma_start3A_963 : memref<1x128x128xf32, #tpu.memory_space<vmem>> -> memref<128x128xf32, #tpu.memory_space<vmem>>
    %dma_start3A_965 = arith.constant 0 : i32
    %dma_start3A_966 = tpu.memref_slice %arg4[%add3A_958, %dma_start3A_965] : memref<81920x128xf32, #tpu.memory_space<hbm>> -> memref<128x128xf32, #tpu.memory_space<hbm>>
    %dma_start3A_967 = tpu.memref_slice %arg8[%dma_start3A_960] : memref<3x!tpu.dma_semaphore, #tpu.memory_space<semaphore_mem>> -> memref<1x!tpu.dma_semaphore, #tpu.memory_space<semaphore_mem>>
    %dma_start3A_968 = tpu.memref_squeeze %dma_start3A_967 : memref<1x!tpu.dma_semaphore, #tpu.memory_space<semaphore_mem>> -> memref<!tpu.dma_semaphore, #tpu.memory_space<semaphore_mem>>
    %dma_start3A_969 = arith.constant 0 : i32
    %dma_start3A_970 = tpu.memref_slice %arg4[%add3A_958, %dma_start3A_969] : memref<81920x128xf32, #tpu.memory_space<hbm>> -> memref<128x128xf32, #tpu.memory_space<hbm>>
    %dma_start3A_971 = arith.constant 0 : i32
    %dma_start3A_972 = arith.constant 0 : i32
    %dma_start3A_973 = tpu.memref_slice %arg6[%dma_start3A_959, %dma_start3A_971, %dma_start3A_972] : memref<3x128x128xf32, #tpu.memory_space<vmem>> -> memref<1x128x128xf32, #tpu.memory_space<vmem>>
    %dma_start3A_974 = tpu.memref_squeeze %dma_start3A_973 : memref<1x128x128xf32, #tpu.memory_space<vmem>> -> memref<128x128xf32, #tpu.memory_space<vmem>>
    tpu.enqueue_dma source(%dma_start3A_974 : memref<128x128xf32, #tpu.memory_space<vmem>>) target(%dma_start3A_970 : memref<128x128xf32, #tpu.memory_space<hbm>>) target_semaphore(%dma_start3A_968 : memref<!tpu.dma_semaphore, #tpu.memory_space<semaphore_mem>>)
    %dma_wait3A_975 = arith.constant 2 : i32
    %dma_wait3A_976 = arith.constant 2 : i32
    %dma_wait3A_977 = arith.constant 0 : i32
    %dma_wait3A_978 = arith.constant 0 : i32
    %dma_wait3A_979 = tpu.memref_slice %arg6[%dma_wait3A_975, %dma_wait3A_977, %dma_wait3A_978] : memref<3x128x128xf32, #tpu.memory_space<vmem>> -> memref<1x128x128xf32, #tpu.memory_space<vmem>>
    %dma_wait3A_980 = tpu.memref_squeeze %dma_wait3A_979 : memref<1x128x128xf32, #tpu.memory_space<vmem>> -> memref<128x128xf32, #tpu.memory_space<vmem>>
    %dma_wait3A_981 = arith.constant 0 : i32
    %dma_wait3A_982 = tpu.memref_slice %arg4[%add3A_958, %dma_wait3A_981] : memref<81920x128xf32, #tpu.memory_space<hbm>> -> memref<128x128xf32, #tpu.memory_space<hbm>>
    %dma_wait3A_983 = tpu.memref_slice %arg8[%dma_wait3A_976] : memref<3x!tpu.dma_semaphore, #tpu.memory_space<semaphore_mem>> -> memref<1x!tpu.dma_semaphore, #tpu.memory_space<semaphore_mem>>
    %dma_wait3A_984 = tpu.memref_squeeze %dma_wait3A_983 : memref<1x!tpu.dma_semaphore, #tpu.memory_space<semaphore_mem>> -> memref<!tpu.dma_semaphore, #tpu.memory_space<semaphore_mem>>
    %dma_wait3A_985 = arith.constant 0 : i32
    %dma_wait3A_986 = tpu.memref_slice %arg4[%add3A_958, %dma_wait3A_985] : memref<81920x128xf32, #tpu.memory_space<hbm>> -> memref<128x128xf32, #tpu.memory_space<hbm>>
    %dma_wait3A_987 = arith.constant 0 : i32
    %dma_wait3A_988 = arith.constant 0 : i32
    %dma_wait3A_989 = tpu.memref_slice %arg6[%dma_wait3A_975, %dma_wait3A_987, %dma_wait3A_988] : memref<3x128x128xf32, #tpu.memory_space<vmem>> -> memref<1x128x128xf32, #tpu.memory_space<vmem>>
    %dma_wait3A_990 = tpu.memref_squeeze %dma_wait3A_989 : memref<1x128x128xf32, #tpu.memory_space<vmem>> -> memref<128x128xf32, #tpu.memory_space<vmem>>
    tpu.wait_dma2 semaphore(%dma_wait3A_984 : memref<!tpu.dma_semaphore, #tpu.memory_space<semaphore_mem>>) src(%dma_wait3A_990 : memref<128x128xf32, #tpu.memory_space<vmem>>) dst(%dma_wait3A_986 : memref<128x128xf32, #tpu.memory_space<hbm>>)
    %dma_start3A_991 = arith.constant 17 : i32
    %dma_start3A_992 = arith.constant 2 : i32
    %dma_start3A_993 = arith.constant 2 : i32
    %dma_start3A_994 = arith.constant 0 : i32
    %dma_start3A_995 = arith.constant 0 : i32
    %dma_start3A_996 = tpu.memref_slice %arg6[%dma_start3A_992, %dma_start3A_994, %dma_start3A_995] : memref<3x128x128xf32, #tpu.memory_space<vmem>> -> memref<1x128x128xf32, #tpu.memory_space<vmem>>
    %dma_start3A_997 = tpu.memref_squeeze %dma_start3A_996 : memref<1x128x128xf32, #tpu.memory_space<vmem>> -> memref<128x128xf32, #tpu.memory_space<vmem>>
    %dma_start3A_998 = arith.constant 0 : i32
    %dma_start3A_999 = tpu.memref_slice %arg5[%dma_start3A_991, %dma_start3A_998] : memref<20x128xi32, #tpu.memory_space<vmem>> -> memref<1x128xi32, #tpu.memory_space<vmem>>
    %dma_start3A_1000 = tpu.memref_squeeze %dma_start3A_999 : memref<1x128xi32, #tpu.memory_space<vmem>> -> memref<128xi32, #tpu.memory_space<vmem>>
    %dma_start3A_1001 = arith.constant 0 : i32
    %dma_start3A_1002 = arith.constant 0 : i32
    %dma_start3A_1003 = tpu.memref_slice %arg2[%dma_start3A_1001, %dma_start3A_1002] : memref<10240x128xf32, #tpu.memory_space<hbm>> -> memref<10240x128xf32, #tpu.memory_space<hbm>>
    %dma_start3A_1004 = tpu.memref_slice %arg7[%dma_start3A_993] : memref<3x!tpu.dma_semaphore, #tpu.memory_space<semaphore_mem>> -> memref<1x!tpu.dma_semaphore, #tpu.memory_space<semaphore_mem>>
    %dma_start3A_1005 = tpu.memref_squeeze %dma_start3A_1004 : memref<1x!tpu.dma_semaphore, #tpu.memory_space<semaphore_mem>> -> memref<!tpu.dma_semaphore, #tpu.memory_space<semaphore_mem>>
    tpu.enqueue_indirect_dma source(%dma_start3A_1003 : memref<10240x128xf32, #tpu.memory_space<hbm>>) target(%dma_start3A_997 : memref<128x128xf32, #tpu.memory_space<vmem>>) offsets(%dma_start3A_1000 : memref<128xi32, #tpu.memory_space<vmem>>) semaphore(%dma_start3A_1005 : memref<!tpu.dma_semaphore, #tpu.memory_space<semaphore_mem>>)
    %dma_wait3A_1006 = arith.constant 15 : i32
    %dma_wait3A_1007 = arith.constant 0 : i32
    %dma_wait3A_1008 = arith.constant 0 : i32
    %dma_wait3A_1009 = arith.constant 0 : i32
    %dma_wait3A_1010 = arith.constant 0 : i32
    %dma_wait3A_1011 = tpu.memref_slice %arg6[%dma_wait3A_1007, %dma_wait3A_1009, %dma_wait3A_1010] : memref<3x128x128xf32, #tpu.memory_space<vmem>> -> memref<1x128x128xf32, #tpu.memory_space<vmem>>
    %dma_wait3A_1012 = tpu.memref_squeeze %dma_wait3A_1011 : memref<1x128x128xf32, #tpu.memory_space<vmem>> -> memref<128x128xf32, #tpu.memory_space<vmem>>
    %dma_wait3A_1013 = arith.constant 0 : i32
    %dma_wait3A_1014 = tpu.memref_slice %arg5[%dma_wait3A_1006, %dma_wait3A_1013] : memref<20x128xi32, #tpu.memory_space<vmem>> -> memref<1x128xi32, #tpu.memory_space<vmem>>
    %dma_wait3A_1015 = tpu.memref_squeeze %dma_wait3A_1014 : memref<1x128xi32, #tpu.memory_space<vmem>> -> memref<128xi32, #tpu.memory_space<vmem>>
    %dma_wait3A_1016 = arith.constant 0 : i32
    %dma_wait3A_1017 = arith.constant 0 : i32
    %dma_wait3A_1018 = tpu.memref_slice %arg2[%dma_wait3A_1016, %dma_wait3A_1017] : memref<10240x128xf32, #tpu.memory_space<hbm>> -> memref<10240x128xf32, #tpu.memory_space<hbm>>
    %dma_wait3A_1019 = tpu.memref_slice %arg7[%dma_wait3A_1008] : memref<3x!tpu.dma_semaphore, #tpu.memory_space<semaphore_mem>> -> memref<1x!tpu.dma_semaphore, #tpu.memory_space<semaphore_mem>>
    %dma_wait3A_1020 = tpu.memref_squeeze %dma_wait3A_1019 : memref<1x!tpu.dma_semaphore, #tpu.memory_space<semaphore_mem>> -> memref<!tpu.dma_semaphore, #tpu.memory_space<semaphore_mem>>
    tpu.wait_indirect_dma semaphore(%dma_wait3A_1020 : memref<!tpu.dma_semaphore, #tpu.memory_space<semaphore_mem>>) src(%dma_wait3A_1018 : memref<10240x128xf32, #tpu.memory_space<hbm>>) dst(%dma_wait3A_1012 : memref<128x128xf32, #tpu.memory_space<vmem>>)
    %add3A_1021 = arith.constant 1920 : i32
    %add3A_1022 = arith.addi %mul3A_2, %add3A_1021 : i32
    %dma_start3A_1023 = arith.constant 0 : i32
    %dma_start3A_1024 = arith.constant 0 : i32
    %dma_start3A_1025 = arith.constant 0 : i32
    %dma_start3A_1026 = arith.constant 0 : i32
    %dma_start3A_1027 = tpu.memref_slice %arg6[%dma_start3A_1023, %dma_start3A_1025, %dma_start3A_1026] : memref<3x128x128xf32, #tpu.memory_space<vmem>> -> memref<1x128x128xf32, #tpu.memory_space<vmem>>
    %dma_start3A_1028 = tpu.memref_squeeze %dma_start3A_1027 : memref<1x128x128xf32, #tpu.memory_space<vmem>> -> memref<128x128xf32, #tpu.memory_space<vmem>>
    %dma_start3A_1029 = arith.constant 0 : i32
    %dma_start3A_1030 = tpu.memref_slice %arg4[%add3A_1022, %dma_start3A_1029] : memref<81920x128xf32, #tpu.memory_space<hbm>> -> memref<128x128xf32, #tpu.memory_space<hbm>>
    %dma_start3A_1031 = tpu.memref_slice %arg8[%dma_start3A_1024] : memref<3x!tpu.dma_semaphore, #tpu.memory_space<semaphore_mem>> -> memref<1x!tpu.dma_semaphore, #tpu.memory_space<semaphore_mem>>
    %dma_start3A_1032 = tpu.memref_squeeze %dma_start3A_1031 : memref<1x!tpu.dma_semaphore, #tpu.memory_space<semaphore_mem>> -> memref<!tpu.dma_semaphore, #tpu.memory_space<semaphore_mem>>
    %dma_start3A_1033 = arith.constant 0 : i32
    %dma_start3A_1034 = tpu.memref_slice %arg4[%add3A_1022, %dma_start3A_1033] : memref<81920x128xf32, #tpu.memory_space<hbm>> -> memref<128x128xf32, #tpu.memory_space<hbm>>
    %dma_start3A_1035 = arith.constant 0 : i32
    %dma_start3A_1036 = arith.constant 0 : i32
    %dma_start3A_1037 = tpu.memref_slice %arg6[%dma_start3A_1023, %dma_start3A_1035, %dma_start3A_1036] : memref<3x128x128xf32, #tpu.memory_space<vmem>> -> memref<1x128x128xf32, #tpu.memory_space<vmem>>
    %dma_start3A_1038 = tpu.memref_squeeze %dma_start3A_1037 : memref<1x128x128xf32, #tpu.memory_space<vmem>> -> memref<128x128xf32, #tpu.memory_space<vmem>>
    tpu.enqueue_dma source(%dma_start3A_1038 : memref<128x128xf32, #tpu.memory_space<vmem>>) target(%dma_start3A_1034 : memref<128x128xf32, #tpu.memory_space<hbm>>) target_semaphore(%dma_start3A_1032 : memref<!tpu.dma_semaphore, #tpu.memory_space<semaphore_mem>>)
    %dma_wait3A_1039 = arith.constant 0 : i32
    %dma_wait3A_1040 = arith.constant 0 : i32
    %dma_wait3A_1041 = arith.constant 0 : i32
    %dma_wait3A_1042 = arith.constant 0 : i32
    %dma_wait3A_1043 = tpu.memref_slice %arg6[%dma_wait3A_1039, %dma_wait3A_1041, %dma_wait3A_1042] : memref<3x128x128xf32, #tpu.memory_space<vmem>> -> memref<1x128x128xf32, #tpu.memory_space<vmem>>
    %dma_wait3A_1044 = tpu.memref_squeeze %dma_wait3A_1043 : memref<1x128x128xf32, #tpu.memory_space<vmem>> -> memref<128x128xf32, #tpu.memory_space<vmem>>
    %dma_wait3A_1045 = arith.constant 0 : i32
    %dma_wait3A_1046 = tpu.memref_slice %arg4[%add3A_1022, %dma_wait3A_1045] : memref<81920x128xf32, #tpu.memory_space<hbm>> -> memref<128x128xf32, #tpu.memory_space<hbm>>
    %dma_wait3A_1047 = tpu.memref_slice %arg8[%dma_wait3A_1040] : memref<3x!tpu.dma_semaphore, #tpu.memory_space<semaphore_mem>> -> memref<1x!tpu.dma_semaphore, #tpu.memory_space<semaphore_mem>>
    %dma_wait3A_1048 = tpu.memref_squeeze %dma_wait3A_1047 : memref<1x!tpu.dma_semaphore, #tpu.memory_space<semaphore_mem>> -> memref<!tpu.dma_semaphore, #tpu.memory_space<semaphore_mem>>
    %dma_wait3A_1049 = arith.constant 0 : i32
    %dma_wait3A_1050 = tpu.memref_slice %arg4[%add3A_1022, %dma_wait3A_1049] : memref<81920x128xf32, #tpu.memory_space<hbm>> -> memref<128x128xf32, #tpu.memory_space<hbm>>
    %dma_wait3A_1051 = arith.constant 0 : i32
    %dma_wait3A_1052 = arith.constant 0 : i32
    %dma_wait3A_1053 = tpu.memref_slice %arg6[%dma_wait3A_1039, %dma_wait3A_1051, %dma_wait3A_1052] : memref<3x128x128xf32, #tpu.memory_space<vmem>> -> memref<1x128x128xf32, #tpu.memory_space<vmem>>
    %dma_wait3A_1054 = tpu.memref_squeeze %dma_wait3A_1053 : memref<1x128x128xf32, #tpu.memory_space<vmem>> -> memref<128x128xf32, #tpu.memory_space<vmem>>
    tpu.wait_dma2 semaphore(%dma_wait3A_1048 : memref<!tpu.dma_semaphore, #tpu.memory_space<semaphore_mem>>) src(%dma_wait3A_1054 : memref<128x128xf32, #tpu.memory_space<vmem>>) dst(%dma_wait3A_1050 : memref<128x128xf32, #tpu.memory_space<hbm>>)
    %dma_start3A_1055 = arith.constant 18 : i32
    %dma_start3A_1056 = arith.constant 0 : i32
    %dma_start3A_1057 = arith.constant 0 : i32
    %dma_start3A_1058 = arith.constant 0 : i32
    %dma_start3A_1059 = arith.constant 0 : i32
    %dma_start3A_1060 = tpu.memref_slice %arg6[%dma_start3A_1056, %dma_start3A_1058, %dma_start3A_1059] : memref<3x128x128xf32, #tpu.memory_space<vmem>> -> memref<1x128x128xf32, #tpu.memory_space<vmem>>
    %dma_start3A_1061 = tpu.memref_squeeze %dma_start3A_1060 : memref<1x128x128xf32, #tpu.memory_space<vmem>> -> memref<128x128xf32, #tpu.memory_space<vmem>>
    %dma_start3A_1062 = arith.constant 0 : i32
    %dma_start3A_1063 = tpu.memref_slice %arg5[%dma_start3A_1055, %dma_start3A_1062] : memref<20x128xi32, #tpu.memory_space<vmem>> -> memref<1x128xi32, #tpu.memory_space<vmem>>
    %dma_start3A_1064 = tpu.memref_squeeze %dma_start3A_1063 : memref<1x128xi32, #tpu.memory_space<vmem>> -> memref<128xi32, #tpu.memory_space<vmem>>
    %dma_start3A_1065 = arith.constant 0 : i32
    %dma_start3A_1066 = arith.constant 0 : i32
    %dma_start3A_1067 = tpu.memref_slice %arg2[%dma_start3A_1065, %dma_start3A_1066] : memref<10240x128xf32, #tpu.memory_space<hbm>> -> memref<10240x128xf32, #tpu.memory_space<hbm>>
    %dma_start3A_1068 = tpu.memref_slice %arg7[%dma_start3A_1057] : memref<3x!tpu.dma_semaphore, #tpu.memory_space<semaphore_mem>> -> memref<1x!tpu.dma_semaphore, #tpu.memory_space<semaphore_mem>>
    %dma_start3A_1069 = tpu.memref_squeeze %dma_start3A_1068 : memref<1x!tpu.dma_semaphore, #tpu.memory_space<semaphore_mem>> -> memref<!tpu.dma_semaphore, #tpu.memory_space<semaphore_mem>>
    tpu.enqueue_indirect_dma source(%dma_start3A_1067 : memref<10240x128xf32, #tpu.memory_space<hbm>>) target(%dma_start3A_1061 : memref<128x128xf32, #tpu.memory_space<vmem>>) offsets(%dma_start3A_1064 : memref<128xi32, #tpu.memory_space<vmem>>) semaphore(%dma_start3A_1069 : memref<!tpu.dma_semaphore, #tpu.memory_space<semaphore_mem>>)
    %dma_wait3A_1070 = arith.constant 16 : i32
    %dma_wait3A_1071 = arith.constant 1 : i32
    %dma_wait3A_1072 = arith.constant 1 : i32
    %dma_wait3A_1073 = arith.constant 0 : i32
    %dma_wait3A_1074 = arith.constant 0 : i32
    %dma_wait3A_1075 = tpu.memref_slice %arg6[%dma_wait3A_1071, %dma_wait3A_1073, %dma_wait3A_1074] : memref<3x128x128xf32, #tpu.memory_space<vmem>> -> memref<1x128x128xf32, #tpu.memory_space<vmem>>
    %dma_wait3A_1076 = tpu.memref_squeeze %dma_wait3A_1075 : memref<1x128x128xf32, #tpu.memory_space<vmem>> -> memref<128x128xf32, #tpu.memory_space<vmem>>
    %dma_wait3A_1077 = arith.constant 0 : i32
    %dma_wait3A_1078 = tpu.memref_slice %arg5[%dma_wait3A_1070, %dma_wait3A_1077] : memref<20x128xi32, #tpu.memory_space<vmem>> -> memref<1x128xi32, #tpu.memory_space<vmem>>
    %dma_wait3A_1079 = tpu.memref_squeeze %dma_wait3A_1078 : memref<1x128xi32, #tpu.memory_space<vmem>> -> memref<128xi32, #tpu.memory_space<vmem>>
    %dma_wait3A_1080 = arith.constant 0 : i32
    %dma_wait3A_1081 = arith.constant 0 : i32
    %dma_wait3A_1082 = tpu.memref_slice %arg2[%dma_wait3A_1080, %dma_wait3A_1081] : memref<10240x128xf32, #tpu.memory_space<hbm>> -> memref<10240x128xf32, #tpu.memory_space<hbm>>
    %dma_wait3A_1083 = tpu.memref_slice %arg7[%dma_wait3A_1072] : memref<3x!tpu.dma_semaphore, #tpu.memory_space<semaphore_mem>> -> memref<1x!tpu.dma_semaphore, #tpu.memory_space<semaphore_mem>>
    %dma_wait3A_1084 = tpu.memref_squeeze %dma_wait3A_1083 : memref<1x!tpu.dma_semaphore, #tpu.memory_space<semaphore_mem>> -> memref<!tpu.dma_semaphore, #tpu.memory_space<semaphore_mem>>
    tpu.wait_indirect_dma semaphore(%dma_wait3A_1084 : memref<!tpu.dma_semaphore, #tpu.memory_space<semaphore_mem>>) src(%dma_wait3A_1082 : memref<10240x128xf32, #tpu.memory_space<hbm>>) dst(%dma_wait3A_1076 : memref<128x128xf32, #tpu.memory_space<vmem>>)
    %add3A_1085 = arith.constant 2048 : i32
    %add3A_1086 = arith.addi %mul3A_2, %add3A_1085 : i32
    %dma_start3A_1087 = arith.constant 1 : i32
    %dma_start3A_1088 = arith.constant 1 : i32
    %dma_start3A_1089 = arith.constant 0 : i32
    %dma_start3A_1090 = arith.constant 0 : i32
    %dma_start3A_1091 = tpu.memref_slice %arg6[%dma_start3A_1087, %dma_start3A_1089, %dma_start3A_1090] : memref<3x128x128xf32, #tpu.memory_space<vmem>> -> memref<1x128x128xf32, #tpu.memory_space<vmem>>
    %dma_start3A_1092 = tpu.memref_squeeze %dma_start3A_1091 : memref<1x128x128xf32, #tpu.memory_space<vmem>> -> memref<128x128xf32, #tpu.memory_space<vmem>>
    %dma_start3A_1093 = arith.constant 0 : i32
    %dma_start3A_1094 = tpu.memref_slice %arg4[%add3A_1086, %dma_start3A_1093] : memref<81920x128xf32, #tpu.memory_space<hbm>> -> memref<128x128xf32, #tpu.memory_space<hbm>>
    %dma_start3A_1095 = tpu.memref_slice %arg8[%dma_start3A_1088] : memref<3x!tpu.dma_semaphore, #tpu.memory_space<semaphore_mem>> -> memref<1x!tpu.dma_semaphore, #tpu.memory_space<semaphore_mem>>
    %dma_start3A_1096 = tpu.memref_squeeze %dma_start3A_1095 : memref<1x!tpu.dma_semaphore, #tpu.memory_space<semaphore_mem>> -> memref<!tpu.dma_semaphore, #tpu.memory_space<semaphore_mem>>
    %dma_start3A_1097 = arith.constant 0 : i32
    %dma_start3A_1098 = tpu.memref_slice %arg4[%add3A_1086, %dma_start3A_1097] : memref<81920x128xf32, #tpu.memory_space<hbm>> -> memref<128x128xf32, #tpu.memory_space<hbm>>
    %dma_start3A_1099 = arith.constant 0 : i32
    %dma_start3A_1100 = arith.constant 0 : i32
    %dma_start3A_1101 = tpu.memref_slice %arg6[%dma_start3A_1087, %dma_start3A_1099, %dma_start3A_1100] : memref<3x128x128xf32, #tpu.memory_space<vmem>> -> memref<1x128x128xf32, #tpu.memory_space<vmem>>
    %dma_start3A_1102 = tpu.memref_squeeze %dma_start3A_1101 : memref<1x128x128xf32, #tpu.memory_space<vmem>> -> memref<128x128xf32, #tpu.memory_space<vmem>>
    tpu.enqueue_dma source(%dma_start3A_1102 : memref<128x128xf32, #tpu.memory_space<vmem>>) target(%dma_start3A_1098 : memref<128x128xf32, #tpu.memory_space<hbm>>) target_semaphore(%dma_start3A_1096 : memref<!tpu.dma_semaphore, #tpu.memory_space<semaphore_mem>>)
    %dma_wait3A_1103 = arith.constant 1 : i32
    %dma_wait3A_1104 = arith.constant 1 : i32
    %dma_wait3A_1105 = arith.constant 0 : i32
    %dma_wait3A_1106 = arith.constant 0 : i32
    %dma_wait3A_1107 = tpu.memref_slice %arg6[%dma_wait3A_1103, %dma_wait3A_1105, %dma_wait3A_1106] : memref<3x128x128xf32, #tpu.memory_space<vmem>> -> memref<1x128x128xf32, #tpu.memory_space<vmem>>
    %dma_wait3A_1108 = tpu.memref_squeeze %dma_wait3A_1107 : memref<1x128x128xf32, #tpu.memory_space<vmem>> -> memref<128x128xf32, #tpu.memory_space<vmem>>
    %dma_wait3A_1109 = arith.constant 0 : i32
    %dma_wait3A_1110 = tpu.memref_slice %arg4[%add3A_1086, %dma_wait3A_1109] : memref<81920x128xf32, #tpu.memory_space<hbm>> -> memref<128x128xf32, #tpu.memory_space<hbm>>
    %dma_wait3A_1111 = tpu.memref_slice %arg8[%dma_wait3A_1104] : memref<3x!tpu.dma_semaphore, #tpu.memory_space<semaphore_mem>> -> memref<1x!tpu.dma_semaphore, #tpu.memory_space<semaphore_mem>>
    %dma_wait3A_1112 = tpu.memref_squeeze %dma_wait3A_1111 : memref<1x!tpu.dma_semaphore, #tpu.memory_space<semaphore_mem>> -> memref<!tpu.dma_semaphore, #tpu.memory_space<semaphore_mem>>
    %dma_wait3A_1113 = arith.constant 0 : i32
    %dma_wait3A_1114 = tpu.memref_slice %arg4[%add3A_1086, %dma_wait3A_1113] : memref<81920x128xf32, #tpu.memory_space<hbm>> -> memref<128x128xf32, #tpu.memory_space<hbm>>
    %dma_wait3A_1115 = arith.constant 0 : i32
    %dma_wait3A_1116 = arith.constant 0 : i32
    %dma_wait3A_1117 = tpu.memref_slice %arg6[%dma_wait3A_1103, %dma_wait3A_1115, %dma_wait3A_1116] : memref<3x128x128xf32, #tpu.memory_space<vmem>> -> memref<1x128x128xf32, #tpu.memory_space<vmem>>
    %dma_wait3A_1118 = tpu.memref_squeeze %dma_wait3A_1117 : memref<1x128x128xf32, #tpu.memory_space<vmem>> -> memref<128x128xf32, #tpu.memory_space<vmem>>
    tpu.wait_dma2 semaphore(%dma_wait3A_1112 : memref<!tpu.dma_semaphore, #tpu.memory_space<semaphore_mem>>) src(%dma_wait3A_1118 : memref<128x128xf32, #tpu.memory_space<vmem>>) dst(%dma_wait3A_1114 : memref<128x128xf32, #tpu.memory_space<hbm>>)
    %dma_start3A_1119 = arith.constant 19 : i32
    %dma_start3A_1120 = arith.constant 1 : i32
    %dma_start3A_1121 = arith.constant 1 : i32
    %dma_start3A_1122 = arith.constant 0 : i32
    %dma_start3A_1123 = arith.constant 0 : i32
    %dma_start3A_1124 = tpu.memref_slice %arg6[%dma_start3A_1120, %dma_start3A_1122, %dma_start3A_1123] : memref<3x128x128xf32, #tpu.memory_space<vmem>> -> memref<1x128x128xf32, #tpu.memory_space<vmem>>
    %dma_start3A_1125 = tpu.memref_squeeze %dma_start3A_1124 : memref<1x128x128xf32, #tpu.memory_space<vmem>> -> memref<128x128xf32, #tpu.memory_space<vmem>>
    %dma_start3A_1126 = arith.constant 0 : i32
    %dma_start3A_1127 = tpu.memref_slice %arg5[%dma_start3A_1119, %dma_start3A_1126] : memref<20x128xi32, #tpu.memory_space<vmem>> -> memref<1x128xi32, #tpu.memory_space<vmem>>
    %dma_start3A_1128 = tpu.memref_squeeze %dma_start3A_1127 : memref<1x128xi32, #tpu.memory_space<vmem>> -> memref<128xi32, #tpu.memory_space<vmem>>
    %dma_start3A_1129 = arith.constant 0 : i32
    %dma_start3A_1130 = arith.constant 0 : i32
    %dma_start3A_1131 = tpu.memref_slice %arg2[%dma_start3A_1129, %dma_start3A_1130] : memref<10240x128xf32, #tpu.memory_space<hbm>> -> memref<10240x128xf32, #tpu.memory_space<hbm>>
    %dma_start3A_1132 = tpu.memref_slice %arg7[%dma_start3A_1121] : memref<3x!tpu.dma_semaphore, #tpu.memory_space<semaphore_mem>> -> memref<1x!tpu.dma_semaphore, #tpu.memory_space<semaphore_mem>>
    %dma_start3A_1133 = tpu.memref_squeeze %dma_start3A_1132 : memref<1x!tpu.dma_semaphore, #tpu.memory_space<semaphore_mem>> -> memref<!tpu.dma_semaphore, #tpu.memory_space<semaphore_mem>>
    tpu.enqueue_indirect_dma source(%dma_start3A_1131 : memref<10240x128xf32, #tpu.memory_space<hbm>>) target(%dma_start3A_1125 : memref<128x128xf32, #tpu.memory_space<vmem>>) offsets(%dma_start3A_1128 : memref<128xi32, #tpu.memory_space<vmem>>) semaphore(%dma_start3A_1133 : memref<!tpu.dma_semaphore, #tpu.memory_space<semaphore_mem>>)
    %dma_wait3A_1134 = arith.constant 17 : i32
    %dma_wait3A_1135 = arith.constant 2 : i32
    %dma_wait3A_1136 = arith.constant 2 : i32
    %dma_wait3A_1137 = arith.constant 0 : i32
    %dma_wait3A_1138 = arith.constant 0 : i32
    %dma_wait3A_1139 = tpu.memref_slice %arg6[%dma_wait3A_1135, %dma_wait3A_1137, %dma_wait3A_1138] : memref<3x128x128xf32, #tpu.memory_space<vmem>> -> memref<1x128x128xf32, #tpu.memory_space<vmem>>
    %dma_wait3A_1140 = tpu.memref_squeeze %dma_wait3A_1139 : memref<1x128x128xf32, #tpu.memory_space<vmem>> -> memref<128x128xf32, #tpu.memory_space<vmem>>
    %dma_wait3A_1141 = arith.constant 0 : i32
    %dma_wait3A_1142 = tpu.memref_slice %arg5[%dma_wait3A_1134, %dma_wait3A_1141] : memref<20x128xi32, #tpu.memory_space<vmem>> -> memref<1x128xi32, #tpu.memory_space<vmem>>
    %dma_wait3A_1143 = tpu.memref_squeeze %dma_wait3A_1142 : memref<1x128xi32, #tpu.memory_space<vmem>> -> memref<128xi32, #tpu.memory_space<vmem>>
    %dma_wait3A_1144 = arith.constant 0 : i32
    %dma_wait3A_1145 = arith.constant 0 : i32
    %dma_wait3A_1146 = tpu.memref_slice %arg2[%dma_wait3A_1144, %dma_wait3A_1145] : memref<10240x128xf32, #tpu.memory_space<hbm>> -> memref<10240x128xf32, #tpu.memory_space<hbm>>
    %dma_wait3A_1147 = tpu.memref_slice %arg7[%dma_wait3A_1136] : memref<3x!tpu.dma_semaphore, #tpu.memory_space<semaphore_mem>> -> memref<1x!tpu.dma_semaphore, #tpu.memory_space<semaphore_mem>>
    %dma_wait3A_1148 = tpu.memref_squeeze %dma_wait3A_1147 : memref<1x!tpu.dma_semaphore, #tpu.memory_space<semaphore_mem>> -> memref<!tpu.dma_semaphore, #tpu.memory_space<semaphore_mem>>
    tpu.wait_indirect_dma semaphore(%dma_wait3A_1148 : memref<!tpu.dma_semaphore, #tpu.memory_space<semaphore_mem>>) src(%dma_wait3A_1146 : memref<10240x128xf32, #tpu.memory_space<hbm>>) dst(%dma_wait3A_1140 : memref<128x128xf32, #tpu.memory_space<vmem>>)
    %add3A_1149 = arith.constant 2176 : i32
    %add3A_1150 = arith.addi %mul3A_2, %add3A_1149 : i32
    %dma_start3A_1151 = arith.constant 2 : i32
    %dma_start3A_1152 = arith.constant 2 : i32
    %dma_start3A_1153 = arith.constant 0 : i32
    %dma_start3A_1154 = arith.constant 0 : i32
    %dma_start3A_1155 = tpu.memref_slice %arg6[%dma_start3A_1151, %dma_start3A_1153, %dma_start3A_1154] : memref<3x128x128xf32, #tpu.memory_space<vmem>> -> memref<1x128x128xf32, #tpu.memory_space<vmem>>
    %dma_start3A_1156 = tpu.memref_squeeze %dma_start3A_1155 : memref<1x128x128xf32, #tpu.memory_space<vmem>> -> memref<128x128xf32, #tpu.memory_space<vmem>>
    %dma_start3A_1157 = arith.constant 0 : i32
    %dma_start3A_1158 = tpu.memref_slice %arg4[%add3A_1150, %dma_start3A_1157] : memref<81920x128xf32, #tpu.memory_space<hbm>> -> memref<128x128xf32, #tpu.memory_space<hbm>>
    %dma_start3A_1159 = tpu.memref_slice %arg8[%dma_start3A_1152] : memref<3x!tpu.dma_semaphore, #tpu.memory_space<semaphore_mem>> -> memref<1x!tpu.dma_semaphore, #tpu.memory_space<semaphore_mem>>
    %dma_start3A_1160 = tpu.memref_squeeze %dma_start3A_1159 : memref<1x!tpu.dma_semaphore, #tpu.memory_space<semaphore_mem>> -> memref<!tpu.dma_semaphore, #tpu.memory_space<semaphore_mem>>
    %dma_start3A_1161 = arith.constant 0 : i32
    %dma_start3A_1162 = tpu.memref_slice %arg4[%add3A_1150, %dma_start3A_1161] : memref<81920x128xf32, #tpu.memory_space<hbm>> -> memref<128x128xf32, #tpu.memory_space<hbm>>
    %dma_start3A_1163 = arith.constant 0 : i32
    %dma_start3A_1164 = arith.constant 0 : i32
    %dma_start3A_1165 = tpu.memref_slice %arg6[%dma_start3A_1151, %dma_start3A_1163, %dma_start3A_1164] : memref<3x128x128xf32, #tpu.memory_space<vmem>> -> memref<1x128x128xf32, #tpu.memory_space<vmem>>
    %dma_start3A_1166 = tpu.memref_squeeze %dma_start3A_1165 : memref<1x128x128xf32, #tpu.memory_space<vmem>> -> memref<128x128xf32, #tpu.memory_space<vmem>>
    tpu.enqueue_dma source(%dma_start3A_1166 : memref<128x128xf32, #tpu.memory_space<vmem>>) target(%dma_start3A_1162 : memref<128x128xf32, #tpu.memory_space<hbm>>) target_semaphore(%dma_start3A_1160 : memref<!tpu.dma_semaphore, #tpu.memory_space<semaphore_mem>>)
    %dma_wait3A_1167 = arith.constant 2 : i32
    %dma_wait3A_1168 = arith.constant 2 : i32
    %dma_wait3A_1169 = arith.constant 0 : i32
    %dma_wait3A_1170 = arith.constant 0 : i32
    %dma_wait3A_1171 = tpu.memref_slice %arg6[%dma_wait3A_1167, %dma_wait3A_1169, %dma_wait3A_1170] : memref<3x128x128xf32, #tpu.memory_space<vmem>> -> memref<1x128x128xf32, #tpu.memory_space<vmem>>
    %dma_wait3A_1172 = tpu.memref_squeeze %dma_wait3A_1171 : memref<1x128x128xf32, #tpu.memory_space<vmem>> -> memref<128x128xf32, #tpu.memory_space<vmem>>
    %dma_wait3A_1173 = arith.constant 0 : i32
    %dma_wait3A_1174 = tpu.memref_slice %arg4[%add3A_1150, %dma_wait3A_1173] : memref<81920x128xf32, #tpu.memory_space<hbm>> -> memref<128x128xf32, #tpu.memory_space<hbm>>
    %dma_wait3A_1175 = tpu.memref_slice %arg8[%dma_wait3A_1168] : memref<3x!tpu.dma_semaphore, #tpu.memory_space<semaphore_mem>> -> memref<1x!tpu.dma_semaphore, #tpu.memory_space<semaphore_mem>>
    %dma_wait3A_1176 = tpu.memref_squeeze %dma_wait3A_1175 : memref<1x!tpu.dma_semaphore, #tpu.memory_space<semaphore_mem>> -> memref<!tpu.dma_semaphore, #tpu.memory_space<semaphore_mem>>
    %dma_wait3A_1177 = arith.constant 0 : i32
    %dma_wait3A_1178 = tpu.memref_slice %arg4[%add3A_1150, %dma_wait3A_1177] : memref<81920x128xf32, #tpu.memory_space<hbm>> -> memref<128x128xf32, #tpu.memory_space<hbm>>
    %dma_wait3A_1179 = arith.constant 0 : i32
    %dma_wait3A_1180 = arith.constant 0 : i32
    %dma_wait3A_1181 = tpu.memref_slice %arg6[%dma_wait3A_1167, %dma_wait3A_1179, %dma_wait3A_1180] : memref<3x128x128xf32, #tpu.memory_space<vmem>> -> memref<1x128x128xf32, #tpu.memory_space<vmem>>
    %dma_wait3A_1182 = tpu.memref_squeeze %dma_wait3A_1181 : memref<1x128x128xf32, #tpu.memory_space<vmem>> -> memref<128x128xf32, #tpu.memory_space<vmem>>
    tpu.wait_dma2 semaphore(%dma_wait3A_1176 : memref<!tpu.dma_semaphore, #tpu.memory_space<semaphore_mem>>) src(%dma_wait3A_1182 : memref<128x128xf32, #tpu.memory_space<vmem>>) dst(%dma_wait3A_1178 : memref<128x128xf32, #tpu.memory_space<hbm>>)
    %dma_wait3A_1183 = arith.constant 18 : i32
    %dma_wait3A_1184 = arith.constant 0 : i32
    %dma_wait3A_1185 = arith.constant 0 : i32
    %dma_wait3A_1186 = arith.constant 0 : i32
    %dma_wait3A_1187 = arith.constant 0 : i32
    %dma_wait3A_1188 = tpu.memref_slice %arg6[%dma_wait3A_1184, %dma_wait3A_1186, %dma_wait3A_1187] : memref<3x128x128xf32, #tpu.memory_space<vmem>> -> memref<1x128x128xf32, #tpu.memory_space<vmem>>
    %dma_wait3A_1189 = tpu.memref_squeeze %dma_wait3A_1188 : memref<1x128x128xf32, #tpu.memory_space<vmem>> -> memref<128x128xf32, #tpu.memory_space<vmem>>
    %dma_wait3A_1190 = arith.constant 0 : i32
    %dma_wait3A_1191 = tpu.memref_slice %arg5[%dma_wait3A_1183, %dma_wait3A_1190] : memref<20x128xi32, #tpu.memory_space<vmem>> -> memref<1x128xi32, #tpu.memory_space<vmem>>
    %dma_wait3A_1192 = tpu.memref_squeeze %dma_wait3A_1191 : memref<1x128xi32, #tpu.memory_space<vmem>> -> memref<128xi32, #tpu.memory_space<vmem>>
    %dma_wait3A_1193 = arith.constant 0 : i32
    %dma_wait3A_1194 = arith.constant 0 : i32
    %dma_wait3A_1195 = tpu.memref_slice %arg2[%dma_wait3A_1193, %dma_wait3A_1194] : memref<10240x128xf32, #tpu.memory_space<hbm>> -> memref<10240x128xf32, #tpu.memory_space<hbm>>
    %dma_wait3A_1196 = tpu.memref_slice %arg7[%dma_wait3A_1185] : memref<3x!tpu.dma_semaphore, #tpu.memory_space<semaphore_mem>> -> memref<1x!tpu.dma_semaphore, #tpu.memory_space<semaphore_mem>>
    %dma_wait3A_1197 = tpu.memref_squeeze %dma_wait3A_1196 : memref<1x!tpu.dma_semaphore, #tpu.memory_space<semaphore_mem>> -> memref<!tpu.dma_semaphore, #tpu.memory_space<semaphore_mem>>
    tpu.wait_indirect_dma semaphore(%dma_wait3A_1197 : memref<!tpu.dma_semaphore, #tpu.memory_space<semaphore_mem>>) src(%dma_wait3A_1195 : memref<10240x128xf32, #tpu.memory_space<hbm>>) dst(%dma_wait3A_1189 : memref<128x128xf32, #tpu.memory_space<vmem>>)
    %add3A_1198 = arith.constant 2304 : i32
    %add3A_1199 = arith.addi %mul3A_2, %add3A_1198 : i32
    %dma_start3A_1200 = arith.constant 0 : i32
    %dma_start3A_1201 = arith.constant 0 : i32
    %dma_start3A_1202 = arith.constant 0 : i32
    %dma_start3A_1203 = arith.constant 0 : i32
    %dma_start3A_1204 = tpu.memref_slice %arg6[%dma_start3A_1200, %dma_start3A_1202, %dma_start3A_1203] : memref<3x128x128xf32, #tpu.memory_space<vmem>> -> memref<1x128x128xf32, #tpu.memory_space<vmem>>
    %dma_start3A_1205 = tpu.memref_squeeze %dma_start3A_1204 : memref<1x128x128xf32, #tpu.memory_space<vmem>> -> memref<128x128xf32, #tpu.memory_space<vmem>>
    %dma_start3A_1206 = arith.constant 0 : i32
    %dma_start3A_1207 = tpu.memref_slice %arg4[%add3A_1199, %dma_start3A_1206] : memref<81920x128xf32, #tpu.memory_space<hbm>> -> memref<128x128xf32, #tpu.memory_space<hbm>>
    %dma_start3A_1208 = tpu.memref_slice %arg8[%dma_start3A_1201] : memref<3x!tpu.dma_semaphore, #tpu.memory_space<semaphore_mem>> -> memref<1x!tpu.dma_semaphore, #tpu.memory_space<semaphore_mem>>
    %dma_start3A_1209 = tpu.memref_squeeze %dma_start3A_1208 : memref<1x!tpu.dma_semaphore, #tpu.memory_space<semaphore_mem>> -> memref<!tpu.dma_semaphore, #tpu.memory_space<semaphore_mem>>
    %dma_start3A_1210 = arith.constant 0 : i32
    %dma_start3A_1211 = tpu.memref_slice %arg4[%add3A_1199, %dma_start3A_1210] : memref<81920x128xf32, #tpu.memory_space<hbm>> -> memref<128x128xf32, #tpu.memory_space<hbm>>
    %dma_start3A_1212 = arith.constant 0 : i32
    %dma_start3A_1213 = arith.constant 0 : i32
    %dma_start3A_1214 = tpu.memref_slice %arg6[%dma_start3A_1200, %dma_start3A_1212, %dma_start3A_1213] : memref<3x128x128xf32, #tpu.memory_space<vmem>> -> memref<1x128x128xf32, #tpu.memory_space<vmem>>
    %dma_start3A_1215 = tpu.memref_squeeze %dma_start3A_1214 : memref<1x128x128xf32, #tpu.memory_space<vmem>> -> memref<128x128xf32, #tpu.memory_space<vmem>>
    tpu.enqueue_dma source(%dma_start3A_1215 : memref<128x128xf32, #tpu.memory_space<vmem>>) target(%dma_start3A_1211 : memref<128x128xf32, #tpu.memory_space<hbm>>) target_semaphore(%dma_start3A_1209 : memref<!tpu.dma_semaphore, #tpu.memory_space<semaphore_mem>>)
    %dma_wait3A_1216 = arith.constant 0 : i32
    %dma_wait3A_1217 = arith.constant 0 : i32
    %dma_wait3A_1218 = arith.constant 0 : i32
    %dma_wait3A_1219 = arith.constant 0 : i32
    %dma_wait3A_1220 = tpu.memref_slice %arg6[%dma_wait3A_1216, %dma_wait3A_1218, %dma_wait3A_1219] : memref<3x128x128xf32, #tpu.memory_space<vmem>> -> memref<1x128x128xf32, #tpu.memory_space<vmem>>
    %dma_wait3A_1221 = tpu.memref_squeeze %dma_wait3A_1220 : memref<1x128x128xf32, #tpu.memory_space<vmem>> -> memref<128x128xf32, #tpu.memory_space<vmem>>
    %dma_wait3A_1222 = arith.constant 0 : i32
    %dma_wait3A_1223 = tpu.memref_slice %arg4[%add3A_1199, %dma_wait3A_1222] : memref<81920x128xf32, #tpu.memory_space<hbm>> -> memref<128x128xf32, #tpu.memory_space<hbm>>
    %dma_wait3A_1224 = tpu.memref_slice %arg8[%dma_wait3A_1217] : memref<3x!tpu.dma_semaphore, #tpu.memory_space<semaphore_mem>> -> memref<1x!tpu.dma_semaphore, #tpu.memory_space<semaphore_mem>>
    %dma_wait3A_1225 = tpu.memref_squeeze %dma_wait3A_1224 : memref<1x!tpu.dma_semaphore, #tpu.memory_space<semaphore_mem>> -> memref<!tpu.dma_semaphore, #tpu.memory_space<semaphore_mem>>
    %dma_wait3A_1226 = arith.constant 0 : i32
    %dma_wait3A_1227 = tpu.memref_slice %arg4[%add3A_1199, %dma_wait3A_1226] : memref<81920x128xf32, #tpu.memory_space<hbm>> -> memref<128x128xf32, #tpu.memory_space<hbm>>
    %dma_wait3A_1228 = arith.constant 0 : i32
    %dma_wait3A_1229 = arith.constant 0 : i32
    %dma_wait3A_1230 = tpu.memref_slice %arg6[%dma_wait3A_1216, %dma_wait3A_1228, %dma_wait3A_1229] : memref<3x128x128xf32, #tpu.memory_space<vmem>> -> memref<1x128x128xf32, #tpu.memory_space<vmem>>
    %dma_wait3A_1231 = tpu.memref_squeeze %dma_wait3A_1230 : memref<1x128x128xf32, #tpu.memory_space<vmem>> -> memref<128x128xf32, #tpu.memory_space<vmem>>
    tpu.wait_dma2 semaphore(%dma_wait3A_1225 : memref<!tpu.dma_semaphore, #tpu.memory_space<semaphore_mem>>) src(%dma_wait3A_1231 : memref<128x128xf32, #tpu.memory_space<vmem>>) dst(%dma_wait3A_1227 : memref<128x128xf32, #tpu.memory_space<hbm>>)
    %dma_wait3A_1232 = arith.constant 19 : i32
    %dma_wait3A_1233 = arith.constant 1 : i32
    %dma_wait3A_1234 = arith.constant 1 : i32
    %dma_wait3A_1235 = arith.constant 0 : i32
    %dma_wait3A_1236 = arith.constant 0 : i32
    %dma_wait3A_1237 = tpu.memref_slice %arg6[%dma_wait3A_1233, %dma_wait3A_1235, %dma_wait3A_1236] : memref<3x128x128xf32, #tpu.memory_space<vmem>> -> memref<1x128x128xf32, #tpu.memory_space<vmem>>
    %dma_wait3A_1238 = tpu.memref_squeeze %dma_wait3A_1237 : memref<1x128x128xf32, #tpu.memory_space<vmem>> -> memref<128x128xf32, #tpu.memory_space<vmem>>
    %dma_wait3A_1239 = arith.constant 0 : i32
    %dma_wait3A_1240 = tpu.memref_slice %arg5[%dma_wait3A_1232, %dma_wait3A_1239] : memref<20x128xi32, #tpu.memory_space<vmem>> -> memref<1x128xi32, #tpu.memory_space<vmem>>
    %dma_wait3A_1241 = tpu.memref_squeeze %dma_wait3A_1240 : memref<1x128xi32, #tpu.memory_space<vmem>> -> memref<128xi32, #tpu.memory_space<vmem>>
    %dma_wait3A_1242 = arith.constant 0 : i32
    %dma_wait3A_1243 = arith.constant 0 : i32
    %dma_wait3A_1244 = tpu.memref_slice %arg2[%dma_wait3A_1242, %dma_wait3A_1243] : memref<10240x128xf32, #tpu.memory_space<hbm>> -> memref<10240x128xf32, #tpu.memory_space<hbm>>
    %dma_wait3A_1245 = tpu.memref_slice %arg7[%dma_wait3A_1234] : memref<3x!tpu.dma_semaphore, #tpu.memory_space<semaphore_mem>> -> memref<1x!tpu.dma_semaphore, #tpu.memory_space<semaphore_mem>>
    %dma_wait3A_1246 = tpu.memref_squeeze %dma_wait3A_1245 : memref<1x!tpu.dma_semaphore, #tpu.memory_space<semaphore_mem>> -> memref<!tpu.dma_semaphore, #tpu.memory_space<semaphore_mem>>
    tpu.wait_indirect_dma semaphore(%dma_wait3A_1246 : memref<!tpu.dma_semaphore, #tpu.memory_space<semaphore_mem>>) src(%dma_wait3A_1244 : memref<10240x128xf32, #tpu.memory_space<hbm>>) dst(%dma_wait3A_1238 : memref<128x128xf32, #tpu.memory_space<vmem>>)
    %add3A_1247 = arith.constant 2432 : i32
    %add3A_1248 = arith.addi %mul3A_2, %add3A_1247 : i32
    %dma_start3A_1249 = arith.constant 1 : i32
    %dma_start3A_1250 = arith.constant 1 : i32
    %dma_start3A_1251 = arith.constant 0 : i32
    %dma_start3A_1252 = arith.constant 0 : i32
    %dma_start3A_1253 = tpu.memref_slice %arg6[%dma_start3A_1249, %dma_start3A_1251, %dma_start3A_1252] : memref<3x128x128xf32, #tpu.memory_space<vmem>> -> memref<1x128x128xf32, #tpu.memory_space<vmem>>
    %dma_start3A_1254 = tpu.memref_squeeze %dma_start3A_1253 : memref<1x128x128xf32, #tpu.memory_space<vmem>> -> memref<128x128xf32, #tpu.memory_space<vmem>>
    %dma_start3A_1255 = arith.constant 0 : i32
    %dma_start3A_1256 = tpu.memref_slice %arg4[%add3A_1248, %dma_start3A_1255] : memref<81920x128xf32, #tpu.memory_space<hbm>> -> memref<128x128xf32, #tpu.memory_space<hbm>>
    %dma_start3A_1257 = tpu.memref_slice %arg8[%dma_start3A_1250] : memref<3x!tpu.dma_semaphore, #tpu.memory_space<semaphore_mem>> -> memref<1x!tpu.dma_semaphore, #tpu.memory_space<semaphore_mem>>
    %dma_start3A_1258 = tpu.memref_squeeze %dma_start3A_1257 : memref<1x!tpu.dma_semaphore, #tpu.memory_space<semaphore_mem>> -> memref<!tpu.dma_semaphore, #tpu.memory_space<semaphore_mem>>
    %dma_start3A_1259 = arith.constant 0 : i32
    %dma_start3A_1260 = tpu.memref_slice %arg4[%add3A_1248, %dma_start3A_1259] : memref<81920x128xf32, #tpu.memory_space<hbm>> -> memref<128x128xf32, #tpu.memory_space<hbm>>
    %dma_start3A_1261 = arith.constant 0 : i32
    %dma_start3A_1262 = arith.constant 0 : i32
    %dma_start3A_1263 = tpu.memref_slice %arg6[%dma_start3A_1249, %dma_start3A_1261, %dma_start3A_1262] : memref<3x128x128xf32, #tpu.memory_space<vmem>> -> memref<1x128x128xf32, #tpu.memory_space<vmem>>
    %dma_start3A_1264 = tpu.memref_squeeze %dma_start3A_1263 : memref<1x128x128xf32, #tpu.memory_space<vmem>> -> memref<128x128xf32, #tpu.memory_space<vmem>>
    tpu.enqueue_dma source(%dma_start3A_1264 : memref<128x128xf32, #tpu.memory_space<vmem>>) target(%dma_start3A_1260 : memref<128x128xf32, #tpu.memory_space<hbm>>) target_semaphore(%dma_start3A_1258 : memref<!tpu.dma_semaphore, #tpu.memory_space<semaphore_mem>>)
    %dma_wait3A_1265 = arith.constant 1 : i32
    %dma_wait3A_1266 = arith.constant 1 : i32
    %dma_wait3A_1267 = arith.constant 0 : i32
    %dma_wait3A_1268 = arith.constant 0 : i32
    %dma_wait3A_1269 = tpu.memref_slice %arg6[%dma_wait3A_1265, %dma_wait3A_1267, %dma_wait3A_1268] : memref<3x128x128xf32, #tpu.memory_space<vmem>> -> memref<1x128x128xf32, #tpu.memory_space<vmem>>
    %dma_wait3A_1270 = tpu.memref_squeeze %dma_wait3A_1269 : memref<1x128x128xf32, #tpu.memory_space<vmem>> -> memref<128x128xf32, #tpu.memory_space<vmem>>
    %dma_wait3A_1271 = arith.constant 0 : i32
    %dma_wait3A_1272 = tpu.memref_slice %arg4[%add3A_1248, %dma_wait3A_1271] : memref<81920x128xf32, #tpu.memory_space<hbm>> -> memref<128x128xf32, #tpu.memory_space<hbm>>
    %dma_wait3A_1273 = tpu.memref_slice %arg8[%dma_wait3A_1266] : memref<3x!tpu.dma_semaphore, #tpu.memory_space<semaphore_mem>> -> memref<1x!tpu.dma_semaphore, #tpu.memory_space<semaphore_mem>>
    %dma_wait3A_1274 = tpu.memref_squeeze %dma_wait3A_1273 : memref<1x!tpu.dma_semaphore, #tpu.memory_space<semaphore_mem>> -> memref<!tpu.dma_semaphore, #tpu.memory_space<semaphore_mem>>
    %dma_wait3A_1275 = arith.constant 0 : i32
    %dma_wait3A_1276 = tpu.memref_slice %arg4[%add3A_1248, %dma_wait3A_1275] : memref<81920x128xf32, #tpu.memory_space<hbm>> -> memref<128x128xf32, #tpu.memory_space<hbm>>
    %dma_wait3A_1277 = arith.constant 0 : i32
    %dma_wait3A_1278 = arith.constant 0 : i32
    %dma_wait3A_1279 = tpu.memref_slice %arg6[%dma_wait3A_1265, %dma_wait3A_1277, %dma_wait3A_1278] : memref<3x128x128xf32, #tpu.memory_space<vmem>> -> memref<1x128x128xf32, #tpu.memory_space<vmem>>
    %dma_wait3A_1280 = tpu.memref_squeeze %dma_wait3A_1279 : memref<1x128x128xf32, #tpu.memory_space<vmem>> -> memref<128x128xf32, #tpu.memory_space<vmem>>
    tpu.wait_dma2 semaphore(%dma_wait3A_1274 : memref<!tpu.dma_semaphore, #tpu.memory_space<semaphore_mem>>) src(%dma_wait3A_1280 : memref<128x128xf32, #tpu.memory_space<vmem>>) dst(%dma_wait3A_1276 : memref<128x128xf32, #tpu.memory_space<hbm>>)
    return
  }
}

module attributes {stable_mosaic.version = 14 : i64} {
  func.func @_fps_body(%arg0: memref<80x128xf32, #tpu.memory_space<vmem>>, %arg1: memref<80x128xf32, #tpu.memory_space<vmem>>, %arg2: memref<80x128xf32, #tpu.memory_space<vmem>>, %arg3: memref<10240x8xf32, #tpu.memory_space<vmem>>, %arg4: memref<20x128xi32, #tpu.memory_space<vmem>>, %arg5: memref<20x128xf32, #tpu.memory_space<vmem>>, %arg6: memref<20x128xf32, #tpu.memory_space<vmem>>, %arg7: memref<20x128xf32, #tpu.memory_space<vmem>>, %arg8: memref<20x128xf32, #tpu.memory_space<vmem>>, %arg9: memref<20x128xf32, #tpu.memory_space<vmem>>, %arg10: memref<20x128xf32, #tpu.memory_space<vmem>>) attributes {dimension_semantics = [], scalar_prefetch = 0 : i64, scratch_operands = 0 : i64, tpu.core_type = #tpu.core_type<tc>} {
    %iota3A = tpu.iota {dimensions = array<i32: 0>} : vector<80x128xi32>
    %mul3A = arith.constant 128 : i32
    %mul3A_0 = vector.broadcast %mul3A : i32 to vector<80x128xi32>
    %mul3A_1 = arith.muli %iota3A, %mul3A_0 : vector<80x128xi32>
    %iota3A_2 = tpu.iota {dimensions = array<i32: 1>} : vector<80x128xi32>
    %add3A = arith.addi %mul3A_1, %iota3A_2 : vector<80x128xi32>
    %convert_element_type3A = arith.sitofp %add3A : vector<80x128xi32> to vector<80x128xf32>
    %iota3A_3 = tpu.iota {dimensions = array<i32: 0>} : vector<20x128xi32>
    %mul3A_4 = arith.constant 128 : i32
    %mul3A_5 = vector.broadcast %mul3A_4 : i32 to vector<20x128xi32>
    %mul3A_6 = arith.muli %iota3A_3, %mul3A_5 : vector<20x128xi32>
    %iota3A_7 = tpu.iota {dimensions = array<i32: 1>} : vector<20x128xi32>
    %add3A_8 = arith.addi %mul3A_6, %iota3A_7 : vector<20x128xi32>
    %get3A = arith.constant 0 : index
    %get3A_9 = arith.constant 0 : index
    %get3A_10 = vector.load %arg0[%get3A, %get3A_9] : memref<80x128xf32, #tpu.memory_space<vmem>>, vector<80x128xf32>
    %get3A_11 = arith.constant 0 : index
    %get3A_12 = arith.constant 0 : index
    %get3A_13 = vector.load %arg1[%get3A_11, %get3A_12] : memref<80x128xf32, #tpu.memory_space<vmem>>, vector<80x128xf32>
    %get3A_14 = arith.constant 0 : index
    %get3A_15 = arith.constant 0 : index
    %get3A_16 = vector.load %arg2[%get3A_14, %get3A_15] : memref<80x128xf32, #tpu.memory_space<vmem>>, vector<80x128xf32>
    %lt3A = arith.constant 1.000000e+04 : f32
    %lt3A_17 = vector.broadcast %lt3A : f32 to vector<80x128xf32>
    %lt3A_18 = arith.cmpf olt, %convert_element_type3A, %lt3A_17 : vector<80x128xf32>
    %jit3A = arith.constant 0x7F800000 : f32
    %jit3A_19 = arith.constant 0xFF800000 : f32
    %broadcast_in_dim3A = vector.broadcast %jit3A : f32 to vector<80x128xf32>
    %broadcast_in_dim3A_20 = vector.broadcast %jit3A_19 : f32 to vector<80x128xf32>
    %select_n3A = arith.select %lt3A_18, %broadcast_in_dim3A, %broadcast_in_dim3A_20 : vector<80x128xi1>, vector<80x128xf32>
    %get3A_21 = arith.constant 0 : index
    %get3A_22 = arith.constant 0 : index
    %get3A_23 = vector.load %arg3[%get3A_21, %get3A_22] : memref<10240x8xf32, #tpu.memory_space<vmem>>, vector<1x8xf32>
    %broadcast_in_dim3A_24 = arith.constant 0.000000e+00 : f32
    %broadcast_in_dim3A_25 = vector.broadcast %broadcast_in_dim3A_24 : f32 to vector<20x128xf32>
    %eq3A = arith.constant 0 : i32
    %eq3A_26 = vector.broadcast %eq3A : i32 to vector<20x128xi32>
    %eq3A_27 = arith.cmpi eq, %add3A_8, %eq3A_26 : vector<20x128xi32>
    %slice3A = vector.extract_strided_slice %get3A_23 {offsets = [0, 0], sizes = [1, 1], strides = [1, 1]} : vector<1x8xf32> to vector<1x1xf32>
    %squeeze3A = vector.extract %slice3A[0, 0] : f32 from vector<1x1xf32>
    %broadcast_in_dim3A_28 = vector.broadcast %squeeze3A : f32 to vector<20x128xf32>
    %select_n3A_29 = arith.select %eq3A_27, %broadcast_in_dim3A_28, %broadcast_in_dim3A_25 : vector<20x128xi1>, vector<20x128xf32>
    %slice3A_30 = vector.extract_strided_slice %get3A_23 {offsets = [0, 1], sizes = [1, 1], strides = [1, 1]} : vector<1x8xf32> to vector<1x1xf32>
    %squeeze3A_31 = vector.extract %slice3A_30[0, 0] : f32 from vector<1x1xf32>
    %broadcast_in_dim3A_32 = vector.broadcast %squeeze3A_31 : f32 to vector<20x128xf32>
    %select_n3A_33 = arith.select %eq3A_27, %broadcast_in_dim3A_32, %broadcast_in_dim3A_25 : vector<20x128xi1>, vector<20x128xf32>
    %slice3A_34 = vector.extract_strided_slice %get3A_23 {offsets = [0, 2], sizes = [1, 1], strides = [1, 1]} : vector<1x8xf32> to vector<1x1xf32>
    %squeeze3A_35 = vector.extract %slice3A_34[0, 0] : f32 from vector<1x1xf32>
    %broadcast_in_dim3A_36 = vector.broadcast %squeeze3A_35 : f32 to vector<20x128xf32>
    %select_n3A_37 = arith.select %eq3A_27, %broadcast_in_dim3A_36, %broadcast_in_dim3A_25 : vector<20x128xi1>, vector<20x128xf32>
    %slice3A_38 = vector.extract_strided_slice %get3A_23 {offsets = [0, 3], sizes = [1, 1], strides = [1, 1]} : vector<1x8xf32> to vector<1x1xf32>
    %squeeze3A_39 = vector.extract %slice3A_38[0, 0] : f32 from vector<1x1xf32>
    %broadcast_in_dim3A_40 = vector.broadcast %squeeze3A_39 : f32 to vector<20x128xf32>
    %select_n3A_41 = arith.select %eq3A_27, %broadcast_in_dim3A_40, %broadcast_in_dim3A_25 : vector<20x128xi1>, vector<20x128xf32>
    %slice3A_42 = vector.extract_strided_slice %get3A_23 {offsets = [0, 4], sizes = [1, 1], strides = [1, 1]} : vector<1x8xf32> to vector<1x1xf32>
    %squeeze3A_43 = vector.extract %slice3A_42[0, 0] : f32 from vector<1x1xf32>
    %broadcast_in_dim3A_44 = vector.broadcast %squeeze3A_43 : f32 to vector<20x128xf32>
    %select_n3A_45 = arith.select %eq3A_27, %broadcast_in_dim3A_44, %broadcast_in_dim3A_25 : vector<20x128xi1>, vector<20x128xf32>
    %slice3A_46 = vector.extract_strided_slice %get3A_23 {offsets = [0, 5], sizes = [1, 1], strides = [1, 1]} : vector<1x8xf32> to vector<1x1xf32>
    %squeeze3A_47 = vector.extract %slice3A_46[0, 0] : f32 from vector<1x1xf32>
    %broadcast_in_dim3A_48 = vector.broadcast %squeeze3A_47 : f32 to vector<20x128xf32>
    %select_n3A_49 = arith.select %eq3A_27, %broadcast_in_dim3A_48, %broadcast_in_dim3A_25 : vector<20x128xi1>, vector<20x128xf32>
    %slice3A_50 = vector.extract_strided_slice %get3A_23 {offsets = [0, 0], sizes = [1, 1], strides = [1, 1]} : vector<1x8xf32> to vector<1x1xf32>
    %squeeze3A_51 = vector.extract %slice3A_50[0, 0] : f32 from vector<1x1xf32>
    %slice3A_52 = vector.extract_strided_slice %get3A_23 {offsets = [0, 1], sizes = [1, 1], strides = [1, 1]} : vector<1x8xf32> to vector<1x1xf32>
    %squeeze3A_53 = vector.extract %slice3A_52[0, 0] : f32 from vector<1x1xf32>
    %slice3A_54 = vector.extract_strided_slice %get3A_23 {offsets = [0, 2], sizes = [1, 1], strides = [1, 1]} : vector<1x8xf32> to vector<1x1xf32>
    %squeeze3A_55 = vector.extract %slice3A_54[0, 0] : f32 from vector<1x1xf32>
    %scan3A = arith.constant 1 : i32
    %scan3A_56 = arith.constant 2499 : i32
    %scan3A_57 = arith.addi %scan3A, %scan3A_56 : i32
    %scan3A_58 = arith.constant 1 : i32
    %scan3A_59:11 = scf.for %scan3A_82 = %scan3A to %scan3A_57 step %scan3A_58 iter_args(%scan3A_83 = %select_n3A, %scan3A_84 = %squeeze3A_51, %scan3A_85 = %squeeze3A_53, %scan3A_86 = %squeeze3A_55, %scan3A_87 = %broadcast_in_dim3A_25, %scan3A_88 = %select_n3A_29, %scan3A_89 = %select_n3A_33, %scan3A_90 = %select_n3A_37, %scan3A_91 = %select_n3A_41, %scan3A_92 = %select_n3A_45, %scan3A_93 = %select_n3A_49) -> (vector<80x128xf32>, f32, f32, f32, vector<20x128xf32>, vector<20x128xf32>, vector<20x128xf32>, vector<20x128xf32>, vector<20x128xf32>, vector<20x128xf32>, vector<20x128xf32>)  : i32 {
      %sub3A = vector.broadcast %scan3A_84 : f32 to vector<80x128xf32>
      %sub3A_94 = arith.subf %get3A_10, %sub3A : vector<80x128xf32>
      %sub3A_95 = vector.broadcast %scan3A_85 : f32 to vector<80x128xf32>
      %sub3A_96 = arith.subf %get3A_13, %sub3A_95 : vector<80x128xf32>
      %sub3A_97 = vector.broadcast %scan3A_86 : f32 to vector<80x128xf32>
      %sub3A_98 = arith.subf %get3A_16, %sub3A_97 : vector<80x128xf32>
      %mul3A_99 = arith.mulf %sub3A_94, %sub3A_94 : vector<80x128xf32>
      %mul3A_100 = arith.mulf %sub3A_96, %sub3A_96 : vector<80x128xf32>
      %add3A_101 = arith.addf %mul3A_99, %mul3A_100 : vector<80x128xf32>
      %mul3A_102 = arith.mulf %sub3A_98, %sub3A_98 : vector<80x128xf32>
      %add3A_103 = arith.addf %add3A_101, %mul3A_102 : vector<80x128xf32>
      %min3A = arith.minimumf %scan3A_83, %add3A_103 : vector<80x128xf32>
      %reduce_max3A = vector.shape_cast %min3A : vector<80x128xf32> to vector<1x80x128xf32>
      %reduce_max3A_104 = arith.constant dense<0xFF800000> : vector<1xf32>
      %reduce_max3A_105 = vector.multi_reduction <maximumf>, %reduce_max3A, %reduce_max3A_104 [1, 2] : vector<1x80x128xf32> to vector<1xf32>
      %reduce_max3A_106 = vector.shape_cast %reduce_max3A_105 : vector<1xf32> to vector<1x1x1xf32>
      %reduce_max3A_107 = vector.extract %reduce_max3A_106[0, 0, 0] : f32 from vector<1x1x1xf32>
      %eq3A_108 = vector.broadcast %reduce_max3A_107 : f32 to vector<80x128xf32>
      %eq3A_109 = arith.cmpf oeq, %min3A, %eq3A_108 : vector<80x128xf32>
      %jit3A_110 = arith.constant 0x49800000 : f32
      %broadcast_in_dim3A_111 = vector.broadcast %jit3A_110 : f32 to vector<80x128xf32>
      %select_n3A_112 = arith.select %eq3A_109, %convert_element_type3A, %broadcast_in_dim3A_111 : vector<80x128xi1>, vector<80x128xf32>
      %reduce_min3A = vector.shape_cast %select_n3A_112 : vector<80x128xf32> to vector<1x80x128xf32>
      %reduce_min3A_113 = arith.constant dense<0x7F800000> : vector<1xf32>
      %reduce_min3A_114 = vector.multi_reduction <minimumf>, %reduce_min3A, %reduce_min3A_113 [1, 2] : vector<1x80x128xf32> to vector<1xf32>
      %reduce_min3A_115 = vector.shape_cast %reduce_min3A_114 : vector<1xf32> to vector<1x1x1xf32>
      %reduce_min3A_116 = vector.extract %reduce_min3A_115[0, 0, 0] : f32 from vector<1x1x1xf32>
      %convert_element_type3A_117 = arith.fptosi %reduce_min3A_116 : f32 to i32
      %get3A_118 = arith.index_cast %convert_element_type3A_117 : i32 to index
      %get3A_119 = arith.constant 0 : index
      %get3A_120 = vector.load %arg3[%get3A_118, %get3A_119] : memref<10240x8xf32, #tpu.memory_space<vmem>>, vector<1x8xf32>
      %eq3A_121 = vector.broadcast %scan3A_82 : i32 to vector<20x128xi32>
      %eq3A_122 = arith.cmpi eq, %add3A_8, %eq3A_121 : vector<20x128xi32>
      %broadcast_in_dim3A_123 = vector.broadcast %reduce_min3A_116 : f32 to vector<20x128xf32>
      %select_n3A_124 = arith.select %eq3A_122, %broadcast_in_dim3A_123, %scan3A_87 : vector<20x128xi1>, vector<20x128xf32>
      %slice3A_125 = vector.extract_strided_slice %get3A_120 {offsets = [0, 0], sizes = [1, 1], strides = [1, 1]} : vector<1x8xf32> to vector<1x1xf32>
      %squeeze3A_126 = vector.extract %slice3A_125[0, 0] : f32 from vector<1x1xf32>
      %broadcast_in_dim3A_127 = vector.broadcast %squeeze3A_126 : f32 to vector<20x128xf32>
      %select_n3A_128 = arith.select %eq3A_122, %broadcast_in_dim3A_127, %scan3A_88 : vector<20x128xi1>, vector<20x128xf32>
      %slice3A_129 = vector.extract_strided_slice %get3A_120 {offsets = [0, 1], sizes = [1, 1], strides = [1, 1]} : vector<1x8xf32> to vector<1x1xf32>
      %squeeze3A_130 = vector.extract %slice3A_129[0, 0] : f32 from vector<1x1xf32>
      %broadcast_in_dim3A_131 = vector.broadcast %squeeze3A_130 : f32 to vector<20x128xf32>
      %select_n3A_132 = arith.select %eq3A_122, %broadcast_in_dim3A_131, %scan3A_89 : vector<20x128xi1>, vector<20x128xf32>
      %slice3A_133 = vector.extract_strided_slice %get3A_120 {offsets = [0, 2], sizes = [1, 1], strides = [1, 1]} : vector<1x8xf32> to vector<1x1xf32>
      %squeeze3A_134 = vector.extract %slice3A_133[0, 0] : f32 from vector<1x1xf32>
      %broadcast_in_dim3A_135 = vector.broadcast %squeeze3A_134 : f32 to vector<20x128xf32>
      %select_n3A_136 = arith.select %eq3A_122, %broadcast_in_dim3A_135, %scan3A_90 : vector<20x128xi1>, vector<20x128xf32>
      %slice3A_137 = vector.extract_strided_slice %get3A_120 {offsets = [0, 3], sizes = [1, 1], strides = [1, 1]} : vector<1x8xf32> to vector<1x1xf32>
      %squeeze3A_138 = vector.extract %slice3A_137[0, 0] : f32 from vector<1x1xf32>
      %broadcast_in_dim3A_139 = vector.broadcast %squeeze3A_138 : f32 to vector<20x128xf32>
      %select_n3A_140 = arith.select %eq3A_122, %broadcast_in_dim3A_139, %scan3A_91 : vector<20x128xi1>, vector<20x128xf32>
      %slice3A_141 = vector.extract_strided_slice %get3A_120 {offsets = [0, 4], sizes = [1, 1], strides = [1, 1]} : vector<1x8xf32> to vector<1x1xf32>
      %squeeze3A_142 = vector.extract %slice3A_141[0, 0] : f32 from vector<1x1xf32>
      %broadcast_in_dim3A_143 = vector.broadcast %squeeze3A_142 : f32 to vector<20x128xf32>
      %select_n3A_144 = arith.select %eq3A_122, %broadcast_in_dim3A_143, %scan3A_92 : vector<20x128xi1>, vector<20x128xf32>
      %slice3A_145 = vector.extract_strided_slice %get3A_120 {offsets = [0, 5], sizes = [1, 1], strides = [1, 1]} : vector<1x8xf32> to vector<1x1xf32>
      %squeeze3A_146 = vector.extract %slice3A_145[0, 0] : f32 from vector<1x1xf32>
      %broadcast_in_dim3A_147 = vector.broadcast %squeeze3A_146 : f32 to vector<20x128xf32>
      %select_n3A_148 = arith.select %eq3A_122, %broadcast_in_dim3A_147, %scan3A_93 : vector<20x128xi1>, vector<20x128xf32>
      %slice3A_149 = vector.extract_strided_slice %get3A_120 {offsets = [0, 0], sizes = [1, 1], strides = [1, 1]} : vector<1x8xf32> to vector<1x1xf32>
      %squeeze3A_150 = vector.extract %slice3A_149[0, 0] : f32 from vector<1x1xf32>
      %slice3A_151 = vector.extract_strided_slice %get3A_120 {offsets = [0, 1], sizes = [1, 1], strides = [1, 1]} : vector<1x8xf32> to vector<1x1xf32>
      %squeeze3A_152 = vector.extract %slice3A_151[0, 0] : f32 from vector<1x1xf32>
      %slice3A_153 = vector.extract_strided_slice %get3A_120 {offsets = [0, 2], sizes = [1, 1], strides = [1, 1]} : vector<1x8xf32> to vector<1x1xf32>
      %squeeze3A_154 = vector.extract %slice3A_153[0, 0] : f32 from vector<1x1xf32>
      scf.yield %min3A, %squeeze3A_150, %squeeze3A_152, %squeeze3A_154, %select_n3A_124, %select_n3A_128, %select_n3A_132, %select_n3A_136, %select_n3A_140, %select_n3A_144, %select_n3A_148 : vector<80x128xf32>, f32, f32, f32, vector<20x128xf32>, vector<20x128xf32>, vector<20x128xf32>, vector<20x128xf32>, vector<20x128xf32>, vector<20x128xf32>, vector<20x128xf32>
    }
    %scan3A_60 = arith.constant 2499 : i32
    %convert_element_type3A_61 = arith.fptosi %scan3A_59#4 : vector<20x128xf32> to vector<20x128xi32>
    %swap3A = arith.constant 0 : index
    %swap3A_62 = arith.constant 0 : index
    %swap3A_63 = vector.load %arg4[%swap3A, %swap3A_62] : memref<20x128xi32, #tpu.memory_space<vmem>>, vector<20x128xi32>
    tpu.vector_store %arg4[%swap3A, %swap3A_62], %convert_element_type3A_61 {strides = array<i32>} : memref<20x128xi32, #tpu.memory_space<vmem>>, vector<20x128xi32>,
    %swap3A_64 = arith.constant 0 : index
    %swap3A_65 = arith.constant 0 : index
    %swap3A_66 = vector.load %arg5[%swap3A_64, %swap3A_65] : memref<20x128xf32, #tpu.memory_space<vmem>>, vector<20x128xf32>
    tpu.vector_store %arg5[%swap3A_64, %swap3A_65], %scan3A_59#5 {strides = array<i32>} : memref<20x128xf32, #tpu.memory_space<vmem>>, vector<20x128xf32>,
    %swap3A_67 = arith.constant 0 : index
    %swap3A_68 = arith.constant 0 : index
    %swap3A_69 = vector.load %arg6[%swap3A_67, %swap3A_68] : memref<20x128xf32, #tpu.memory_space<vmem>>, vector<20x128xf32>
    tpu.vector_store %arg6[%swap3A_67, %swap3A_68], %scan3A_59#6 {strides = array<i32>} : memref<20x128xf32, #tpu.memory_space<vmem>>, vector<20x128xf32>,
    %swap3A_70 = arith.constant 0 : index
    %swap3A_71 = arith.constant 0 : index
    %swap3A_72 = vector.load %arg7[%swap3A_70, %swap3A_71] : memref<20x128xf32, #tpu.memory_space<vmem>>, vector<20x128xf32>
    tpu.vector_store %arg7[%swap3A_70, %swap3A_71], %scan3A_59#7 {strides = array<i32>} : memref<20x128xf32, #tpu.memory_space<vmem>>, vector<20x128xf32>,
    %swap3A_73 = arith.constant 0 : index
    %swap3A_74 = arith.constant 0 : index
    %swap3A_75 = vector.load %arg8[%swap3A_73, %swap3A_74] : memref<20x128xf32, #tpu.memory_space<vmem>>, vector<20x128xf32>
    tpu.vector_store %arg8[%swap3A_73, %swap3A_74], %scan3A_59#8 {strides = array<i32>} : memref<20x128xf32, #tpu.memory_space<vmem>>, vector<20x128xf32>,
    %swap3A_76 = arith.constant 0 : index
    %swap3A_77 = arith.constant 0 : index
    %swap3A_78 = vector.load %arg9[%swap3A_76, %swap3A_77] : memref<20x128xf32, #tpu.memory_space<vmem>>, vector<20x128xf32>
    tpu.vector_store %arg9[%swap3A_76, %swap3A_77], %scan3A_59#9 {strides = array<i32>} : memref<20x128xf32, #tpu.memory_space<vmem>>, vector<20x128xf32>,
    %swap3A_79 = arith.constant 0 : index
    %swap3A_80 = arith.constant 0 : index
    %swap3A_81 = vector.load %arg10[%swap3A_79, %swap3A_80] : memref<20x128xf32, #tpu.memory_space<vmem>>, vector<20x128xf32>
    tpu.vector_store %arg10[%swap3A_79, %swap3A_80], %scan3A_59#10 {strides = array<i32>} : memref<20x128xf32, #tpu.memory_space<vmem>>, vector<20x128xf32>,
    return
  }
}

module attributes {stable_mosaic.version = 14 : i64} {
  func.func @_radius_body(%arg0: i32, %arg1: memref<64x8xf32, #tpu.memory_space<vmem>>, %arg2: memref<8x10240xf32, #tpu.memory_space<vmem>>, %arg3: memref<64x32xi32, #tpu.memory_space<vmem>>, %arg4: memref<64x8xf32, #tpu.memory_space<vmem>>) attributes {dimension_semantics = [#tpu.dimension_semantics<arbitrary>], iteration_bounds = array<i64: 40>, scalar_prefetch = 0 : i64, scratch_operands = 0 : i64, tpu.core_type = #tpu.core_type<tc>, window_params = [{transform_indices = @transform_0, window_bounds = array<i64: 64, 8>}, {pipeline_mode = #tpu.pipeline_mode<synchronous>, transform_indices = @transform_1, window_bounds = array<i64: 8, 10240>}, {transform_indices = @transform_2, window_bounds = array<i64: 64, 32>}, {transform_indices = @transform_3, window_bounds = array<i64: 64, 8>}]} {
    %get3A = arith.constant 0 : index
    %get3A_0 = arith.constant 0 : index
    %get3A_1 = vector.load %arg1[%get3A, %get3A_0] : memref<64x8xf32, #tpu.memory_space<vmem>>, vector<64x8xf32>
    %get3A_2 = arith.constant 0 : index
    %get3A_3 = arith.constant 0 : index
    %get3A_4 = vector.load %arg2[%get3A_2, %get3A_3] : memref<8x10240xf32, #tpu.memory_space<vmem>>, vector<8x10240xf32>
    %slice3A = vector.extract_strided_slice %get3A_1 {offsets = [0, 0], sizes = [64, 1], strides = [1, 1]} : vector<64x8xf32> to vector<64x1xf32>
    %slice3A_5 = vector.extract_strided_slice %get3A_4 {offsets = [0, 0], sizes = [1, 10240], strides = [1, 1]} : vector<8x10240xf32> to vector<1x10240xf32>
    %sub3A = vector.broadcast %slice3A : vector<64x1xf32> to vector<64x10240xf32>
    %sub3A_6 = vector.broadcast %slice3A_5 : vector<1x10240xf32> to vector<64x10240xf32>
    %sub3A_7 = arith.subf %sub3A, %sub3A_6 : vector<64x10240xf32>
    %slice3A_8 = vector.extract_strided_slice %get3A_1 {offsets = [0, 1], sizes = [64, 1], strides = [1, 1]} : vector<64x8xf32> to vector<64x1xf32>
    %slice3A_9 = vector.extract_strided_slice %get3A_4 {offsets = [1, 0], sizes = [1, 10240], strides = [1, 1]} : vector<8x10240xf32> to vector<1x10240xf32>
    %sub3A_10 = vector.broadcast %slice3A_8 : vector<64x1xf32> to vector<64x10240xf32>
    %sub3A_11 = vector.broadcast %slice3A_9 : vector<1x10240xf32> to vector<64x10240xf32>
    %sub3A_12 = arith.subf %sub3A_10, %sub3A_11 : vector<64x10240xf32>
    %slice3A_13 = vector.extract_strided_slice %get3A_1 {offsets = [0, 2], sizes = [64, 1], strides = [1, 1]} : vector<64x8xf32> to vector<64x1xf32>
    %slice3A_14 = vector.extract_strided_slice %get3A_4 {offsets = [2, 0], sizes = [1, 10240], strides = [1, 1]} : vector<8x10240xf32> to vector<1x10240xf32>
    %sub3A_15 = vector.broadcast %slice3A_13 : vector<64x1xf32> to vector<64x10240xf32>
    %sub3A_16 = vector.broadcast %slice3A_14 : vector<1x10240xf32> to vector<64x10240xf32>
    %sub3A_17 = arith.subf %sub3A_15, %sub3A_16 : vector<64x10240xf32>
    %mul3A = arith.mulf %sub3A_7, %sub3A_7 : vector<64x10240xf32>
    %mul3A_18 = arith.mulf %sub3A_12, %sub3A_12 : vector<64x10240xf32>
    %add3A = arith.addf %mul3A, %mul3A_18 : vector<64x10240xf32>
    %mul3A_19 = arith.mulf %sub3A_17, %sub3A_17 : vector<64x10240xf32>
    %add3A_20 = arith.addf %add3A, %mul3A_19 : vector<64x10240xf32>
    %iota3A = tpu.iota {dimensions = array<i32: 1>} : vector<64x10240xi32>
    %convert_element_type3A = arith.sitofp %iota3A : vector<64x10240xi32> to vector<64x10240xf32>
    %le3A = arith.constant 2.500000e-01 : f32
    %le3A_21 = vector.broadcast %le3A : f32 to vector<64x10240xf32>
    %le3A_22 = arith.cmpf ole, %add3A_20, %le3A_21 : vector<64x10240xf32>
    %jit3A = arith.constant 0x49800000 : f32
    %broadcast_in_dim3A = vector.broadcast %jit3A : f32 to vector<64x10240xf32>
    %select_n3A = arith.select %le3A_22, %convert_element_type3A, %broadcast_in_dim3A : vector<64x10240xi1>, vector<64x10240xf32>
    %iota3A_23 = tpu.iota {dimensions = array<i32: 1>} : vector<64x128xi32>
    %broadcast_in_dim3A_24 = arith.constant 0x49800000 : f32
    %broadcast_in_dim3A_25 = vector.broadcast %broadcast_in_dim3A_24 : f32 to vector<64x128xf32>
    %scan3A = arith.constant 0 : i32
    %scan3A_26 = arith.constant 32 : i32
    %scan3A_27 = arith.addi %scan3A, %scan3A_26 : i32
    %scan3A_28 = arith.constant 1 : i32
    %scan3A_29:2 = scf.for %scan3A_49 = %scan3A to %scan3A_27 step %scan3A_28 iter_args(%scan3A_50 = %select_n3A, %scan3A_51 = %broadcast_in_dim3A_25) -> (vector<64x10240xf32>, vector<64x128xf32>)  : i32 {
      %reduce_min3A = arith.constant dense<0x7F800000> : vector<64xf32>
      %reduce_min3A_52 = vector.multi_reduction <minimumf>, %scan3A_50, %reduce_min3A [1] : vector<64x10240xf32> to vector<64xf32>
      %broadcast_in_dim3A_53 = vector.shape_cast %reduce_min3A_52 : vector<64xf32> to vector<64x1xf32>
      %eq3A = vector.broadcast %scan3A_49 : i32 to vector<64x128xi32>
      %eq3A_54 = arith.cmpi eq, %iota3A_23, %eq3A : vector<64x128xi32>
      %broadcast_in_dim3A_55 = vector.shape_cast %broadcast_in_dim3A_53 : vector<64x1xf32> to vector<64x1xf32>
      %broadcast_in_dim3A_56 = vector.broadcast %broadcast_in_dim3A_55 : vector<64x1xf32> to vector<64x128xf32>
      %select_n3A_57 = arith.select %eq3A_54, %broadcast_in_dim3A_56, %scan3A_51 : vector<64x128xi1>, vector<64x128xf32>
      %eq3A_58 = vector.broadcast %broadcast_in_dim3A_53 : vector<64x1xf32> to vector<64x10240xf32>
      %eq3A_59 = arith.cmpf oeq, %scan3A_50, %eq3A_58 : vector<64x10240xf32>
      %jit3A_60 = arith.constant 0x49800000 : f32
      %broadcast_in_dim3A_61 = vector.broadcast %jit3A_60 : f32 to vector<64x10240xf32>
      %select_n3A_62 = arith.select %eq3A_59, %broadcast_in_dim3A_61, %scan3A_50 : vector<64x10240xi1>, vector<64x10240xf32>
      scf.yield %select_n3A_62, %select_n3A_57 : vector<64x10240xf32>, vector<64x128xf32>
    }
    %scan3A_30 = arith.constant 32 : i32
    %lt3A = arith.constant 1.000000e+04 : f32
    %lt3A_31 = vector.broadcast %lt3A : f32 to vector<64x128xf32>
    %lt3A_32 = arith.cmpf olt, %scan3A_29#1, %lt3A_31 : vector<64x128xf32>
    %convert_element_type3A_33 = arith.extui %lt3A_32 : vector<64x128xi1> to vector<64x128xi32>
    %convert_element_type3A_34 = arith.sitofp %convert_element_type3A_33 : vector<64x128xi32> to vector<64x128xf32>
    %reduce_sum3A = arith.constant dense<0.000000e+00> : vector<64xf32>
    %reduce_sum3A_35 = vector.multi_reduction <add>, %convert_element_type3A_34, %reduce_sum3A [1] : vector<64x128xf32> to vector<64xf32>
    %broadcast_in_dim3A_36 = vector.shape_cast %reduce_sum3A_35 : vector<64xf32> to vector<64x1xf32>
    %jit3A_37 = arith.constant 0.000000e+00 : f32
    %broadcast_in_dim3A_38 = vector.broadcast %jit3A_37 : f32 to vector<64x128xf32>
    %select_n3A_39 = arith.select %lt3A_32, %scan3A_29#1, %broadcast_in_dim3A_38 : vector<64x128xi1>, vector<64x128xf32>
    %convert_element_type3A_40 = arith.fptosi %select_n3A_39 : vector<64x128xf32> to vector<64x128xi32>
    %slice3A_41 = vector.extract_strided_slice %convert_element_type3A_40 {offsets = [0, 0], sizes = [64, 32], strides = [1, 1]} : vector<64x128xi32> to vector<64x32xi32>
    %swap3A = arith.constant 0 : index
    %swap3A_42 = arith.constant 0 : index
    %swap3A_43 = vector.load %arg3[%swap3A, %swap3A_42] : memref<64x32xi32, #tpu.memory_space<vmem>>, vector<64x32xi32>
    tpu.vector_store %arg3[%swap3A, %swap3A_42], %slice3A_41 {strides = array<i32>} : memref<64x32xi32, #tpu.memory_space<vmem>>, vector<64x32xi32>,
    %broadcast_in_dim3A_44 = vector.shape_cast %broadcast_in_dim3A_36 : vector<64x1xf32> to vector<64x1xf32>
    %broadcast_in_dim3A_45 = vector.broadcast %broadcast_in_dim3A_44 : vector<64x1xf32> to vector<64x8xf32>
    %swap3A_46 = arith.constant 0 : index
    %swap3A_47 = arith.constant 0 : index
    %swap3A_48 = vector.load %arg4[%swap3A_46, %swap3A_47] : memref<64x8xf32, #tpu.memory_space<vmem>>, vector<64x8xf32>
    tpu.vector_store %arg4[%swap3A_46, %swap3A_47], %broadcast_in_dim3A_45 {strides = array<i32>} : memref<64x8xf32, #tpu.memory_space<vmem>>, vector<64x8xf32>,
    return
  }
  func.func @transform_0(%arg0: i32) -> (i32, i32) {
    %c0_i32 = arith.constant 0 : i32
    %c0_i32_0 = arith.constant 0 : i32
    return %arg0, %c0_i32 : i32, i32
  }
  func.func @transform_1(%arg0: i32) -> (i32, i32) {
    %c0_i32 = arith.constant 0 : i32
    %c0_i32_0 = arith.constant 0 : i32
    %c0_i32_1 = arith.constant 0 : i32
    return %c0_i32, %c0_i32_0 : i32, i32
  }
  func.func @transform_2(%arg0: i32) -> (i32, i32) {
    %c0_i32 = arith.constant 0 : i32
    %c0_i32_0 = arith.constant 0 : i32
    return %arg0, %c0_i32 : i32, i32
  }
  func.func @transform_3(%arg0: i32) -> (i32, i32) {
    %c0_i32 = arith.constant 0 : i32
    %c0_i32_0 = arith.constant 0 : i32
    return %arg0, %c0_i32 : i32, i32
  }
}

module attributes {stable_mosaic.version = 14 : i64} {
  func.func @_edge_body(%arg0: i32, %arg1: memref<1024x128xf32, #tpu.memory_space<vmem>>, %arg2: memref<8x1024xf32, #tpu.memory_space<vmem>>, %arg3: memref<32x8xf32, #tpu.memory_space<vmem>>, %arg4: memref<64x256xf32, #tpu.memory_space<vmem>>, %arg5: memref<64x256xf32, #tpu.memory_space<vmem>>, %arg6: memref<8x256xf32, #tpu.memory_space<vmem>>, %arg7: memref<1x256xf32, #tpu.memory_space<vmem>>, %arg8: memref<256x256xf32, #tpu.memory_space<vmem>>, %arg9: memref<1x256xf32, #tpu.memory_space<vmem>>, %arg10: memref<256x128xf32, #tpu.memory_space<vmem>>, %arg11: memref<1x128xf32, #tpu.memory_space<vmem>>, %arg12: memref<32x128xf32, #tpu.memory_space<vmem>>) attributes {dimension_semantics = [#tpu.dimension_semantics<arbitrary>], iteration_bounds = array<i64: 80>, scalar_prefetch = 0 : i64, scratch_operands = 0 : i64, tpu.core_type = #tpu.core_type<tc>, window_params = [{transform_indices = @transform_0, window_bounds = array<i64: 1024, 128>}, {transform_indices = @transform_1, window_bounds = array<i64: 8, 1024>}, {transform_indices = @transform_2, window_bounds = array<i64: 32, 8>}, {pipeline_mode = #tpu.pipeline_mode<synchronous>, transform_indices = @transform_3, window_bounds = array<i64: 64, 256>}, {pipeline_mode = #tpu.pipeline_mode<synchronous>, transform_indices = @transform_4, window_bounds = array<i64: 64, 256>}, {pipeline_mode = #tpu.pipeline_mode<synchronous>, transform_indices = @transform_5, window_bounds = array<i64: 8, 256>}, {pipeline_mode = #tpu.pipeline_mode<synchronous>, transform_indices = @transform_6, window_bounds = array<i64: 1, 256>}, {pipeline_mode = #tpu.pipeline_mode<synchronous>, transform_indices = @transform_7, window_bounds = array<i64: 256, 256>}, {pipeline_mode = #tpu.pipeline_mode<synchronous>, transform_indices = @transform_8, window_bounds = array<i64: 1, 256>}, {pipeline_mode = #tpu.pipeline_mode<synchronous>, transform_indices = @transform_9, window_bounds = array<i64: 256, 128>}, {pipeline_mode = #tpu.pipeline_mode<synchronous>, transform_indices = @transform_10, window_bounds = array<i64: 1, 128>}, {transform_indices = @transform_11, window_bounds = array<i64: 32, 128>}]} {
    %get3A = arith.constant 0 : index
    %get3A_0 = arith.constant 0 : index
    %get3A_1 = vector.load %arg1[%get3A, %get3A_0] : memref<1024x128xf32, #tpu.memory_space<vmem>>, vector<1024x128xf32>
    %slice3A = vector.extract_strided_slice %get3A_1 {offsets = [0, 0], sizes = [1024, 64], strides = [1, 1]} : vector<1024x128xf32> to vector<1024x64xf32>
    %bitcast_convert_type3A = tpu.bitcast %slice3A : vector<1024x64xf32> -> vector<1024x64xi32>
    %shift_left3A = arith.constant 16 : i32
    %shift_left3A_2 = vector.broadcast %shift_left3A : i32 to vector<1024x64xi32>
    %shift_left3A_3 = arith.shli %bitcast_convert_type3A, %shift_left3A_2 : vector<1024x64xi32>
    %bitcast_convert_type3A_4 = tpu.bitcast %shift_left3A_3 : vector<1024x64xi32> -> vector<1024x64xf32>
    %and3A = arith.constant -65536 : i32
    %and3A_5 = vector.broadcast %and3A : i32 to vector<1024x64xi32>
    %and3A_6 = arith.andi %bitcast_convert_type3A, %and3A_5 : vector<1024x64xi32>
    %bitcast_convert_type3A_7 = tpu.bitcast %and3A_6 : vector<1024x64xi32> -> vector<1024x64xf32>
    %slice3A_8 = vector.extract_strided_slice %get3A_1 {offsets = [0, 64], sizes = [1024, 8], strides = [1, 1]} : vector<1024x128xf32> to vector<1024x8xf32>
    %transpose3A = tpu.transpose %slice3A_8, [1, 0] : vector<1024x8xf32> -> vector<8x1024xf32>
    %get3A_9 = arith.constant 0 : index
    %get3A_10 = arith.constant 0 : index
    %get3A_11 = vector.load %arg2[%get3A_9, %get3A_10] : memref<8x1024xf32, #tpu.memory_space<vmem>>, vector<8x1024xf32>
    %slice3A_12 = vector.extract_strided_slice %transpose3A {offsets = [0, 0], sizes = [1, 1024], strides = [1, 1]} : vector<8x1024xf32> to vector<1x1024xf32>
    %slice3A_13 = vector.extract_strided_slice %get3A_11 {offsets = [0, 0], sizes = [1, 1024], strides = [1, 1]} : vector<8x1024xf32> to vector<1x1024xf32>
    %sub3A = arith.subf %slice3A_12, %slice3A_13 : vector<1x1024xf32>
    %slice3A_14 = vector.extract_strided_slice %transpose3A {offsets = [1, 0], sizes = [1, 1024], strides = [1, 1]} : vector<8x1024xf32> to vector<1x1024xf32>
    %slice3A_15 = vector.extract_strided_slice %get3A_11 {offsets = [1, 0], sizes = [1, 1024], strides = [1, 1]} : vector<8x1024xf32> to vector<1x1024xf32>
    %sub3A_16 = arith.subf %slice3A_14, %slice3A_15 : vector<1x1024xf32>
    %slice3A_17 = vector.extract_strided_slice %transpose3A {offsets = [2, 0], sizes = [1, 1024], strides = [1, 1]} : vector<8x1024xf32> to vector<1x1024xf32>
    %slice3A_18 = vector.extract_strided_slice %get3A_11 {offsets = [2, 0], sizes = [1, 1024], strides = [1, 1]} : vector<8x1024xf32> to vector<1x1024xf32>
    %sub3A_19 = arith.subf %slice3A_17, %slice3A_18 : vector<1x1024xf32>
    %slice3A_20 = vector.extract_strided_slice %get3A_11 {offsets = [3, 0], sizes = [1, 1024], strides = [1, 1]} : vector<8x1024xf32> to vector<1x1024xf32>
    %slice3A_21 = vector.extract_strided_slice %get3A_11 {offsets = [4, 0], sizes = [1, 1024], strides = [1, 1]} : vector<8x1024xf32> to vector<1x1024xf32>
    %slice3A_22 = vector.extract_strided_slice %get3A_11 {offsets = [5, 0], sizes = [1, 1024], strides = [1, 1]} : vector<8x1024xf32> to vector<1x1024xf32>
    %slice3A_23 = vector.extract_strided_slice %transpose3A {offsets = [3, 0], sizes = [1, 1024], strides = [1, 1]} : vector<8x1024xf32> to vector<1x1024xf32>
    %slice3A_24 = vector.extract_strided_slice %transpose3A {offsets = [4, 0], sizes = [1, 1024], strides = [1, 1]} : vector<8x1024xf32> to vector<1x1024xf32>
    %slice3A_25 = vector.extract_strided_slice %transpose3A {offsets = [5, 0], sizes = [1, 1024], strides = [1, 1]} : vector<8x1024xf32> to vector<1x1024xf32>
    %mul3A = arith.mulf %sub3A, %sub3A : vector<1x1024xf32>
    %mul3A_26 = arith.mulf %sub3A_16, %sub3A_16 : vector<1x1024xf32>
    %add3A = arith.addf %mul3A, %mul3A_26 : vector<1x1024xf32>
    %mul3A_27 = arith.mulf %sub3A_19, %sub3A_19 : vector<1x1024xf32>
    %add3A_28 = arith.addf %add3A, %mul3A_27 : vector<1x1024xf32>
    %add3A_29 = arith.constant 9.99999996E-13 : f32
    %add3A_30 = vector.broadcast %add3A_29 : f32 to vector<1x1024xf32>
    %add3A_31 = arith.addf %add3A_28, %add3A_30 : vector<1x1024xf32>
    %sqrt3A = math.sqrt %add3A_31 : vector<1x1024xf32>
    %mul3A_32 = arith.mulf %slice3A_21, %sub3A_19 : vector<1x1024xf32>
    %mul3A_33 = arith.mulf %slice3A_22, %sub3A_16 : vector<1x1024xf32>
    %sub3A_34 = arith.subf %mul3A_32, %mul3A_33 : vector<1x1024xf32>
    %mul3A_35 = arith.mulf %slice3A_22, %sub3A : vector<1x1024xf32>
    %mul3A_36 = arith.mulf %slice3A_20, %sub3A_19 : vector<1x1024xf32>
    %sub3A_37 = arith.subf %mul3A_35, %mul3A_36 : vector<1x1024xf32>
    %mul3A_38 = arith.mulf %slice3A_20, %sub3A_16 : vector<1x1024xf32>
    %mul3A_39 = arith.mulf %slice3A_21, %sub3A : vector<1x1024xf32>
    %sub3A_40 = arith.subf %mul3A_38, %mul3A_39 : vector<1x1024xf32>
    %mul3A_41 = arith.mulf %sub3A_34, %sub3A_34 : vector<1x1024xf32>
    %mul3A_42 = arith.mulf %sub3A_37, %sub3A_37 : vector<1x1024xf32>
    %add3A_43 = arith.addf %mul3A_41, %mul3A_42 : vector<1x1024xf32>
    %mul3A_44 = arith.mulf %sub3A_40, %sub3A_40 : vector<1x1024xf32>
    %add3A_45 = arith.addf %add3A_43, %mul3A_44 : vector<1x1024xf32>
    %add3A_46 = arith.constant 9.99999996E-13 : f32
    %add3A_47 = vector.broadcast %add3A_46 : f32 to vector<1x1024xf32>
    %add3A_48 = arith.addf %add3A_45, %add3A_47 : vector<1x1024xf32>
    %sqrt3A_49 = math.sqrt %add3A_48 : vector<1x1024xf32>
    %mul3A_50 = arith.mulf %slice3A_20, %sub3A : vector<1x1024xf32>
    %mul3A_51 = arith.mulf %slice3A_21, %sub3A_16 : vector<1x1024xf32>
    %add3A_52 = arith.addf %mul3A_50, %mul3A_51 : vector<1x1024xf32>
    %mul3A_53 = arith.mulf %slice3A_22, %sub3A_19 : vector<1x1024xf32>
    %add3A_54 = arith.addf %add3A_52, %mul3A_53 : vector<1x1024xf32>
    %atan23A = math.atan2 %sqrt3A_49, %add3A_54 : vector<1x1024xf32>
    %mul3A_55 = arith.mulf %slice3A_24, %sub3A_19 : vector<1x1024xf32>
    %mul3A_56 = arith.mulf %slice3A_25, %sub3A_16 : vector<1x1024xf32>
    %sub3A_57 = arith.subf %mul3A_55, %mul3A_56 : vector<1x1024xf32>
    %mul3A_58 = arith.mulf %slice3A_25, %sub3A : vector<1x1024xf32>
    %mul3A_59 = arith.mulf %slice3A_23, %sub3A_19 : vector<1x1024xf32>
    %sub3A_60 = arith.subf %mul3A_58, %mul3A_59 : vector<1x1024xf32>
    %mul3A_61 = arith.mulf %slice3A_23, %sub3A_16 : vector<1x1024xf32>
    %mul3A_62 = arith.mulf %slice3A_24, %sub3A : vector<1x1024xf32>
    %sub3A_63 = arith.subf %mul3A_61, %mul3A_62 : vector<1x1024xf32>
    %mul3A_64 = arith.mulf %sub3A_57, %sub3A_57 : vector<1x1024xf32>
    %mul3A_65 = arith.mulf %sub3A_60, %sub3A_60 : vector<1x1024xf32>
    %add3A_66 = arith.addf %mul3A_64, %mul3A_65 : vector<1x1024xf32>
    %mul3A_67 = arith.mulf %sub3A_63, %sub3A_63 : vector<1x1024xf32>
    %add3A_68 = arith.addf %add3A_66, %mul3A_67 : vector<1x1024xf32>
    %add3A_69 = arith.constant 9.99999996E-13 : f32
    %add3A_70 = vector.broadcast %add3A_69 : f32 to vector<1x1024xf32>
    %add3A_71 = arith.addf %add3A_68, %add3A_70 : vector<1x1024xf32>
    %sqrt3A_72 = math.sqrt %add3A_71 : vector<1x1024xf32>
    %mul3A_73 = arith.mulf %slice3A_23, %sub3A : vector<1x1024xf32>
    %mul3A_74 = arith.mulf %slice3A_24, %sub3A_16 : vector<1x1024xf32>
    %add3A_75 = arith.addf %mul3A_73, %mul3A_74 : vector<1x1024xf32>
    %mul3A_76 = arith.mulf %slice3A_25, %sub3A_19 : vector<1x1024xf32>
    %add3A_77 = arith.addf %add3A_75, %mul3A_76 : vector<1x1024xf32>
    %atan23A_78 = math.atan2 %sqrt3A_72, %add3A_77 : vector<1x1024xf32>
    %mul3A_79 = arith.mulf %slice3A_21, %slice3A_25 : vector<1x1024xf32>
    %mul3A_80 = arith.mulf %slice3A_22, %slice3A_24 : vector<1x1024xf32>
    %sub3A_81 = arith.subf %mul3A_79, %mul3A_80 : vector<1x1024xf32>
    %mul3A_82 = arith.mulf %slice3A_22, %slice3A_23 : vector<1x1024xf32>
    %mul3A_83 = arith.mulf %slice3A_20, %slice3A_25 : vector<1x1024xf32>
    %sub3A_84 = arith.subf %mul3A_82, %mul3A_83 : vector<1x1024xf32>
    %mul3A_85 = arith.mulf %slice3A_20, %slice3A_24 : vector<1x1024xf32>
    %mul3A_86 = arith.mulf %slice3A_21, %slice3A_23 : vector<1x1024xf32>
    %sub3A_87 = arith.subf %mul3A_85, %mul3A_86 : vector<1x1024xf32>
    %mul3A_88 = arith.mulf %sub3A_81, %sub3A_81 : vector<1x1024xf32>
    %mul3A_89 = arith.mulf %sub3A_84, %sub3A_84 : vector<1x1024xf32>
    %add3A_90 = arith.addf %mul3A_88, %mul3A_89 : vector<1x1024xf32>
    %mul3A_91 = arith.mulf %sub3A_87, %sub3A_87 : vector<1x1024xf32>
    %add3A_92 = arith.addf %add3A_90, %mul3A_91 : vector<1x1024xf32>
    %add3A_93 = arith.constant 9.99999996E-13 : f32
    %add3A_94 = vector.broadcast %add3A_93 : f32 to vector<1x1024xf32>
    %add3A_95 = arith.addf %add3A_92, %add3A_94 : vector<1x1024xf32>
    %sqrt3A_96 = math.sqrt %add3A_95 : vector<1x1024xf32>
    %mul3A_97 = arith.mulf %slice3A_20, %slice3A_23 : vector<1x1024xf32>
    %mul3A_98 = arith.mulf %slice3A_21, %slice3A_24 : vector<1x1024xf32>
    %add3A_99 = arith.addf %mul3A_97, %mul3A_98 : vector<1x1024xf32>
    %mul3A_100 = arith.mulf %slice3A_22, %slice3A_25 : vector<1x1024xf32>
    %add3A_101 = arith.addf %add3A_99, %mul3A_100 : vector<1x1024xf32>
    %atan23A_102 = math.atan2 %sqrt3A_96, %add3A_101 : vector<1x1024xf32>
    %broadcast_in_dim3A = arith.constant 0.000000e+00 : f32
    %broadcast_in_dim3A_103 = vector.broadcast %broadcast_in_dim3A : f32 to vector<4x1024xf32>
    %concatenate3A = tpu.concatenate %sqrt3A, %atan23A, %atan23A_78, %atan23A_102, %broadcast_in_dim3A_103 in 0 : vector<1x1024xf32>, vector<1x1024xf32>, vector<1x1024xf32>, vector<1x1024xf32>, vector<4x1024xf32> -> vector<8x1024xf32>
    %get3A_104 = arith.constant 0 : index
    %get3A_105 = arith.constant 0 : index
    %get3A_106 = vector.load %arg4[%get3A_104, %get3A_105] : memref<64x256xf32, #tpu.memory_space<vmem>>, vector<64x256xf32>
    %dot_general3A = arith.constant dense<0.000000e+00> : vector<1024x256xf32>
    %dot_general3A_107 = tpu.matmul %bitcast_convert_type3A_4, %get3A_106, %dot_general3A {dimension_numbers = #tpu.dot_dimension_numbers<[1], [0], [0], [1], [0, 0, 1, 1], [], []>, transpose_lhs_hint = false} : vector<1024x64xf32>, vector<64x256xf32>, vector<1024x256xf32> -> vector<1024x256xf32>
    %get3A_108 = arith.constant 0 : index
    %get3A_109 = arith.constant 0 : index
    %get3A_110 = vector.load %arg5[%get3A_108, %get3A_109] : memref<64x256xf32, #tpu.memory_space<vmem>>, vector<64x256xf32>
    %dot_general3A_111 = arith.constant dense<0.000000e+00> : vector<1024x256xf32>
    %dot_general3A_112 = tpu.matmul %bitcast_convert_type3A_7, %get3A_110, %dot_general3A_111 {dimension_numbers = #tpu.dot_dimension_numbers<[1], [0], [0], [1], [0, 0, 1, 1], [], []>, transpose_lhs_hint = false} : vector<1024x64xf32>, vector<64x256xf32>, vector<1024x256xf32> -> vector<1024x256xf32>
    %add3A_113 = arith.addf %dot_general3A_107, %dot_general3A_112 : vector<1024x256xf32>
    %get3A_114 = arith.constant 0 : index
    %get3A_115 = arith.constant 0 : index
    %get3A_116 = vector.load %arg6[%get3A_114, %get3A_115] : memref<8x256xf32, #tpu.memory_space<vmem>>, vector<8x256xf32>
    %dot_general3A_117 = arith.constant dense<0.000000e+00> : vector<1024x256xf32>
    %dot_general3A_118 = tpu.matmul %concatenate3A, %get3A_116, %dot_general3A_117 {dimension_numbers = #tpu.dot_dimension_numbers<[0], [0], [1], [1], [0, 1, 1, 1], [], []>, transpose_lhs_hint = false} : vector<8x1024xf32>, vector<8x256xf32>, vector<1024x256xf32> -> vector<1024x256xf32>
    %add3A_119 = arith.addf %add3A_113, %dot_general3A_118 : vector<1024x256xf32>
    %get3A_120 = arith.constant 0 : index
    %get3A_121 = arith.constant 0 : index
    %get3A_122 = vector.load %arg7[%get3A_120, %get3A_121] : memref<1x256xf32, #tpu.memory_space<vmem>>, vector<1x256xf32>
    %add3A_123 = vector.broadcast %get3A_122 : vector<1x256xf32> to vector<1024x256xf32>
    %add3A_124 = arith.addf %add3A_119, %add3A_123 : vector<1024x256xf32>
    %max3A = arith.constant 0.000000e+00 : f32
    %max3A_125 = vector.broadcast %max3A : f32 to vector<1024x256xf32>
    %max3A_126 = arith.maximumf %add3A_124, %max3A_125 : vector<1024x256xf32>
    %get3A_127 = arith.constant 0 : index
    %get3A_128 = arith.constant 0 : index
    %get3A_129 = vector.load %arg8[%get3A_127, %get3A_128] : memref<256x256xf32, #tpu.memory_space<vmem>>, vector<256x256xf32>
    %dot_general3A_130 = arith.constant dense<0.000000e+00> : vector<1024x256xf32>
    %dot_general3A_131 = tpu.matmul %max3A_126, %get3A_129, %dot_general3A_130 {dimension_numbers = #tpu.dot_dimension_numbers<[1], [0], [0], [1], [0, 0, 1, 1], [], []>, transpose_lhs_hint = false} : vector<1024x256xf32>, vector<256x256xf32>, vector<1024x256xf32> -> vector<1024x256xf32>
    %get3A_132 = arith.constant 0 : index
    %get3A_133 = arith.constant 0 : index
    %get3A_134 = vector.load %arg9[%get3A_132, %get3A_133] : memref<1x256xf32, #tpu.memory_space<vmem>>, vector<1x256xf32>
    %add3A_135 = vector.broadcast %get3A_134 : vector<1x256xf32> to vector<1024x256xf32>
    %add3A_136 = arith.addf %dot_general3A_131, %add3A_135 : vector<1024x256xf32>
    %max3A_137 = arith.constant 0.000000e+00 : f32
    %max3A_138 = vector.broadcast %max3A_137 : f32 to vector<1024x256xf32>
    %max3A_139 = arith.maximumf %add3A_136, %max3A_138 : vector<1024x256xf32>
    %iota3A = tpu.iota {dimensions = array<i32: 0>} : vector<32x1024xi32>
    %iota3A_140 = tpu.iota {dimensions = array<i32: 1>} : vector<32x1024xi32>
    %jit3A = arith.constant 32 : i32
    %div3A = vector.broadcast %jit3A : i32 to vector<32x1024xi32>
    %div3A_141 = arith.divsi %iota3A_140, %div3A : vector<32x1024xi32>
    %sign3A = arith.constant 0 : i32
    %sign3A_142 = vector.broadcast %sign3A : i32 to vector<32x1024xi32>
    %sign3A_143 = arith.cmpi sgt, %iota3A_140, %sign3A_142 : vector<32x1024xi32>
    %sign3A_144 = arith.extui %sign3A_143 : vector<32x1024xi1> to vector<32x1024xi32>
    %sign3A_145 = arith.constant 0 : i32
    %sign3A_146 = vector.broadcast %sign3A_145 : i32 to vector<32x1024xi32>
    %sign3A_147 = arith.cmpi slt, %iota3A_140, %sign3A_146 : vector<32x1024xi32>
    %sign3A_148 = arith.extui %sign3A_147 : vector<32x1024xi1> to vector<32x1024xi32>
    %sign3A_149 = arith.subi %sign3A_144, %sign3A_148 : vector<32x1024xi32>
    %sign3A_150 = arith.constant 0 : i32
    %sign3A_151 = arith.cmpi sgt, %jit3A, %sign3A_150 : i32
    %sign3A_152 = arith.extui %sign3A_151 : i1 to i32
    %sign3A_153 = arith.constant 0 : i32
    %sign3A_154 = arith.cmpi slt, %jit3A, %sign3A_153 : i32
    %sign3A_155 = arith.extui %sign3A_154 : i1 to i32
    %sign3A_156 = arith.subi %sign3A_152, %sign3A_155 : i32
    %ne3A = vector.broadcast %sign3A_156 : i32 to vector<32x1024xi32>
    %ne3A_157 = arith.cmpi ne, %sign3A_149, %ne3A : vector<32x1024xi32>
    %rem3A = vector.broadcast %jit3A : i32 to vector<32x1024xi32>
    %rem3A_158 = arith.remsi %iota3A_140, %rem3A : vector<32x1024xi32>
    %ne3A_159 = arith.constant 0 : i32
    %ne3A_160 = vector.broadcast %ne3A_159 : i32 to vector<32x1024xi32>
    %ne3A_161 = arith.cmpi ne, %rem3A_158, %ne3A_160 : vector<32x1024xi32>
    %and3A_162 = arith.andi %ne3A_157, %ne3A_161 : vector<32x1024xi1>
    %sub3A_163 = arith.constant 1 : i32
    %sub3A_164 = vector.broadcast %sub3A_163 : i32 to vector<32x1024xi32>
    %sub3A_165 = arith.subi %div3A_141, %sub3A_164 : vector<32x1024xi32>
    %select_n3A = arith.select %and3A_162, %sub3A_165, %div3A_141 : vector<32x1024xi1>, vector<32x1024xi32>
    %iota3A_166 = tpu.iota {dimensions = array<i32: 1>} : vector<32x1024xi32>
    %jit3A_167 = arith.constant 32 : i32
    %eq3A = arith.constant 0 : i32
    %eq3A_168 = arith.cmpi eq, %jit3A_167, %eq3A : i32
    %jit3A_169 = arith.constant 1 : i32
    %select_n3A_170 = arith.select %eq3A_168, %jit3A_169, %jit3A_167 : i32
    %rem3A_171 = vector.broadcast %select_n3A_170 : i32 to vector<32x1024xi32>
    %rem3A_172 = arith.remsi %iota3A_166, %rem3A_171 : vector<32x1024xi32>
    %ne3A_173 = arith.constant 0 : i32
    %ne3A_174 = vector.broadcast %ne3A_173 : i32 to vector<32x1024xi32>
    %ne3A_175 = arith.cmpi ne, %rem3A_172, %ne3A_174 : vector<32x1024xi32>
    %lt3A = arith.constant 0 : i32
    %lt3A_176 = vector.broadcast %lt3A : i32 to vector<32x1024xi32>
    %lt3A_177 = arith.cmpi slt, %rem3A_172, %lt3A_176 : vector<32x1024xi32>
    %lt3A_178 = arith.constant 0 : i32
    %lt3A_179 = arith.cmpi slt, %select_n3A_170, %lt3A_178 : i32
    %ne3A_180 = vector.broadcast %lt3A_179 : i1 to vector<32x1024xi1>
    %ne3A_181 = vector.broadcast %ne3A_180 : vector<32x1024xi1> to vector<32x1024xi1>
    %ne3A_182 = arith.xori %lt3A_177, %ne3A_181 : vector<32x1024xi1>
    %and3A_183 = arith.andi %ne3A_182, %ne3A_175 : vector<32x1024xi1>
    %add3A_184 = vector.broadcast %select_n3A_170 : i32 to vector<32x1024xi32>
    %add3A_185 = arith.addi %rem3A_172, %add3A_184 : vector<32x1024xi32>
    %select_n3A_186 = arith.select %and3A_183, %add3A_185, %rem3A_172 : vector<32x1024xi1>, vector<32x1024xi32>
    %get3A_187 = arith.constant 0 : index
    %get3A_188 = arith.constant 0 : index
    %get3A_189 = vector.load %arg3[%get3A_187, %get3A_188] : memref<32x8xf32, #tpu.memory_space<vmem>>, vector<32x8xf32>
    %slice3A_190 = vector.extract_strided_slice %get3A_189 {offsets = [0, 0], sizes = [32, 1], strides = [1, 1]} : vector<32x8xf32> to vector<32x1xf32>
    %eq3A_191 = arith.cmpi eq, %iota3A, %select_n3A : vector<32x1024xi32>
    %convert_element_type3A = arith.sitofp %select_n3A_186 : vector<32x1024xi32> to vector<32x1024xf32>
    %lt3A_192 = vector.broadcast %slice3A_190 : vector<32x1xf32> to vector<32x1024xf32>
    %lt3A_193 = arith.cmpf olt, %convert_element_type3A, %lt3A_192 : vector<32x1024xf32>
    %and3A_194 = arith.andi %eq3A_191, %lt3A_193 : vector<32x1024xi1>
    %jit3A_195 = arith.constant 1.000000e+00 : f32
    %jit3A_196 = arith.constant 0.000000e+00 : f32
    %broadcast_in_dim3A_197 = vector.broadcast %jit3A_195 : f32 to vector<32x1024xf32>
    %broadcast_in_dim3A_198 = vector.broadcast %jit3A_196 : f32 to vector<32x1024xf32>
    %select_n3A_199 = arith.select %and3A_194, %broadcast_in_dim3A_197, %broadcast_in_dim3A_198 : vector<32x1024xi1>, vector<32x1024xf32>
    %dot_general3A_200 = arith.constant dense<0.000000e+00> : vector<32x256xf32>
    %dot_general3A_201 = tpu.matmul %select_n3A_199, %max3A_139, %dot_general3A_200 {dimension_numbers = #tpu.dot_dimension_numbers<[1], [0], [0], [1], [0, 0, 1, 1], [], []>, transpose_lhs_hint = false} : vector<32x1024xf32>, vector<1024x256xf32>, vector<32x256xf32> -> vector<32x256xf32>
    %max3A_202 = arith.constant 1.000000e+00 : f32
    %max3A_203 = vector.broadcast %max3A_202 : f32 to vector<32x1xf32>
    %max3A_204 = arith.maximumf %slice3A_190, %max3A_203 : vector<32x1xf32>
    %div3A_205 = vector.broadcast %max3A_204 : vector<32x1xf32> to vector<32x256xf32>
    %div3A_206 = arith.divf %dot_general3A_201, %div3A_205 : vector<32x256xf32>
    %get3A_207 = arith.constant 0 : index
    %get3A_208 = arith.constant 0 : index
    %get3A_209 = vector.load %arg10[%get3A_207, %get3A_208] : memref<256x128xf32, #tpu.memory_space<vmem>>, vector<256x128xf32>
    %dot_general3A_210 = arith.constant dense<0.000000e+00> : vector<32x128xf32>
    %dot_general3A_211 = tpu.matmul %div3A_206, %get3A_209, %dot_general3A_210 {dimension_numbers = #tpu.dot_dimension_numbers<[1], [0], [0], [1], [0, 0, 1, 1], [], []>, transpose_lhs_hint = false} : vector<32x256xf32>, vector<256x128xf32>, vector<32x128xf32> -> vector<32x128xf32>
    %get3A_212 = arith.constant 0 : index
    %get3A_213 = arith.constant 0 : index
    %get3A_214 = vector.load %arg11[%get3A_212, %get3A_213] : memref<1x128xf32, #tpu.memory_space<vmem>>, vector<1x128xf32>
    %add3A_215 = vector.broadcast %get3A_214 : vector<1x128xf32> to vector<32x128xf32>
    %add3A_216 = arith.addf %dot_general3A_211, %add3A_215 : vector<32x128xf32>
    %max3A_217 = arith.constant 0.000000e+00 : f32
    %max3A_218 = vector.broadcast %max3A_217 : f32 to vector<32x128xf32>
    %max3A_219 = arith.maximumf %add3A_216, %max3A_218 : vector<32x128xf32>
    %swap3A = arith.constant 0 : index
    %swap3A_220 = arith.constant 0 : index
    %swap3A_221 = vector.load %arg12[%swap3A, %swap3A_220] : memref<32x128xf32, #tpu.memory_space<vmem>>, vector<32x128xf32>
    tpu.vector_store %arg12[%swap3A, %swap3A_220], %max3A_219 {strides = array<i32>} : memref<32x128xf32, #tpu.memory_space<vmem>>, vector<32x128xf32>,
    return
  }
  func.func @transform_0(%arg0: i32) -> (i32, i32) {
    %c0_i32 = arith.constant 0 : i32
    %c0_i32_0 = arith.constant 0 : i32
    return %arg0, %c0_i32 : i32, i32
  }
  func.func @transform_1(%arg0: i32) -> (i32, i32) {
    %c0_i32 = arith.constant 0 : i32
    %c0_i32_0 = arith.constant 0 : i32
    return %c0_i32, %arg0 : i32, i32
  }
  func.func @transform_2(%arg0: i32) -> (i32, i32) {
    %c0_i32 = arith.constant 0 : i32
    %c0_i32_0 = arith.constant 0 : i32
    return %arg0, %c0_i32 : i32, i32
  }
  func.func @transform_3(%arg0: i32) -> (i32, i32) {
    %c0_i32 = arith.constant 0 : i32
    %c0_i32_0 = arith.constant 0 : i32
    %c0_i32_1 = arith.constant 0 : i32
    return %c0_i32, %c0_i32_0 : i32, i32
  }
  func.func @transform_4(%arg0: i32) -> (i32, i32) {
    %c0_i32 = arith.constant 0 : i32
    %c0_i32_0 = arith.constant 0 : i32
    %c0_i32_1 = arith.constant 0 : i32
    return %c0_i32, %c0_i32_0 : i32, i32
  }
  func.func @transform_5(%arg0: i32) -> (i32, i32) {
    %c0_i32 = arith.constant 0 : i32
    %c0_i32_0 = arith.constant 0 : i32
    %c0_i32_1 = arith.constant 0 : i32
    return %c0_i32, %c0_i32_0 : i32, i32
  }
  func.func @transform_6(%arg0: i32) -> (i32, i32) {
    %c0_i32 = arith.constant 0 : i32
    %c0_i32_0 = arith.constant 0 : i32
    %c0_i32_1 = arith.constant 0 : i32
    return %c0_i32, %c0_i32_0 : i32, i32
  }
  func.func @transform_7(%arg0: i32) -> (i32, i32) {
    %c0_i32 = arith.constant 0 : i32
    %c0_i32_0 = arith.constant 0 : i32
    %c0_i32_1 = arith.constant 0 : i32
    return %c0_i32, %c0_i32_0 : i32, i32
  }
  func.func @transform_8(%arg0: i32) -> (i32, i32) {
    %c0_i32 = arith.constant 0 : i32
    %c0_i32_0 = arith.constant 0 : i32
    %c0_i32_1 = arith.constant 0 : i32
    return %c0_i32, %c0_i32_0 : i32, i32
  }
  func.func @transform_9(%arg0: i32) -> (i32, i32) {
    %c0_i32 = arith.constant 0 : i32
    %c0_i32_0 = arith.constant 0 : i32
    %c0_i32_1 = arith.constant 0 : i32
    return %c0_i32, %c0_i32_0 : i32, i32
  }
  func.func @transform_10(%arg0: i32) -> (i32, i32) {
    %c0_i32 = arith.constant 0 : i32
    %c0_i32_0 = arith.constant 0 : i32
    %c0_i32_1 = arith.constant 0 : i32
    return %c0_i32, %c0_i32_0 : i32, i32
  }
  func.func @transform_11(%arg0: i32) -> (i32, i32) {
    %c0_i32 = arith.constant 0 : i32
    %c0_i32_0 = arith.constant 0 : i32
    return %arg0, %c0_i32 : i32, i32
  }
}

</mosaic_0001>

<sc_bundles>
// kernel: kernel.6.cloned.1.call-start
scs
__scs_entry_jumppad:
0x0: {  	(pc) =	sbr.rel $0x88, $3  }
0x1: {  	(tag) =	ssettag $0x0;
	lr =	simm.s32 $0x1  }
0x2: {  	[smem:$0x3F98] =	sst lr;
	_ =	strace $0xD0000000  }
0x3: {  	_ = 	snop  }
0x4: {  	_ = 	snop  }
0x5: {  	_ = 	snop  }
0x6: {  	_ = 	snop  }
0x7: {  	_ = 	snop  }
__scs_overlays_trampoline_lowered:
0x8: {  	[smem:$0x3FA7] =	sst s0  }
0x9: {  	[smem:$0x3FA8] =	sst s1  }
0xa: {  	[smem:$0x3FA9] =	sst s2  }
0xb: {  	[smem:$0x3FAA] =	sst s3  }
0xc: {  	[smem:$0x3FAB] =	sst s4  }
0xd: {  	[smem:$0x3FAC] =	sst s5  }
0xe: {  	[smem:$0x3FAD] =	sst s6  }
0xf: {  	[smem:$0x3FAE] =	sst s7  }
0x10: {  	[smem:$0x3FAF] =	sst s8  }
0x11: {  	[smem:$0x3FB0] =	sst s9;
	s0 =	simm.s32 @!p0 $0x0  }
0x12: {  	s1 =	sld [smem:$0x3F96];
	s0 =	simm.s32 @p0 $0x1  }
0x13: {  	[smem:$0x3FB1] =	sst s0;
	s0 =	simm.s32 @!p1 $0x0  }
0x14: {  	s2 =	sld [smem:$0x3F95];
	s0 =	simm.s32 @p1 $0x1  }
0x15: {  	[smem:$0x3FB2] =	sst s0;
	s0 =	simm.s32 @!p2 $0x0  }
0x16: {  	s3 =	sld [smem:$0x3FDB];
	s0 =	simm.s32 @p2 $0x1  }
0x17: {  	s4 =	simm.s32 $0x1BF5;
	[smem:$0x3FB4] =	sst s0  }
0x18: {  	s0 =	sld [smem:$0x3F97];
	_ =	swait.ge [sflag:s4], $0x0  }
0x19: {  	s7 =	sld [smem:$0x3F98]  }
0x1a: {  	s8 =	sadd.s32 $0xFFFFE003, lr  }
0x1b: {  	s9 =	sadd.s32 $0xFFFFFEF7, lr;
	s5 =	simm.s32 $0xFFFFFFFF;
	p2 =	slt.u32 s8, $0xFFFFF086  }
0x1c: {  	p1 =	slt.u32 s9, $0xF7A;
	s5 =	simm.s32 @!p2 $0x0  }
0x1d: {  	s5 =	simm.s32 @p1 $0x1;
	p0 =	seq.s32 s7, s2  }
0x1e: {  	s7 =	smul.u32 @!p0 $0xF7A, s2;
	p2 =	seq.s32 @!p0 s5, $0x0  }
0x1f: {  	s9 =	smul.u32 $0xF7A, s1;
	s8 =	simm.s32 @!p0 $0x1BF5;
	p2 =	por !p2, p0  }
0x20: {  	[sflag:s8] =	ssyncset.s32 @!p0 $0xFFFFF086;
	s6 =	sadd.s32 @!p0 s3, s7;
	s7 =	simm.s32 @!p0 $0x108  }
0x21: {  	s3 =	sadd.s32 s3, s9;
	s6 =	sadd.s32 @!p0 $0x88, s6;
	s7 =	simm.s32 @p2 $0x1082  }
0x22: {  	[simem:s7], [sflag:s8] =	dma.local @!p0 [hbm:s6], $0xF7A  }
0x23: {  	s9 =	sor.u32 $0xD0000000, s2;
	s6 =	simm.s32 $0x108;
	_ =	swait.ge @!p0 [sflag:s8], $0x0  }
0x24: {  	s3 =	sadd.s32 $0x88, s3;
	s6 =	simm.s32 @!p1 $0x1082;
	[sflag:s4] =	ssyncset.s32 $0xFFFFF086  }
0x25: {  	[simem:s6], [sflag:s4] =	dma.local [hbm:s3], $0xF7A  }
0x26: {  	[smem:$0x3F98] =	sst s1;
	(tag) =	ssettag s2;
	_ =	strace s9  }
0x27: {  	s1 =	sld [smem:$0x3FA8]  }
0x28: {  	s2 =	sld [smem:$0x3FA9]  }
0x29: {  	s4 =	sld [smem:$0x3FAB]  }
0x2a: {  	p0 =	seq.s32 s5, $0x0;
	s5 =	sld [smem:$0x3FAC]  }
0x2b: {  	s6 =	sld [smem:$0x3FAD]  }
0x2c: {  	s7 =	sld [smem:$0x3FAE]  }
0x2d: {  	s3 =	simm.s32 $0x108;
	s8 =	sld [smem:$0x3FAF]  }
0x2e: {  	s3 =	simm.s32 @!p0 $0x1082;
	s9 =	sld [smem:$0x3FB0]  }
0x2f: {  	lr =	sadd.s32 s0, s3;
	s0 =	sld [smem:$0x3FA7]  }
0x30: {  	s3 =	sld [smem:$0x3FAA]  }
0x31: {  	[smem:$0x3FB3] =	sst s10  }
0x32: {  	s10 =	sld [smem:$0x3FB1];
	_ =	sdelay $0x3  }
0x33: {  	p0 =	seq.s32 s10, $0x1;
	s10 =	sld [smem:$0x3FB3];
	_ =	sdelay $0x3  }
0x34: {  	[smem:$0x3FB3] =	sst s10  }
0x35: {  	s10 =	sld [smem:$0x3FB2];
	_ =	sdelay $0x3  }
0x36: {  	p1 =	seq.s32 s10, $0x1;
	s10 =	sld [smem:$0x3FB3];
	_ =	sdelay $0x3  }
0x37: {  	[smem:$0x3FB3] =	sst s10  }
0x38: {  	s10 =	sld [smem:$0x3FB4]  }
0x39: {  	_ = 	snop;
	(pc) =	sbr.ind lr, $3  }
0x3a: {  	_ = 	snop  }
0x3b: {  	_ = 	snop  }
0x3c: {  	p2 =	seq.s32 s10, $0x1;
	s10 =	sld [smem:$0x3FB3]  }
0x3d: {  	_ =	shalt  }
0x3e: {  	_ =	shalt  }
0x3f: {  	_ =	shalt  }
0x40: {  	_ =	shalt  }
0x41: {  	_ =	shalt  }
0x42: {  	_ =	shalt  }
0x43: {  	_ =	shalt  }
0x44: {  	_ =	shalt  }
0x45: {  	_ =	shalt  }
0x46: {  	_ =	shalt  }
0x47: {  	_ =	shalt  }
0x48: {  	_ =	shalt  }
0x49: {  	_ =	shalt  }
0x4a: {  	_ =	shalt  }
0x4b: {  	_ =	shalt  }
0x4c: {  	_ =	shalt  }
0x4d: {  	_ =	shalt  }
0x4e: {  	_ =	shalt  }
0x4f: {  	_ =	shalt  }
0x50: {  	_ =	shalt  }
0x51: {  	_ =	shalt  }
0x52: {  	_ =	shalt  }
0x53: {  	_ =	shalt  }
0x54: {  	_ =	shalt  }
0x55: {  	_ =	shalt  }
0x56: {  	_ =	shalt  }
0x57: {  	_ =	shalt  }
0x58: {  	_ =	shalt  }
0x59: {  	_ =	shalt  }
0x5a: {  	_ =	shalt  }
0x5b: {  	_ =	shalt  }
0x5c: {  	_ =	shalt  }
0x5d: {  	_ =	shalt  }
0x5e: {  	_ =	shalt  }
0x5f: {  	_ =	shalt  }
0x60: {  	_ =	shalt  }
0x61: {  	_ =	shalt  }
0x62: {  	_ =	shalt  }
0x63: {  	_ =	shalt  }
0x64: {  	_ =	shalt  }
0x65: {  	_ =	shalt  }
0x66: {  	_ =	shalt  }
0x67: {  	_ =	shalt  }
0x68: {  	_ =	shalt  }
0x69: {  	_ =	shalt  }
0x6a: {  	_ =	shalt  }
0x6b: {  	_ =	shalt  }
0x6c: {  	_ =	shalt  }
0x6d: {  	_ =	shalt  }
0x6e: {  	_ =	shalt  }
0x6f: {  	_ =	shalt  }
0x70: {  	_ =	shalt  }
0x71: {  	_ =	shalt  }
0x72: {  	_ =	shalt  }
0x73: {  	_ =	shalt  }
0x74: {  	_ =	shalt  }
0x75: {  	_ =	shalt  }
0x76: {  	_ =	shalt  }
0x77: {  	_ =	shalt  }
0x78: {  	_ =	shalt  }
0x79: {  	_ =	shalt  }
0x7a: {  	_ =	shalt  }
0x7b: {  	_ =	shalt  }
0x7c: {  	_ =	shalt  }
0x7d: {  	_ =	shalt  }
0x7e: {  	_ =	shalt  }
0x7f: {  	_ =	shalt  }
0x80: {  	_ =	shalt  }
0x81: {  	_ =	shalt  }
0x82: {  	_ =	shalt  }
0x83: {  	_ =	shalt  }
0x84: {  	_ =	shalt  }
0x85: {  	_ =	shalt  }
0x86: {  	_ =	shalt  }
0x87: {  	_ =	shalt  }
.Lfunc_end0:
.L_simem_size_0:
called_computation_lowered:
.L_overlay_start_0:
0x88: {  	s2 =	sld [smem:$0x3FD9]  }
0x89: {  	s3 =	sld [smem:$0x3FFE];
	_ =	sdelay $0x1  }
0x8a: {  	s1 =	srdreg.scid  }
0x8b: {  	s0 =	sand.u32 $0x1, s1  }
0x8c: {  	s14 =	sshll.u32 s0, $0xA;
	s2 =	sadd.s32 s3, s2  }
0x8d: {  	s2 =	sadd.s32 s2, s14  }
0x8e: {  	[smem:$0x3FBF] =	sst s2  }
0x8f: {  	_ = 	snop  }
0x90: {  	s2 =	sld [smem:$0x3FD0];
	_ =	sdelay $0x2  }
0x91: {  	s15 =	simm.s32 $0xA;
	s4 =	simm.s32 $0x10  }
0x92: {  	[smem:s4], [sflag:s15] =	dma.local [hbm:s2], $0x1  }
0x93: {  	_ =	swait.eq [sflag:s15], $0x1  }
0x94: {  	[sflag:s15] =	ssyncset.done $0x0  }
0x95: {  	[sflag:s15] =	ssyncadd.s32 $0xFFFFFFFF  }
0x96: {  	s16 =	sld [smem:$0x10];
	(tm) =	ssettm $0x1  }
0x97: {  	s17 =	sld [smem:$0x3FFB];
	_ =	sdelay $0x3  }
0x98: {  	_ =	strace s17  }
0x99: {  	s3 =	sld [smem:$0x3FFC];
	_ =	sdelay $0x3  }
0x9a: {  	_ =	strace s3  }
0x9b: {  	s3 =	sld [smem:$0x3FFD];
	_ =	sdelay $0x3  }
0x9c: {  	_ =	strace s3  }
0x9d: {  	_ =	strace $0x8FFFFFFF  }
0x9e: {  	s18 =	sld [smem:$0x3FDB];
	_ =	sdelay $0x1  }
0x9f: {  	s19 =	simm.s32 $_scs_section_size  }
0xa0: {  	s5 =	simm.s32 $_size__tile_overlayer_lowered;
	s6 =	simm.s32 $_tile_overlayer_lowered  }
0xa1: {  	s22 =	simm.s32 $0x1BFF;
	s21 =	sshll.u32 s6, $0x1;
	s3 =	sadd.s32 s19, s18  }
0xa2: {  	s7 =	simm.s32 $0x0;
	s20 =	sshll.u32 s5, $0x1;
	s5 =	sadd.s32 s21, s3  }
0xa3: {  	[timem:s7], [sflag:s22] =	dma.local [hbm:s5], s20  }
0xa4: {  	_ =	swait.ge [sflag:s22], s20  }
0xa5: {  	s4 =	ssub.s32 $0x0, s20;
	[sflag:s22] =	ssyncset.done $0x0  }
0xa6: {  	[sflag:s22] =	ssyncadd.s32 s4;
	_ =	sdelay $0x1  }
0xa7: {  	s23 =	simm.s32 $0x1B8B  }
0xa8: {  	_ =	swait.ge [sflag:s23], $0x1  }
0xa9: {  	[sflag:s23] =	ssyncset.done $0x0  }
0xaa: {  	s25 =	simm.s32 $0x1B8E;
	s24 =	sld [smem:$0x3FFE];
	[sflag:s23] =	ssyncadd.s32 $0xFFFFFFFF  }
0xab: {  	s26 =	simm.s32 $execute0_lowered;
	[smem:$0x3FD2] =	sst s25  }
0xac: {  	s5 =	sshll.u32 s26, $0x1;
	_ =	strace $0x80000046;
	[dreg:$0x1] =	wrdreg $0xFFFFFFFF  }
0xad: {  	s28 =	simm.s32 $_size_execute0_lowered;
	s3 =	sadd.s32 s3, s5;
	[dreg:$0x0] =	wrdreg $0x0  }
0xae: {  	s5 =	sshll.u32 s28, $0x1;
	[dreg:$0x2] =	wrdreg s3  }
0xaf: {  	[dreg:$0x3] =	wrdreg s5  }
0xb0: {  	[dreg:$0x4] =	wrdreg $0xC0  }
0xb1: {  	_ =	task [dreg:s7], $0x5FFFF  }
0xb2: {  	[dreg:$0x1] =	wrdreg $0xFFFFFFFF  }
0xb3: {  	[dreg:$0x0] =	wrdreg $0x60  }
0xb4: {  	[dreg:$0x2] =	wrdreg s24  }
0xb5: {  	[dreg:$0x3] =	wrdreg s16  }
0xb6: {  	[dreg:$0x4] =	wrdreg $0x9  }
0xb7: {  	_ =	task.clear_ibuf [dreg:s7], $0x5FFFF;
	_ =	strace $0x90000046  }
0xb8: {  	s29 =	simm.s32 $0x9;
	_ =	strace $0x80000048  }
0xb9: {  	_ =	swait.ge [sflag:s29], $0x1  }
0xba: {  	[sflag:s29] =	ssyncadd.s32 $0xFFFFFFFF  }
0xbb: {  	_ =	strace $0x90000048  }
0xbc: {  	_ =	sfence  }
0xbd: {  	s30 =	sld [smem:$0x0];
	_ =	sdelay $0x2  }
0xbe: {  	s31 =	sshll.u32 s1, $0xD;
	s1 =	sshrl.u32 s1, $0x2  }
0xbf: {  	s3 =	sand.u32 $0x4000, s31;
	s1 =	sadd.s32 s1, s30  }
0xc0: {  	s0 =	sor.u32 s3, s0;
	s1 =	sshll.u32 s1, $0x11  }
0xc1: {  	s0 =	sor.u32 s1, s0  }
0xc2: {  	s0 =	sadd.s32 $0x8F2B, s0  }
0xc3: {  	[sflag:s0] =	ssyncadd.remote.s32 $0x1  }
0xc4: {  	_ =	sfence.sel $0xFFFF  }
0xc5: {  	[dreg:$0x0] =	wrdreg $0xFFFFFFFF;
	(pc) =	sbr.abs _section_cstart, $3  }
0xc6: {  	[dreg:$0x1] =	wrdreg $0xFFFFFFFF  }
0xc7: {  	_ =	task.clear_ibuf [dreg:s7], $0x2FFFF;
	_ =	strace $0x9FFFFFFF  }
0xc8: {  	(tm) =	ssettm $0x7FFFFFFF  }
0xc9: {  	_ =	shalt  }
tec
execute0_lowered:
.L_overlay_start_1:
0x0: {  	(tag) =	ssettag $0x1  }
0x1: {  	s0 =	srdreg.scid;
	s2 =	stileid.u32  }
0x2: {  	s0 =	sand.u32 $0x1, s0;
	s2 =	sshll.u32 s2, $0x1  }
0x3: {  	s1 =	rddreg [dreg:$0x0];
	s4 =	sor.u32 s0, s2  }
0x4: {  	s3 =	rddreg [dreg:$0x1];
	s2 =	simm.s32 $0x0;
	s5 =	smul.u32 $0x180, s4  }
0x5: {  	s24 =	simm.s32 $0x100;
	[smem:$0x7FF] =	sst s2;
	s6 =	smul.u32 $0xA000, s4  }
0x6: {  	s7 =	sadd.s32 $0x29000, s1;
	s4 =	smul.u32 $0x50000, s4;
	_ =	strace $0x80000047  }
0x7: {  	[dreg:$0x17] =	wrdreg s24;
	s3 =	sadd.s32 s3, s5;
	s23 =	sadd.s32 s7, s6  }
0x8: {  	s31 =	simm.s32 $0x7;
	[dreg:$0x3] =	wrdreg s3;
	s25 =	sadd.s32 $0x800, s23  }
0x9: {  	s4 =	sshrl.u32 s4, $0x3;
	s26 =	sadd.s32 $0x1000, s23;
	[dreg:$0x4] =	wrdreg s25  }
0xa: {  	s5 =	sadd.s32 $0x1800, s23;
	s4 =	sadd.s32 s7, s4;
	[dreg:$0x5] =	wrdreg s26  }
0xb: {  	s30 =	simm.s32 $0x280;
	[dreg:$0x6] =	wrdreg s5;
	s6 =	sadd.s32 $0x2000, s4  }
0xc: {  	s29 =	simm.s32 $0x300;
	s7 =	sadd.s32 $0x2800, s4;
	[dreg:$0x7] =	wrdreg s6  }
0xd: {  	s28 =	simm.s32 $0x380;
	s8 =	sadd.s32 $0x3000, s4;
	[dreg:$0x8] =	wrdreg s7  }
0xe: {  	p0 =	por $0x0, $0x0;
	s9 =	sadd.s32 $0x3800, s4;
	[dreg:$0x9] =	wrdreg s8  }
0xf: {  	s0 =	ssub.s32 $0x2, s0;
	s10 =	sadd.s32 $0x4000, s4;
	[dreg:$0xa] =	wrdreg s9  }
0x10: {  	s20 =	sshrl.u32 s0, $0x1;
	s11 =	sadd.s32 $0x4800, s4;
	[dreg:$0xb] =	wrdreg s10  }
0x11: {  	s0 =	ssub.s32 s0, s20;
	s12 =	sadd.s32 $0x5000, s4;
	[dreg:$0xc] =	wrdreg s11  }
0x12: {  	s24 =	simm.s32 $0x500;
	s13 =	sadd.s32 $0x5800, s4;
	[dreg:$0xd] =	wrdreg s12  }
0x13: {  	s20 =	simm.s32 $0x680;
	s14 =	sadd.s32 $0x6000, s4;
	[dreg:$0xe] =	wrdreg s13  }
0x14: {  	s0 =	smax.u32 s0, $0x1;
	s15 =	sadd.s32 $0x6800, s4;
	[dreg:$0xf] =	wrdreg s14  }
0x15: {  	s3 =	simm.s32 $0x4C00;
	s16 =	sadd.s32 $0x7000, s4;
	[dreg:$0x10] =	wrdreg s15  }
0x16: {  	p1 =	sne.s32 s0, $0x1;
	s17 =	sadd.s32 $0x7800, s4;
	[dreg:$0x11] =	wrdreg s16  }
0x17: {  	s18 =	sadd.s32 $0x8000, s4;
	s19 =	sadd.s32 $0x8800, s4;
	[dreg:$0x12] =	wrdreg s17  }
0x18: {  	s21 =	sadd.s32 $0x9000, s4;
	s22 =	sadd.s32 $0x9800, s4;
	[dreg:$0x13] =	wrdreg s18  }
0x19: {  	s5 =	simm.s32 $0xC00;
	s25 =	simm.s32 $0x180;
	[dreg:$0x14] =	wrdreg s19  }
0x1a: {  	s26 =	simm.s32 $0x200;
	s4 =	simm.s32 $0x5;
	[dreg:$0x15] =	wrdreg s21  }
0x1b: {  	s9 =	sadd.s32 $0x1000, s1;
	[dreg:$0x16] =	wrdreg s22;
	s10 =	simm.s32 $0x80  }
0x1c: {  	s11 =	simm.s32 $0x8C00;
	s8 =	simm.s32 $0x1;
	[dreg:$0x18] =	wrdreg s25  }
0x1d: {  	s7 =	simm.s32 $0x4;
	s6 =	simm.s32 $0x2;
	[dreg:$0x19] =	wrdreg s26  }
.Ltmp0:
0x1e: {  	s13 =	simm.s32 $0x3;
	s12 =	simm.s32 $0x6;
	(pc) =	sbr.rel @!p1 .LBB2_3-.Ltmp0, $4  }
0x1f: {  	s26 =	simm.s32 $0x400;
	s25 =	simm.s32 $0x480;
	s22 =	simm.s32 $0x580  }
0x20: {  	s21 =	simm.s32 $0x600;
	s1 =	sadd.s32 $0xFFFFFFFF, s0;
	s19 =	simm.s32 $0x700  }
0x21: {  	s18 =	simm.s32 $0x780;
	s17 =	simm.s32 $0x800;
	s16 =	simm.s32 $0x880  }
0x22: {  	s15 =	simm.s32 $0x900;
	s14 =	simm.s32 $0x980;
	s0 =	rddreg [dreg:$0x3]  }
0x23: {  	[tilespmem:s2], [sflag:$0x7] =	stream.linear.gather [hbm4b:s0+s2], $0xA00, $0x38;
	[tilespmem:$0xCC00] =	vst v63  }
0x24: {  	_ =	swait.ge [sflag:s31], $0xA00  }
0x25: {  	[sflag:s31] =	ssyncset.done $0x0  }
0x26: {  	[sflag:s31] =	ssyncadd.s32 $0xFFFFF600  }
0x27: {  	[tilespmem:s5], [sflag:$0x1] =	stream.indirect.gather [hbm4b:s9+s10], $0x80, s2, s10, $0xb8;
	[tilespmem:$0xCC00] =	vst v63  }
0x28: {  	_ = 	snop  }
0x29: {  	[tilespmem:s3], [sflag:$0x2] =	stream.indirect.gather [hbm4b:s9+s10], $0x80, s10, s10, $0xb8;
	[tilespmem:$0xCC00] =	vst v63  }
0x2a: {  	s0 =	rddreg [dreg:$0x17]  }
0x2b: {  	[tilespmem:s11], [sflag:$0x3] =	stream.indirect.gather [hbm4b:s9+s10], $0x80, s0, s10, $0xb8;
	[tilespmem:$0xCC00] =	vst v63  }
0x2c: {  	_ =	swait.ge [sflag:s8], $0x4000  }
0x2d: {  	[sflag:s8] =	ssyncset.done $0x0  }
0x2e: {  	[sflag:s8] =	ssyncadd.s32 $0xFFFFC000  }
0x2f: {  	[hbm4b:s23+s2] =	stream.linear.scatter [tilespmem:s5], [sflag:$0x4], $0x4000, $0x38;
	[tilespmem:$0xCC00] =	vst v63  }
0x30: {  	_ =	swait.ge [sflag:s7], $0x4000  }
0x31: {  	[sflag:s7] =	ssyncset.done $0x0  }
0x32: {  	s0 =	rddreg [dreg:$0x18];
	[sflag:s7] =	ssyncadd.s32 $0xFFFFC000  }
0x33: {  	[tilespmem:s5], [sflag:$0x1] =	stream.indirect.gather [hbm4b:s9+s10], $0x80, s0, s10, $0xb8;
	[tilespmem:$0xCC00] =	vst v63  }
0x34: {  	_ =	swait.ge [sflag:s6], $0x4000  }
0x35: {  	[sflag:s6] =	ssyncset.done $0x0  }
0x36: {  	s0 =	rddreg [dreg:$0x4];
	[sflag:s6] =	ssyncadd.s32 $0xFFFFC000  }
0x37: {  	[hbm4b:s0+s2] =	stream.linear.scatter [tilespmem:s3], [sflag:$0x5], $0x4000, $0x38;
	[tilespmem:$0xCC00] =	vst v63  }
0x38: {  	_ =	swait.ge [sflag:s4], $0x4000  }
0x39: {  	[sflag:s4] =	ssyncset.done $0x0  }
0x3a: {  	s0 =	rddreg [dreg:$0x19];
	[sflag:s4] =	ssyncadd.s32 $0xFFFFC000  }
0x3b: {  	[tilespmem:s3], [sflag:$0x2] =	stream.indirect.gather [hbm4b:s9+s10], $0x80, s0, s10, $0xb8;
	[tilespmem:$0xCC00] =	vst v63  }
0x3c: {  	_ =	swait.ge [sflag:s13], $0x4000  }
0x3d: {  	[sflag:s13] =	ssyncset.done $0x0  }
0x3e: {  	s0 =	rddreg [dreg:$0x5];
	[sflag:s13] =	ssyncadd.s32 $0xFFFFC000  }
0x3f: {  	[hbm4b:s0+s2] =	stream.linear.scatter [tilespmem:s11], [sflag:$0x6], $0x4000, $0x38;
	[tilespmem:$0xCC00] =	vst v63  }
0x40: {  	_ =	swait.ge [sflag:s12], $0x4000  }
0x41: {  	[sflag:s12] =	ssyncset.done $0x0  }
0x42: {  	[sflag:s12] =	ssyncadd.s32 $0xFFFFC000  }
0x43: {  	[tilespmem:s11], [sflag:$0x3] =	stream.indirect.gather [hbm4b:s9+s10], $0x80, s30, s10, $0xb8;
	[tilespmem:$0xCC00] =	vst v63  }
0x44: {  	_ =	swait.ge [sflag:s8], $0x4000  }
0x45: {  	[sflag:s8] =	ssyncset.done $0x0  }
0x46: {  	s0 =	rddreg [dreg:$0x6];
	[sflag:s8] =	ssyncadd.s32 $0xFFFFC000  }
0x47: {  	[hbm4b:s0+s2] =	stream.linear.scatter [tilespmem:s5], [sflag:$0x4], $0x4000, $0x38;
	[tilespmem:$0xCC00] =	vst v63  }
0x48: {  	_ =	swait.ge [sflag:s7], $0x4000  }
0x49: {  	[sflag:s7] =	ssyncset.done $0x0  }
0x4a: {  	[sflag:s7] =	ssyncadd.s32 $0xFFFFC000  }
0x4b: {  	[tilespmem:s5], [sflag:$0x1] =	stream.indirect.gather [hbm4b:s9+s10], $0x80, s29, s10, $0xb8;
	[tilespmem:$0xCC00] =	vst v63  }
0x4c: {  	_ =	swait.ge [sflag:s6], $0x4000  }
0x4d: {  	[sflag:s6] =	ssyncset.done $0x0  }
0x4e: {  	s0 =	rddreg [dreg:$0x7];
	[sflag:s6] =	ssyncadd.s32 $0xFFFFC000  }
0x4f: {  	[hbm4b:s0+s2] =	stream.linear.scatter [tilespmem:s3], [sflag:$0x5], $0x4000, $0x38;
	[tilespmem:$0xCC00] =	vst v63  }
0x50: {  	_ =	swait.ge [sflag:s4], $0x4000  }
0x51: {  	[sflag:s4] =	ssyncset.done $0x0  }
0x52: {  	[sflag:s4] =	ssyncadd.s32 $0xFFFFC000  }
0x53: {  	[tilespmem:s3], [sflag:$0x2] =	stream.indirect.gather [hbm4b:s9+s10], $0x80, s28, s10, $0xb8;
	[tilespmem:$0xCC00] =	vst v63  }
0x54: {  	_ =	swait.ge [sflag:s13], $0x4000  }
0x55: {  	[sflag:s13] =	ssyncset.done $0x0  }
0x56: {  	s0 =	rddreg [dreg:$0x8];
	[sflag:s13] =	ssyncadd.s32 $0xFFFFC000  }
0x57: {  	[hbm4b:s0+s2] =	stream.linear.scatter [tilespmem:s11], [sflag:$0x6], $0x4000, $0x38;
	[tilespmem:$0xCC00] =	vst v63  }
0x58: {  	_ =	swait.ge [sflag:s12], $0x4000  }
0x59: {  	[sflag:s12] =	ssyncset.done $0x0  }
0x5a: {  	[sflag:s12] =	ssyncadd.s32 $0xFFFFC000  }
0x5b: {  	[tilespmem:s11], [sflag:$0x3] =	stream.indirect.gather [hbm4b:s9+s10], $0x80, s26, s10, $0xb8;
	[tilespmem:$0xCC00] =	vst v63  }
0x5c: {  	_ =	swait.ge [sflag:s8], $0x4000  }
0x5d: {  	[sflag:s8] =	ssyncset.done $0x0  }
0x5e: {  	s0 =	rddreg [dreg:$0x9];
	[sflag:s8] =	ssyncadd.s32 $0xFFFFC000  }
0x5f: {  	[hbm4b:s0+s2] =	stream.linear.scatter [tilespmem:s5], [sflag:$0x4], $0x4000, $0x38;
	[tilespmem:$0xCC00] =	vst v63  }
0x60: {  	_ =	swait.ge [sflag:s7], $0x4000  }
0x61: {  	[sflag:s7] =	ssyncset.done $0x0  }
0x62: {  	[sflag:s7] =	ssyncadd.s32 $0xFFFFC000  }
0x63: {  	[tilespmem:s5], [sflag:$0x1] =	stream.indirect.gather [hbm4b:s9+s10], $0x80, s25, s10, $0xb8;
	[tilespmem:$0xCC00] =	vst v63  }
0x64: {  	_ =	swait.ge [sflag:s6], $0x4000  }
0x65: {  	[sflag:s6] =	ssyncset.done $0x0  }
0x66: {  	s0 =	rddreg [dreg:$0xa];
	[sflag:s6] =	ssyncadd.s32 $0xFFFFC000  }
0x67: {  	[hbm4b:s0+s2] =	stream.linear.scatter [tilespmem:s3], [sflag:$0x5], $0x4000, $0x38;
	[tilespmem:$0xCC00] =	vst v63  }
0x68: {  	_ =	swait.ge [sflag:s4], $0x4000  }
0x69: {  	[sflag:s4] =	ssyncset.done $0x0  }
0x6a: {  	[sflag:s4] =	ssyncadd.s32 $0xFFFFC000  }
0x6b: {  	[tilespmem:s3], [sflag:$0x2] =	stream.indirect.gather [hbm4b:s9+s10], $0x80, s24, s10, $0xb8;
	[tilespmem:$0xCC00] =	vst v63  }
0x6c: {  	_ =	swait.ge [sflag:s13], $0x4000  }
0x6d: {  	[sflag:s13] =	ssyncset.done $0x0  }
0x6e: {  	s0 =	rddreg [dreg:$0xb];
	[sflag:s13] =	ssyncadd.s32 $0xFFFFC000  }
0x6f: {  	[hbm4b:s0+s2] =	stream.linear.scatter [tilespmem:s11], [sflag:$0x6], $0x4000, $0x38;
	[tilespmem:$0xCC00] =	vst v63  }
0x70: {  	_ =	swait.ge [sflag:s12], $0x4000  }
0x71: {  	[sflag:s12] =	ssyncset.done $0x0  }
0x72: {  	[sflag:s12] =	ssyncadd.s32 $0xFFFFC000  }
0x73: {  	[tilespmem:s11], [sflag:$0x3] =	stream.indirect.gather [hbm4b:s9+s10], $0x80, s22, s10, $0xb8;
	[tilespmem:$0xCC00] =	vst v63  }
0x74: {  	_ =	swait.ge [sflag:s8], $0x4000  }
0x75: {  	[sflag:s8] =	ssyncset.done $0x0  }
0x76: {  	s0 =	rddreg [dreg:$0xc];
	[sflag:s8] =	ssyncadd.s32 $0xFFFFC000  }
0x77: {  	[hbm4b:s0+s2] =	stream.linear.scatter [tilespmem:s5], [sflag:$0x4], $0x4000, $0x38;
	[tilespmem:$0xCC00] =	vst v63  }
0x78: {  	_ =	swait.ge [sflag:s7], $0x4000  }
0x79: {  	[sflag:s7] =	ssyncset.done $0x0  }
0x7a: {  	[sflag:s7] =	ssyncadd.s32 $0xFFFFC000  }
0x7b: {  	[tilespmem:s5], [sflag:$0x1] =	stream.indirect.gather [hbm4b:s9+s10], $0x80, s21, s10, $0xb8;
	[tilespmem:$0xCC00] =	vst v63  }
0x7c: {  	_ =	swait.ge [sflag:s6], $0x4000  }
0x7d: {  	[sflag:s6] =	ssyncset.done $0x0  }
0x7e: {  	s0 =	rddreg [dreg:$0xd];
	[sflag:s6] =	ssyncadd.s32 $0xFFFFC000  }
0x7f: {  	[hbm4b:s0+s2] =	stream.linear.scatter [tilespmem:s3], [sflag:$0x5], $0x4000, $0x38;
	[tilespmem:$0xCC00] =	vst v63  }
0x80: {  	_ =	swait.ge [sflag:s4], $0x4000  }
0x81: {  	[sflag:s4] =	ssyncset.done $0x0  }
0x82: {  	[sflag:s4] =	ssyncadd.s32 $0xFFFFC000  }
0x83: {  	[tilespmem:s3], [sflag:$0x2] =	stream.indirect.gather [hbm4b:s9+s10], $0x80, s20, s10, $0xb8;
	[tilespmem:$0xCC00] =	vst v63  }
0x84: {  	_ =	swait.ge [sflag:s13], $0x4000  }
0x85: {  	[sflag:s13] =	ssyncset.done $0x0  }
0x86: {  	s0 =	rddreg [dreg:$0xe];
	[sflag:s13] =	ssyncadd.s32 $0xFFFFC000  }
0x87: {  	[hbm4b:s0+s2] =	stream.linear.scatter [tilespmem:s11], [sflag:$0x6], $0x4000, $0x38;
	[tilespmem:$0xCC00] =	vst v63  }
0x88: {  	_ =	swait.ge [sflag:s12], $0x4000  }
0x89: {  	[sflag:s12] =	ssyncset.done $0x0  }
0x8a: {  	[sflag:s12] =	ssyncadd.s32 $0xFFFFC000  }
0x8b: {  	[tilespmem:s11], [sflag:$0x3] =	stream.indirect.gather [hbm4b:s9+s10], $0x80, s19, s10, $0xb8;
	[tilespmem:$0xCC00] =	vst v63  }
0x8c: {  	_ =	swait.ge [sflag:s8], $0x4000  }
0x8d: {  	[sflag:s8] =	ssyncset.done $0x0  }
0x8e: {  	s0 =	rddreg [dreg:$0xf];
	[sflag:s8] =	ssyncadd.s32 $0xFFFFC000  }
0x8f: {  	[hbm4b:s0+s2] =	stream.linear.scatter [tilespmem:s5], [sflag:$0x4], $0x4000, $0x38;
	[tilespmem:$0xCC00] =	vst v63  }
0x90: {  	_ =	swait.ge [sflag:s7], $0x4000  }
0x91: {  	[sflag:s7] =	ssyncset.done $0x0  }
0x92: {  	[sflag:s7] =	ssyncadd.s32 $0xFFFFC000  }
0x93: {  	[tilespmem:s5], [sflag:$0x1] =	stream.indirect.gather [hbm4b:s9+s10], $0x80, s18, s10, $0xb8;
	[tilespmem:$0xCC00] =	vst v63  }
0x94: {  	_ =	swait.ge [sflag:s6], $0x4000  }
0x95: {  	[sflag:s6] =	ssyncset.done $0x0  }
0x96: {  	s0 =	rddreg [dreg:$0x10];
	[sflag:s6] =	ssyncadd.s32 $0xFFFFC000  }
0x97: {  	[hbm4b:s0+s2] =	stream.linear.scatter [tilespmem:s3], [sflag:$0x5], $0x4000, $0x38;
	[tilespmem:$0xCC00] =	vst v63  }
0x98: {  	_ =	swait.ge [sflag:s4], $0x4000  }
0x99: {  	[sflag:s4] =	ssyncset.done $0x0  }
0x9a: {  	[sflag:s4] =	ssyncadd.s32 $0xFFFFC000  }
0x9b: {  	[tilespmem:s3], [sflag:$0x2] =	stream.indirect.gather [hbm4b:s9+s10], $0x80, s17, s10, $0xb8;
	[tilespmem:$0xCC00] =	vst v63  }
0x9c: {  	_ =	swait.ge [sflag:s13], $0x4000  }
0x9d: {  	[sflag:s13] =	ssyncset.done $0x0  }
0x9e: {  	s0 =	rddreg [dreg:$0x11];
	[sflag:s13] =	ssyncadd.s32 $0xFFFFC000  }
0x9f: {  	[hbm4b:s0+s2] =	stream.linear.scatter [tilespmem:s11], [sflag:$0x6], $0x4000, $0x38;
	[tilespmem:$0xCC00] =	vst v63  }
0xa0: {  	_ =	swait.ge [sflag:s12], $0x4000  }
0xa1: {  	[sflag:s12] =	ssyncset.done $0x0  }
0xa2: {  	[sflag:s12] =	ssyncadd.s32 $0xFFFFC000  }
0xa3: {  	[tilespmem:s11], [sflag:$0x3] =	stream.indirect.gather [hbm4b:s9+s10], $0x80, s16, s10, $0xb8;
	[tilespmem:$0xCC00] =	vst v63  }
0xa4: {  	_ =	swait.ge [sflag:s8], $0x4000  }
0xa5: {  	[sflag:s8] =	ssyncset.done $0x0  }
0xa6: {  	s0 =	rddreg [dreg:$0x12];
	[sflag:s8] =	ssyncadd.s32 $0xFFFFC000  }
0xa7: {  	[hbm4b:s0+s2] =	stream.linear.scatter [tilespmem:s5], [sflag:$0x4], $0x4000, $0x38;
	[tilespmem:$0xCC00] =	vst v63  }
0xa8: {  	_ =	swait.ge [sflag:s7], $0x4000  }
0xa9: {  	[sflag:s7] =	ssyncset.done $0x0  }
0xaa: {  	[sflag:s7] =	ssyncadd.s32 $0xFFFFC000  }
0xab: {  	[tilespmem:s5], [sflag:$0x1] =	stream.indirect.gather [hbm4b:s9+s10], $0x80, s15, s10, $0xb8;
	[tilespmem:$0xCC00] =	vst v63  }
0xac: {  	_ =	swait.ge [sflag:s6], $0x4000  }
0xad: {  	[sflag:s6] =	ssyncset.done $0x0  }
0xae: {  	s0 =	rddreg [dreg:$0x13];
	[sflag:s6] =	ssyncadd.s32 $0xFFFFC000  }
0xaf: {  	[hbm4b:s0+s2] =	stream.linear.scatter [tilespmem:s3], [sflag:$0x5], $0x4000, $0x38;
	[tilespmem:$0xCC00] =	vst v63  }
0xb0: {  	_ =	swait.ge [sflag:s4], $0x4000  }
0xb1: {  	[sflag:s4] =	ssyncset.done $0x0  }
0xb2: {  	[sflag:s4] =	ssyncadd.s32 $0xFFFFC000  }
0xb3: {  	[tilespmem:s3], [sflag:$0x2] =	stream.indirect.gather [hbm4b:s9+s10], $0x80, s14, s10, $0xb8;
	[tilespmem:$0xCC00] =	vst v63  }
0xb4: {  	_ =	swait.ge [sflag:s13], $0x4000  }
0xb5: {  	[sflag:s13] =	ssyncset.done $0x0  }
0xb6: {  	s0 =	rddreg [dreg:$0x14];
	[sflag:s13] =	ssyncadd.s32 $0xFFFFC000  }
0xb7: {  	[hbm4b:s0+s2] =	stream.linear.scatter [tilespmem:s11], [sflag:$0x6], $0x4000, $0x38;
	[tilespmem:$0xCC00] =	vst v63  }
0xb8: {  	_ =	swait.ge [sflag:s12], $0x4000  }
0xb9: {  	[sflag:s12] =	ssyncset.done $0x0  }
0xba: {  	[sflag:s12] =	ssyncadd.s32 $0xFFFFC000  }
0xbb: {  	_ =	swait.ge [sflag:s8], $0x4000  }
0xbc: {  	[sflag:s8] =	ssyncset.done $0x0  }
0xbd: {  	s0 =	rddreg [dreg:$0x15];
	[sflag:s8] =	ssyncadd.s32 $0xFFFFC000  }
0xbe: {  	[hbm4b:s0+s2] =	stream.linear.scatter [tilespmem:s5], [sflag:$0x4], $0x4000, $0x38;
	[tilespmem:$0xCC00] =	vst v63  }
0xbf: {  	_ =	swait.ge [sflag:s7], $0x4000  }
0xc0: {  	[sflag:s7] =	ssyncset.done $0x0  }
0xc1: {  	[sflag:s7] =	ssyncadd.s32 $0xFFFFC000  }
0xc2: {  	p1 =	sne.s32 s1, $0x1;
	_ =	swait.ge [sflag:s6], $0x4000  }
.Ltmp1:
0xc3: {  	[sflag:s6] =	ssyncset.done $0x0;
	(pc) =	sbr.rel @!p1 .LBB2_3-.Ltmp1, $4  }
0xc4: {  	s0 =	rddreg [dreg:$0x16];
	[sflag:s6] =	ssyncadd.s32 $0xFFFFC000  }
0xc5: {  	[hbm4b:s0+s2] =	stream.linear.scatter [tilespmem:s3], [sflag:$0x5], $0x4000, $0x38;
	[tilespmem:$0xCC00] =	vst v63  }
0xc6: {  	s1 =	sadd.s32 $0xFFFFFFFF, s1;
	_ =	swait.ge [sflag:s4], $0x4000  }
0xc7: {  	p0 =	por $0x1, $0x1;
	s0 =	rddreg [dreg:$0x3];
	[sflag:s4] =	ssyncset.done $0x0  }
.LBB2_2:
0xc8: {  	[sflag:s4] =	ssyncadd.s32 $0xFFFFC000  }
0xc9: {  	[tilespmem:s2], [sflag:$0x7] =	stream.linear.gather [hbm4b:s0+s2], $0xA00, $0x38;
	[tilespmem:$0xCC00] =	vst v63  }
0xca: {  	_ =	swait.ge [sflag:s31], $0xA00  }
0xcb: {  	[sflag:s31] =	ssyncset.done $0x0  }
0xcc: {  	[sflag:s31] =	ssyncadd.s32 $0xFFFFF600  }
0xcd: {  	[tilespmem:s5], [sflag:$0x1] =	stream.indirect.gather [hbm4b:s9+s10], $0x80, s2, s10, $0xb8;
	[tilespmem:$0xCC00] =	vst v63  }
0xce: {  	_ = 	snop  }
0xcf: {  	[tilespmem:s3], [sflag:$0x2] =	stream.indirect.gather [hbm4b:s9+s10], $0x80, s10, s10, $0xb8;
	[tilespmem:$0xCC00] =	vst v63  }
0xd0: {  	s0 =	rddreg [dreg:$0x17]  }
0xd1: {  	[tilespmem:s11], [sflag:$0x3] =	stream.indirect.gather [hbm4b:s9+s10], $0x80, s0, s10, $0xb8;
	[tilespmem:$0xCC00] =	vst v63  }
0xd2: {  	_ =	swait.ge [sflag:s8], $0x4000  }
0xd3: {  	[sflag:s8] =	ssyncset.done $0x0  }
0xd4: {  	[sflag:s8] =	ssyncadd.s32 $0xFFFFC000  }
0xd5: {  	[hbm4b:s23+s2] =	stream.linear.scatter [tilespmem:s5], [sflag:$0x4], $0x4000, $0x38;
	[tilespmem:$0xCC00] =	vst v63  }
0xd6: {  	_ =	swait.ge [sflag:s7], $0x4000  }
0xd7: {  	[sflag:s7] =	ssyncset.done $0x0  }
0xd8: {  	s0 =	rddreg [dreg:$0x18];
	[sflag:s7] =	ssyncadd.s32 $0xFFFFC000  }
0xd9: {  	[tilespmem:s5], [sflag:$0x1] =	stream.indirect.gather [hbm4b:s9+s10], $0x80, s0, s10, $0xb8;
	[tilespmem:$0xCC00] =	vst v63  }
0xda: {  	_ =	swait.ge [sflag:s6], $0x4000  }
0xdb: {  	[sflag:s6] =	ssyncset.done $0x0  }
0xdc: {  	s0 =	rddreg [dreg:$0x4];
	[sflag:s6] =	ssyncadd.s32 $0xFFFFC000  }
0xdd: {  	[hbm4b:s0+s2] =	stream.linear.scatter [tilespmem:s3], [sflag:$0x5], $0x4000, $0x38;
	[tilespmem:$0xCC00] =	vst v63  }
0xde: {  	_ =	swait.ge [sflag:s4], $0x4000  }
0xdf: {  	[sflag:s4] =	ssyncset.done $0x0  }
0xe0: {  	s0 =	rddreg [dreg:$0x19];
	[sflag:s4] =	ssyncadd.s32 $0xFFFFC000  }
0xe1: {  	[tilespmem:s3], [sflag:$0x2] =	stream.indirect.gather [hbm4b:s9+s10], $0x80, s0, s10, $0xb8;
	[tilespmem:$0xCC00] =	vst v63  }
0xe2: {  	_ =	swait.ge [sflag:s13], $0x4000  }
0xe3: {  	[sflag:s13] =	ssyncset.done $0x0  }
0xe4: {  	s0 =	rddreg [dreg:$0x5];
	[sflag:s13] =	ssyncadd.s32 $0xFFFFC000  }
0xe5: {  	[hbm4b:s0+s2] =	stream.linear.scatter [tilespmem:s11], [sflag:$0x6], $0x4000, $0x38;
	[tilespmem:$0xCC00] =	vst v63  }
0xe6: {  	_ =	swait.ge [sflag:s12], $0x4000  }
0xe7: {  	[sflag:s12] =	ssyncset.done $0x0  }
0xe8: {  	[sflag:s12] =	ssyncadd.s32 $0xFFFFC000  }
0xe9: {  	[tilespmem:s11], [sflag:$0x3] =	stream.indirect.gather [hbm4b:s9+s10], $0x80, s30, s10, $0xb8;
	[tilespmem:$0xCC00] =	vst v63  }
0xea: {  	_ =	swait.ge [sflag:s8], $0x4000  }
0xeb: {  	[sflag:s8] =	ssyncset.done $0x0  }
0xec: {  	s0 =	rddreg [dreg:$0x6];
	[sflag:s8] =	ssyncadd.s32 $0xFFFFC000  }
0xed: {  	[hbm4b:s0+s2] =	stream.linear.scatter [tilespmem:s5], [sflag:$0x4], $0x4000, $0x38;
	[tilespmem:$0xCC00] =	vst v63  }
0xee: {  	_ =	swait.ge [sflag:s7], $0x4000  }
0xef: {  	[sflag:s7] =	ssyncset.done $0x0  }
0xf0: {  	[sflag:s7] =	ssyncadd.s32 $0xFFFFC000  }
0xf1: {  	[tilespmem:s5], [sflag:$0x1] =	stream.indirect.gather [hbm4b:s9+s10], $0x80, s29, s10, $0xb8;
	[tilespmem:$0xCC00] =	vst v63  }
0xf2: {  	_ =	swait.ge [sflag:s6], $0x4000  }
0xf3: {  	[sflag:s6] =	ssyncset.done $0x0  }
0xf4: {  	s0 =	rddreg [dreg:$0x7];
	[sflag:s6] =	ssyncadd.s32 $0xFFFFC000  }
0xf5: {  	[hbm4b:s0+s2] =	stream.linear.scatter [tilespmem:s3], [sflag:$0x5], $0x4000, $0x38;
	[tilespmem:$0xCC00] =	vst v63  }
0xf6: {  	_ =	swait.ge [sflag:s4], $0x4000  }
0xf7: {  	[sflag:s4] =	ssyncset.done $0x0  }
0xf8: {  	[sflag:s4] =	ssyncadd.s32 $0xFFFFC000  }
0xf9: {  	[tilespmem:s3], [sflag:$0x2] =	stream.indirect.gather [hbm4b:s9+s10], $0x80, s28, s10, $0xb8;
	[tilespmem:$0xCC00] =	vst v63  }
0xfa: {  	_ =	swait.ge [sflag:s13], $0x4000  }
0xfb: {  	[sflag:s13] =	ssyncset.done $0x0  }
0xfc: {  	s0 =	rddreg [dreg:$0x8];
	[sflag:s13] =	ssyncadd.s32 $0xFFFFC000  }
0xfd: {  	[hbm4b:s0+s2] =	stream.linear.scatter [tilespmem:s11], [sflag:$0x6], $0x4000, $0x38;
	[tilespmem:$0xCC00] =	vst v63  }
0xfe: {  	_ =	swait.ge [sflag:s12], $0x4000  }
0xff: {  	[sflag:s12] =	ssyncset.done $0x0  }
0x100: {  	[sflag:s12] =	ssyncadd.s32 $0xFFFFC000  }
0x101: {  	[tilespmem:s11], [sflag:$0x3] =	stream.indirect.gather [hbm4b:s9+s10], $0x80, s26, s10, $0xb8;
	[tilespmem:$0xCC00] =	vst v63  }
0x102: {  	_ =	swait.ge [sflag:s8], $0x4000  }
0x103: {  	[sflag:s8] =	ssyncset.done $0x0  }
0x104: {  	s0 =	rddreg [dreg:$0x9];
	[sflag:s8] =	ssyncadd.s32 $0xFFFFC000  }
0x105: {  	[hbm4b:s0+s2] =	stream.linear.scatter [tilespmem:s5], [sflag:$0x4], $0x4000, $0x38;
	[tilespmem:$0xCC00] =	vst v63  }
0x106: {  	_ =	swait.ge [sflag:s7], $0x4000  }
0x107: {  	[sflag:s7] =	ssyncset.done $0x0  }
0x108: {  	[sflag:s7] =	ssyncadd.s32 $0xFFFFC000  }
0x109: {  	[tilespmem:s5], [sflag:$0x1] =	stream.indirect.gather [hbm4b:s9+s10], $0x80, s25, s10, $0xb8;
	[tilespmem:$0xCC00] =	vst v63  }
0x10a: {  	_ =	swait.ge [sflag:s6], $0x4000  }
0x10b: {  	[sflag:s6] =	ssyncset.done $0x0  }
0x10c: {  	s0 =	rddreg [dreg:$0xa];
	[sflag:s6] =	ssyncadd.s32 $0xFFFFC000  }
0x10d: {  	[hbm4b:s0+s2] =	stream.linear.scatter [tilespmem:s3], [sflag:$0x5], $0x4000, $0x38;
	[tilespmem:$0xCC00] =	vst v63  }
0x10e: {  	_ =	swait.ge [sflag:s4], $0x4000  }
0x10f: {  	[sflag:s4] =	ssyncset.done $0x0  }
0x110: {  	[sflag:s4] =	ssyncadd.s32 $0xFFFFC000  }
0x111: {  	[tilespmem:s3], [sflag:$0x2] =	stream.indirect.gather [hbm4b:s9+s10], $0x80, s24, s10, $0xb8;
	[tilespmem:$0xCC00] =	vst v63  }
0x112: {  	_ =	swait.ge [sflag:s13], $0x4000  }
0x113: {  	[sflag:s13] =	ssyncset.done $0x0  }
0x114: {  	s0 =	rddreg [dreg:$0xb];
	[sflag:s13] =	ssyncadd.s32 $0xFFFFC000  }
0x115: {  	[hbm4b:s0+s2] =	stream.linear.scatter [tilespmem:s11], [sflag:$0x6], $0x4000, $0x38;
	[tilespmem:$0xCC00] =	vst v63  }
0x116: {  	_ =	swait.ge [sflag:s12], $0x4000  }
0x117: {  	[sflag:s12] =	ssyncset.done $0x0  }
0x118: {  	[sflag:s12] =	ssyncadd.s32 $0xFFFFC000  }
0x119: {  	[tilespmem:s11], [sflag:$0x3] =	stream.indirect.gather [hbm4b:s9+s10], $0x80, s22, s10, $0xb8;
	[tilespmem:$0xCC00] =	vst v63  }
0x11a: {  	_ =	swait.ge [sflag:s8], $0x4000  }
0x11b: {  	[sflag:s8] =	ssyncset.done $0x0  }
0x11c: {  	s0 =	rddreg [dreg:$0xc];
	[sflag:s8] =	ssyncadd.s32 $0xFFFFC000  }
0x11d: {  	[hbm4b:s0+s2] =	stream.linear.scatter [tilespmem:s5], [sflag:$0x4], $0x4000, $0x38;
	[tilespmem:$0xCC00] =	vst v63  }
0x11e: {  	_ =	swait.ge [sflag:s7], $0x4000  }
0x11f: {  	[sflag:s7] =	ssyncset.done $0x0  }
0x120: {  	[sflag:s7] =	ssyncadd.s32 $0xFFFFC000  }
0x121: {  	[tilespmem:s5], [sflag:$0x1] =	stream.indirect.gather [hbm4b:s9+s10], $0x80, s21, s10, $0xb8;
	[tilespmem:$0xCC00] =	vst v63  }
0x122: {  	_ =	swait.ge [sflag:s6], $0x4000  }
0x123: {  	[sflag:s6] =	ssyncset.done $0x0  }
0x124: {  	s0 =	rddreg [dreg:$0xd];
	[sflag:s6] =	ssyncadd.s32 $0xFFFFC000  }
0x125: {  	[hbm4b:s0+s2] =	stream.linear.scatter [tilespmem:s3], [sflag:$0x5], $0x4000, $0x38;
	[tilespmem:$0xCC00] =	vst v63  }
0x126: {  	_ =	swait.ge [sflag:s4], $0x4000  }
0x127: {  	[sflag:s4] =	ssyncset.done $0x0  }
0x128: {  	[sflag:s4] =	ssyncadd.s32 $0xFFFFC000  }
0x129: {  	[tilespmem:s3], [sflag:$0x2] =	stream.indirect.gather [hbm4b:s9+s10], $0x80, s20, s10, $0xb8;
	[tilespmem:$0xCC00] =	vst v63  }
0x12a: {  	_ =	swait.ge [sflag:s13], $0x4000  }
0x12b: {  	[sflag:s13] =	ssyncset.done $0x0  }
0x12c: {  	s0 =	rddreg [dreg:$0xe];
	[sflag:s13] =	ssyncadd.s32 $0xFFFFC000  }
0x12d: {  	[hbm4b:s0+s2] =	stream.linear.scatter [tilespmem:s11], [sflag:$0x6], $0x4000, $0x38;
	[tilespmem:$0xCC00] =	vst v63  }
0x12e: {  	_ =	swait.ge [sflag:s12], $0x4000  }
0x12f: {  	[sflag:s12] =	ssyncset.done $0x0  }
0x130: {  	[sflag:s12] =	ssyncadd.s32 $0xFFFFC000  }
0x131: {  	[tilespmem:s11], [sflag:$0x3] =	stream.indirect.gather [hbm4b:s9+s10], $0x80, s19, s10, $0xb8;
	[tilespmem:$0xCC00] =	vst v63  }
0x132: {  	_ =	swait.ge [sflag:s8], $0x4000  }
0x133: {  	[sflag:s8] =	ssyncset.done $0x0  }
0x134: {  	s0 =	rddreg [dreg:$0xf];
	[sflag:s8] =	ssyncadd.s32 $0xFFFFC000  }
0x135: {  	[hbm4b:s0+s2] =	stream.linear.scatter [tilespmem:s5], [sflag:$0x4], $0x4000, $0x38;
	[tilespmem:$0xCC00] =	vst v63  }
0x136: {  	_ =	swait.ge [sflag:s7], $0x4000  }
0x137: {  	[sflag:s7] =	ssyncset.done $0x0  }
0x138: {  	[sflag:s7] =	ssyncadd.s32 $0xFFFFC000  }
0x139: {  	[tilespmem:s5], [sflag:$0x1] =	stream.indirect.gather [hbm4b:s9+s10], $0x80, s18, s10, $0xb8;
	[tilespmem:$0xCC00] =	vst v63  }
0x13a: {  	_ =	swait.ge [sflag:s6], $0x4000  }
0x13b: {  	[sflag:s6] =	ssyncset.done $0x0  }
0x13c: {  	s0 =	rddreg [dreg:$0x10];
	[sflag:s6] =	ssyncadd.s32 $0xFFFFC000  }
0x13d: {  	[hbm4b:s0+s2] =	stream.linear.scatter [tilespmem:s3], [sflag:$0x5], $0x4000, $0x38;
	[tilespmem:$0xCC00] =	vst v63  }
0x13e: {  	_ =	swait.ge [sflag:s4], $0x4000  }
0x13f: {  	[sflag:s4] =	ssyncset.done $0x0  }
0x140: {  	[sflag:s4] =	ssyncadd.s32 $0xFFFFC000  }
0x141: {  	[tilespmem:s3], [sflag:$0x2] =	stream.indirect.gather [hbm4b:s9+s10], $0x80, s17, s10, $0xb8;
	[tilespmem:$0xCC00] =	vst v63  }
0x142: {  	_ =	swait.ge [sflag:s13], $0x4000  }
0x143: {  	[sflag:s13] =	ssyncset.done $0x0  }
0x144: {  	s0 =	rddreg [dreg:$0x11];
	[sflag:s13] =	ssyncadd.s32 $0xFFFFC000  }
0x145: {  	[hbm4b:s0+s2] =	stream.linear.scatter [tilespmem:s11], [sflag:$0x6], $0x4000, $0x38;
	[tilespmem:$0xCC00] =	vst v63  }
0x146: {  	_ =	swait.ge [sflag:s12], $0x4000  }
0x147: {  	[sflag:s12] =	ssyncset.done $0x0  }
0x148: {  	[sflag:s12] =	ssyncadd.s32 $0xFFFFC000  }
0x149: {  	[tilespmem:s11], [sflag:$0x3] =	stream.indirect.gather [hbm4b:s9+s10], $0x80, s16, s10, $0xb8;
	[tilespmem:$0xCC00] =	vst v63  }
0x14a: {  	_ =	swait.ge [sflag:s8], $0x4000  }
0x14b: {  	[sflag:s8] =	ssyncset.done $0x0  }
0x14c: {  	s0 =	rddreg [dreg:$0x12];
	[sflag:s8] =	ssyncadd.s32 $0xFFFFC000  }
0x14d: {  	[hbm4b:s0+s2] =	stream.linear.scatter [tilespmem:s5], [sflag:$0x4], $0x4000, $0x38;
	[tilespmem:$0xCC00] =	vst v63  }
0x14e: {  	_ =	swait.ge [sflag:s7], $0x4000  }
0x14f: {  	[sflag:s7] =	ssyncset.done $0x0  }
0x150: {  	[sflag:s7] =	ssyncadd.s32 $0xFFFFC000  }
0x151: {  	[tilespmem:s5], [sflag:$0x1] =	stream.indirect.gather [hbm4b:s9+s10], $0x80, s15, s10, $0xb8;
	[tilespmem:$0xCC00] =	vst v63  }
0x152: {  	_ =	swait.ge [sflag:s6], $0x4000  }
0x153: {  	[sflag:s6] =	ssyncset.done $0x0  }
0x154: {  	s0 =	rddreg [dreg:$0x13];
	[sflag:s6] =	ssyncadd.s32 $0xFFFFC000  }
0x155: {  	[hbm4b:s0+s2] =	stream.linear.scatter [tilespmem:s3], [sflag:$0x5], $0x4000, $0x38;
	[tilespmem:$0xCC00] =	vst v63  }
0x156: {  	_ =	swait.ge [sflag:s4], $0x4000  }
0x157: {  	[sflag:s4] =	ssyncset.done $0x0  }
0x158: {  	[sflag:s4] =	ssyncadd.s32 $0xFFFFC000  }
0x159: {  	[tilespmem:s3], [sflag:$0x2] =	stream.indirect.gather [hbm4b:s9+s10], $0x80, s14, s10, $0xb8;
	[tilespmem:$0xCC00] =	vst v63  }
0x15a: {  	_ =	swait.ge [sflag:s13], $0x4000  }
0x15b: {  	[sflag:s13] =	ssyncset.done $0x0  }
0x15c: {  	s0 =	rddreg [dreg:$0x14];
	[sflag:s13] =	ssyncadd.s32 $0xFFFFC000  }
0x15d: {  	[hbm4b:s0+s2] =	stream.linear.scatter [tilespmem:s11], [sflag:$0x6], $0x4000, $0x38;
	[tilespmem:$0xCC00] =	vst v63  }
0x15e: {  	_ =	swait.ge [sflag:s12], $0x4000  }
0x15f: {  	[sflag:s12] =	ssyncset.done $0x0  }
0x160: {  	[sflag:s12] =	ssyncadd.s32 $0xFFFFC000  }
0x161: {  	_ =	swait.ge [sflag:s8], $0x4000  }
0x162: {  	[sflag:s8] =	ssyncset.done $0x0  }
0x163: {  	s0 =	rddreg [dreg:$0x15];
	[sflag:s8] =	ssyncadd.s32 $0xFFFFC000  }
0x164: {  	[hbm4b:s0+s2] =	stream.linear.scatter [tilespmem:s5], [sflag:$0x4], $0x4000, $0x38;
	[tilespmem:$0xCC00] =	vst v63  }
0x165: {  	_ =	swait.ge [sflag:s7], $0x4000  }
0x166: {  	[sflag:s7] =	ssyncset.done $0x0  }
0x167: {  	[sflag:s7] =	ssyncadd.s32 $0xFFFFC000  }
0x168: {  	p1 =	sne.s32 s1, $0x1;
	_ =	swait.ge [sflag:s6], $0x4000  }
.Ltmp2:
0x169: {  	[sflag:s6] =	ssyncset.done $0x0;
	(pc) =	sbr.rel @p1 .LBB2_2-.Ltmp2, $4  }
0x16a: {  	s0 =	rddreg [dreg:$0x16];
	[sflag:s6] =	ssyncadd.s32 $0xFFFFC000  }
0x16b: {  	[hbm4b:s0+s2] =	stream.linear.scatter [tilespmem:s3], [sflag:$0x5], $0x4000, $0x38;
	[tilespmem:$0xCC00] =	vst v63  }
0x16c: {  	_ =	swait.ge [sflag:s4], $0x4000  }
0x16d: {  	s1 =	sadd.s32 $0xFFFFFFFF, s1;
	s0 =	rddreg [dreg:$0x3];
	[sflag:s4] =	ssyncset.done $0x0  }
.LBB2_3:
0x16e: {  	[sflag:s4] =	ssyncadd.s32 @p0 $0xFFFFC000  }
0x16f: {  	[tilespmem:s2], [sflag:$0x7] =	stream.linear.gather [hbm4b:s0+s2], $0xA00, $0x38;
	[tilespmem:$0xCC00] =	vst v63  }
0x170: {  	_ =	swait.ge [sflag:s31], $0xA00  }
0x171: {  	[sflag:s31] =	ssyncset.done $0x0  }
0x172: {  	[sflag:s31] =	ssyncadd.s32 $0xFFFFF600  }
0x173: {  	[tilespmem:s5], [sflag:$0x1] =	stream.indirect.gather [hbm4b:s9+s10], $0x80, s2, s10, $0xb8;
	[tilespmem:$0xCC00] =	vst v63  }
0x174: {  	_ = 	snop  }
0x175: {  	[tilespmem:s3], [sflag:$0x2] =	stream.indirect.gather [hbm4b:s9+s10], $0x80, s10, s10, $0xb8;
	[tilespmem:$0xCC00] =	vst v63  }
0x176: {  	s1 =	rddreg [dreg:$0x17]  }
0x177: {  	[tilespmem:s11], [sflag:$0x3] =	stream.indirect.gather [hbm4b:s9+s10], $0x80, s1, s10, $0xb8;
	[tilespmem:$0xCC00] =	vst v63  }
0x178: {  	_ =	swait.ge [sflag:s8], $0x4000  }
0x179: {  	[sflag:s8] =	ssyncset.done $0x0  }
0x17a: {  	[sflag:s8] =	ssyncadd.s32 $0xFFFFC000  }
0x17b: {  	[hbm4b:s23+s2] =	stream.linear.scatter [tilespmem:s5], [sflag:$0x4], $0x4000, $0x38;
	[tilespmem:$0xCC00] =	vst v63  }
0x17c: {  	_ =	swait.ge [sflag:s7], $0x4000  }
0x17d: {  	[sflag:s7] =	ssyncset.done $0x0  }
0x17e: {  	s23 =	rddreg [dreg:$0x18];
	[sflag:s7] =	ssyncadd.s32 $0xFFFFC000  }
0x17f: {  	[tilespmem:s5], [sflag:$0x1] =	stream.indirect.gather [hbm4b:s9+s10], $0x80, s23, s10, $0xb8;
	[tilespmem:$0xCC00] =	vst v63  }
0x180: {  	_ =	swait.ge [sflag:s6], $0x4000  }
0x181: {  	[sflag:s6] =	ssyncset.done $0x0  }
0x182: {  	s31 =	rddreg [dreg:$0x4];
	[sflag:s6] =	ssyncadd.s32 $0xFFFFC000  }
0x183: {  	[hbm4b:s31+s2] =	stream.linear.scatter [tilespmem:s3], [sflag:$0x5], $0x4000, $0x38;
	[tilespmem:$0xCC00] =	vst v63  }
0x184: {  	_ =	swait.ge [sflag:s4], $0x4000  }
0x185: {  	[sflag:s4] =	ssyncset.done $0x0  }
0x186: {  	s1 =	rddreg [dreg:$0x19];
	[sflag:s4] =	ssyncadd.s32 $0xFFFFC000  }
0x187: {  	[tilespmem:s3], [sflag:$0x2] =	stream.indirect.gather [hbm4b:s9+s10], $0x80, s1, s10, $0xb8;
	[tilespmem:$0xCC00] =	vst v63  }
0x188: {  	_ =	swait.ge [sflag:s13], $0x4000  }
0x189: {  	[sflag:s13] =	ssyncset.done $0x0  }
0x18a: {  	s23 =	rddreg [dreg:$0x5];
	[sflag:s13] =	ssyncadd.s32 $0xFFFFC000  }
0x18b: {  	[hbm4b:s23+s2] =	stream.linear.scatter [tilespmem:s11], [sflag:$0x6], $0x4000, $0x38;
	[tilespmem:$0xCC00] =	vst v63  }
0x18c: {  	_ =	swait.ge [sflag:s12], $0x4000  }
0x18d: {  	[sflag:s12] =	ssyncset.done $0x0  }
0x18e: {  	[sflag:s12] =	ssyncadd.s32 $0xFFFFC000  }
0x18f: {  	[tilespmem:s11], [sflag:$0x3] =	stream.indirect.gather [hbm4b:s9+s10], $0x80, s30, s10, $0xb8;
	[tilespmem:$0xCC00] =	vst v63  }
0x190: {  	_ =	swait.ge [sflag:s8], $0x4000  }
0x191: {  	[sflag:s8] =	ssyncset.done $0x0  }
0x192: {  	s31 =	rddreg [dreg:$0x6];
	[sflag:s8] =	ssyncadd.s32 $0xFFFFC000  }
0x193: {  	[hbm4b:s31+s2] =	stream.linear.scatter [tilespmem:s5], [sflag:$0x4], $0x4000, $0x38;
	[tilespmem:$0xCC00] =	vst v63  }
0x194: {  	_ =	swait.ge [sflag:s7], $0x4000  }
0x195: {  	[sflag:s7] =	ssyncset.done $0x0  }
0x196: {  	[sflag:s7] =	ssyncadd.s32 $0xFFFFC000  }
0x197: {  	[tilespmem:s5], [sflag:$0x1] =	stream.indirect.gather [hbm4b:s9+s10], $0x80, s29, s10, $0xb8;
	[tilespmem:$0xCC00] =	vst v63  }
0x198: {  	_ =	swait.ge [sflag:s6], $0x4000  }
0x199: {  	[sflag:s6] =	ssyncset.done $0x0  }
0x19a: {  	s1 =	rddreg [dreg:$0x7];
	[sflag:s6] =	ssyncadd.s32 $0xFFFFC000  }
0x19b: {  	[hbm4b:s1+s2] =	stream.linear.scatter [tilespmem:s3], [sflag:$0x5], $0x4000, $0x38;
	[tilespmem:$0xCC00] =	vst v63  }
0x19c: {  	_ =	swait.ge [sflag:s4], $0x4000  }
0x19d: {  	[sflag:s4] =	ssyncset.done $0x0  }
0x19e: {  	[sflag:s4] =	ssyncadd.s32 $0xFFFFC000  }
0x19f: {  	[tilespmem:s3], [sflag:$0x2] =	stream.indirect.gather [hbm4b:s9+s10], $0x80, s28, s10, $0xb8;
	[tilespmem:$0xCC00] =	vst v63  }
0x1a0: {  	_ =	swait.ge [sflag:s13], $0x4000  }
0x1a1: {  	[sflag:s13] =	ssyncset.done $0x0  }
0x1a2: {  	s23 =	rddreg [dreg:$0x8];
	[sflag:s13] =	ssyncadd.s32 $0xFFFFC000  }
0x1a3: {  	[hbm4b:s23+s2] =	stream.linear.scatter [tilespmem:s11], [sflag:$0x6], $0x4000, $0x38;
	[tilespmem:$0xCC00] =	vst v63  }
0x1a4: {  	_ =	swait.ge [sflag:s12], $0x4000  }
0x1a5: {  	[sflag:s12] =	ssyncset.done $0x0  }
0x1a6: {  	[sflag:s12] =	ssyncadd.s32 $0xFFFFC000  }
0x1a7: {  	[tilespmem:s11], [sflag:$0x3] =	stream.indirect.gather [hbm4b:s9+s10], $0x80, s26, s10, $0xb8;
	[tilespmem:$0xCC00] =	vst v63  }
0x1a8: {  	_ =	swait.ge [sflag:s8], $0x4000  }
0x1a9: {  	[sflag:s8] =	ssyncset.done $0x0  }
0x1aa: {  	s28 =	rddreg [dreg:$0x9];
	[sflag:s8] =	ssyncadd.s32 $0xFFFFC000  }
0x1ab: {  	[hbm4b:s28+s2] =	stream.linear.scatter [tilespmem:s5], [sflag:$0x4], $0x4000, $0x38;
	[tilespmem:$0xCC00] =	vst v63  }
0x1ac: {  	_ =	swait.ge [sflag:s7], $0x4000  }
0x1ad: {  	[sflag:s7] =	ssyncset.done $0x0  }
0x1ae: {  	[sflag:s7] =	ssyncadd.s32 $0xFFFFC000  }
0x1af: {  	[tilespmem:s5], [sflag:$0x1] =	stream.indirect.gather [hbm4b:s9+s10], $0x80, s25, s10, $0xb8;
	[tilespmem:$0xCC00] =	vst v63  }
0x1b0: {  	_ =	swait.ge [sflag:s6], $0x4000  }
0x1b1: {  	[sflag:s6] =	ssyncset.done $0x0  }
0x1b2: {  	s29 =	rddreg [dreg:$0xa];
	[sflag:s6] =	ssyncadd.s32 $0xFFFFC000  }
0x1b3: {  	[hbm4b:s29+s2] =	stream.linear.scatter [tilespmem:s3], [sflag:$0x5], $0x4000, $0x38;
	[tilespmem:$0xCC00] =	vst v63  }
0x1b4: {  	_ =	swait.ge [sflag:s4], $0x4000  }
0x1b5: {  	[sflag:s4] =	ssyncset.done $0x0  }
0x1b6: {  	[sflag:s4] =	ssyncadd.s32 $0xFFFFC000  }
0x1b7: {  	[tilespmem:s3], [sflag:$0x2] =	stream.indirect.gather [hbm4b:s9+s10], $0x80, s24, s10, $0xb8;
	[tilespmem:$0xCC00] =	vst v63  }
0x1b8: {  	_ =	swait.ge [sflag:s13], $0x4000  }
0x1b9: {  	[sflag:s13] =	ssyncset.done $0x0  }
0x1ba: {  	s30 =	rddreg [dreg:$0xb];
	[sflag:s13] =	ssyncadd.s32 $0xFFFFC000  }
0x1bb: {  	[hbm4b:s30+s2] =	stream.linear.scatter [tilespmem:s11], [sflag:$0x6], $0x4000, $0x38;
	[tilespmem:$0xCC00] =	vst v63  }
0x1bc: {  	_ =	swait.ge [sflag:s12], $0x4000  }
0x1bd: {  	[sflag:s12] =	ssyncset.done $0x0  }
0x1be: {  	[sflag:s12] =	ssyncadd.s32 $0xFFFFC000  }
0x1bf: {  	[tilespmem:s11], [sflag:$0x3] =	stream.indirect.gather [hbm4b:s9+s10], $0x80, s22, s10, $0xb8;
	[tilespmem:$0xCC00] =	vst v63  }
0x1c0: {  	_ =	swait.ge [sflag:s8], $0x4000  }
0x1c1: {  	[sflag:s8] =	ssyncset.done $0x0  }
0x1c2: {  	s31 =	rddreg [dreg:$0xc];
	[sflag:s8] =	ssyncadd.s32 $0xFFFFC000  }
0x1c3: {  	[hbm4b:s31+s2] =	stream.linear.scatter [tilespmem:s5], [sflag:$0x4], $0x4000, $0x38;
	[tilespmem:$0xCC00] =	vst v63  }
0x1c4: {  	_ =	swait.ge [sflag:s7], $0x4000  }
0x1c5: {  	[sflag:s7] =	ssyncset.done $0x0  }
0x1c6: {  	[sflag:s7] =	ssyncadd.s32 $0xFFFFC000  }
0x1c7: {  	[tilespmem:s5], [sflag:$0x1] =	stream.indirect.gather [hbm4b:s9+s10], $0x80, s21, s10, $0xb8;
	[tilespmem:$0xCC00] =	vst v63  }
0x1c8: {  	_ =	swait.ge [sflag:s6], $0x4000  }
0x1c9: {  	[sflag:s6] =	ssyncset.done $0x0  }
0x1ca: {  	s1 =	rddreg [dreg:$0xd];
	[sflag:s6] =	ssyncadd.s32 $0xFFFFC000  }
0x1cb: {  	[hbm4b:s1+s2] =	stream.linear.scatter [tilespmem:s3], [sflag:$0x5], $0x4000, $0x38;
	[tilespmem:$0xCC00] =	vst v63  }
0x1cc: {  	_ =	swait.ge [sflag:s4], $0x4000  }
0x1cd: {  	[sflag:s4] =	ssyncset.done $0x0  }
0x1ce: {  	[sflag:s4] =	ssyncadd.s32 $0xFFFFC000  }
0x1cf: {  	[tilespmem:s3], [sflag:$0x2] =	stream.indirect.gather [hbm4b:s9+s10], $0x80, s20, s10, $0xb8;
	[tilespmem:$0xCC00] =	vst v63  }
0x1d0: {  	_ =	swait.ge [sflag:s13], $0x4000  }
0x1d1: {  	[sflag:s13] =	ssyncset.done $0x0  }
0x1d2: {  	s21 =	rddreg [dreg:$0xe];
	[sflag:s13] =	ssyncadd.s32 $0xFFFFC000  }
0x1d3: {  	[hbm4b:s21+s2] =	stream.linear.scatter [tilespmem:s11], [sflag:$0x6], $0x4000, $0x38;
	[tilespmem:$0xCC00] =	vst v63  }
0x1d4: {  	_ =	swait.ge [sflag:s12], $0x4000  }
0x1d5: {  	[sflag:s12] =	ssyncset.done $0x0  }
0x1d6: {  	[sflag:s12] =	ssyncadd.s32 $0xFFFFC000  }
0x1d7: {  	[tilespmem:s11], [sflag:$0x3] =	stream.indirect.gather [hbm4b:s9+s10], $0x80, s19, s10, $0xb8;
	[tilespmem:$0xCC00] =	vst v63  }
0x1d8: {  	_ =	swait.ge [sflag:s8], $0x4000  }
0x1d9: {  	[sflag:s8] =	ssyncset.done $0x0  }
0x1da: {  	s22 =	rddreg [dreg:$0xf];
	[sflag:s8] =	ssyncadd.s32 $0xFFFFC000  }
0x1db: {  	[hbm4b:s22+s2] =	stream.linear.scatter [tilespmem:s5], [sflag:$0x4], $0x4000, $0x38;
	[tilespmem:$0xCC00] =	vst v63  }
0x1dc: {  	_ =	swait.ge [sflag:s7], $0x4000  }
0x1dd: {  	[sflag:s7] =	ssyncset.done $0x0  }
0x1de: {  	[sflag:s7] =	ssyncadd.s32 $0xFFFFC000  }
0x1df: {  	[tilespmem:s5], [sflag:$0x1] =	stream.indirect.gather [hbm4b:s9+s10], $0x80, s18, s10, $0xb8;
	[tilespmem:$0xCC00] =	vst v63  }
0x1e0: {  	_ =	swait.ge [sflag:s6], $0x4000  }
0x1e1: {  	[sflag:s6] =	ssyncset.done $0x0  }
0x1e2: {  	s23 =	rddreg [dreg:$0x10];
	[sflag:s6] =	ssyncadd.s32 $0xFFFFC000  }
0x1e3: {  	[hbm4b:s23+s2] =	stream.linear.scatter [tilespmem:s3], [sflag:$0x5], $0x4000, $0x38;
	[tilespmem:$0xCC00] =	vst v63  }
0x1e4: {  	_ =	swait.ge [sflag:s4], $0x4000  }
0x1e5: {  	[sflag:s4] =	ssyncset.done $0x0  }
0x1e6: {  	[sflag:s4] =	ssyncadd.s32 $0xFFFFC000  }
0x1e7: {  	[tilespmem:s3], [sflag:$0x2] =	stream.indirect.gather [hbm4b:s9+s10], $0x80, s17, s10, $0xb8;
	[tilespmem:$0xCC00] =	vst v63  }
0x1e8: {  	_ =	swait.ge [sflag:s13], $0x4000  }
0x1e9: {  	[sflag:s13] =	ssyncset.done $0x0  }
0x1ea: {  	s24 =	rddreg [dreg:$0x11];
	[sflag:s13] =	ssyncadd.s32 $0xFFFFC000  }
0x1eb: {  	[hbm4b:s24+s2] =	stream.linear.scatter [tilespmem:s11], [sflag:$0x6], $0x4000, $0x38;
	[tilespmem:$0xCC00] =	vst v63  }
0x1ec: {  	_ =	swait.ge [sflag:s12], $0x4000  }
0x1ed: {  	[sflag:s12] =	ssyncset.done $0x0  }
0x1ee: {  	[sflag:s12] =	ssyncadd.s32 $0xFFFFC000  }
0x1ef: {  	[tilespmem:s11], [sflag:$0x3] =	stream.indirect.gather [hbm4b:s9+s10], $0x80, s16, s10, $0xb8;
	[tilespmem:$0xCC00] =	vst v63  }
0x1f0: {  	_ =	swait.ge [sflag:s8], $0x4000  }
0x1f1: {  	[sflag:s8] =	ssyncset.done $0x0  }
0x1f2: {  	s25 =	rddreg [dreg:$0x12];
	[sflag:s8] =	ssyncadd.s32 $0xFFFFC000  }
0x1f3: {  	[hbm4b:s25+s2] =	stream.linear.scatter [tilespmem:s5], [sflag:$0x4], $0x4000, $0x38;
	[tilespmem:$0xCC00] =	vst v63  }
0x1f4: {  	_ =	swait.ge [sflag:s7], $0x4000  }
0x1f5: {  	[sflag:s7] =	ssyncset.done $0x0  }
0x1f6: {  	[sflag:s7] =	ssyncadd.s32 $0xFFFFC000  }
0x1f7: {  	[tilespmem:s5], [sflag:$0x1] =	stream.indirect.gather [hbm4b:s9+s10], $0x80, s15, s10, $0xb8;
	[tilespmem:$0xCC00] =	vst v63  }
0x1f8: {  	_ =	swait.ge [sflag:s6], $0x4000  }
0x1f9: {  	[sflag:s6] =	ssyncset.done $0x0  }
0x1fa: {  	s26 =	rddreg [dreg:$0x13];
	[sflag:s6] =	ssyncadd.s32 $0xFFFFC000  }
0x1fb: {  	[hbm4b:s26+s2] =	stream.linear.scatter [tilespmem:s3], [sflag:$0x5], $0x4000, $0x38;
	[tilespmem:$0xCC00] =	vst v63  }
0x1fc: {  	_ =	swait.ge [sflag:s4], $0x4000  }
0x1fd: {  	[sflag:s4] =	ssyncset.done $0x0  }
0x1fe: {  	[sflag:s4] =	ssyncadd.s32 $0xFFFFC000  }
0x1ff: {  	[tilespmem:s3], [sflag:$0x2] =	stream.indirect.gather [hbm4b:s9+s10], $0x80, s14, s10, $0xb8;
	[tilespmem:$0xCC00] =	vst v63  }
0x200: {  	_ =	swait.ge [sflag:s13], $0x4000  }
0x201: {  	[sflag:s13] =	ssyncset.done $0x0  }
0x202: {  	s28 =	rddreg [dreg:$0x14];
	[sflag:s13] =	ssyncadd.s32 $0xFFFFC000  }
0x203: {  	[hbm4b:s28+s2] =	stream.linear.scatter [tilespmem:s11], [sflag:$0x6], $0x4000, $0x38;
	[tilespmem:$0xCC00] =	vst v63  }
0x204: {  	_ =	swait.ge [sflag:s12], $0x4000  }
0x205: {  	[sflag:s12] =	ssyncset.done $0x0  }
0x206: {  	[sflag:s12] =	ssyncadd.s32 $0xFFFFC000  }
0x207: {  	_ =	swait.ge [sflag:s8], $0x4000  }
0x208: {  	[sflag:s8] =	ssyncset.done $0x0  }
0x209: {  	s29 =	rddreg [dreg:$0x15];
	[sflag:s8] =	ssyncadd.s32 $0xFFFFC000  }
0x20a: {  	[hbm4b:s29+s2] =	stream.linear.scatter [tilespmem:s5], [sflag:$0x4], $0x4000, $0x38;
	[tilespmem:$0xCC00] =	vst v63  }
0x20b: {  	_ =	swait.ge [sflag:s7], $0x4000  }
0x20c: {  	[sflag:s7] =	ssyncset.done $0x0  }
0x20d: {  	[sflag:s7] =	ssyncadd.s32 $0xFFFFC000  }
0x20e: {  	_ =	swait.ge [sflag:s6], $0x4000  }
0x20f: {  	[sflag:s6] =	ssyncset.done $0x0  }
0x210: {  	s30 =	rddreg [dreg:$0x16];
	[sflag:s6] =	ssyncadd.s32 $0xFFFFC000  }
0x211: {  	[hbm4b:s30+s2] =	stream.linear.scatter [tilespmem:s3], [sflag:$0x5], $0x4000, $0x38;
	[tilespmem:$0xCC00] =	vst v63  }
0x212: {  	_ =	swait.ge [sflag:s4], $0x4000  }
0x213: {  	[sflag:s4] =	ssyncset.done $0x0  }
0x214: {  	[sflag:s4] =	ssyncadd.s32 $0xFFFFC000  }
0x215: {  	_ =	sfence.sel $0x180000  }
0x216: {  	[bflag:$0x0] =	sbarrier.arrive $0xFFFF  }
0x217: {  	_ =	strace $0x90000047  }
0x218: {  	s31 =	stileid.u32;
	[bflag:$0x2] =	sbarrier.arrive $0xFFFF  }
0x219: {  	p0 =	sne.s32 s31, $0x0;
	s0 =	rddreg [dreg:$0x2]  }
0x21a: {  	s0 =	sadd.s32 @!p0 $0x100000, s0  }
0x21b: {  	[sflag:s0] =	ssyncadd.tile.s32 @!p0 $0x1;
	_ =	shalt  }
.Lfunc_end2:
_tile_overlayer_lowered:
.L_overlay_start_2:
0x21c: {  	(tag) =	ssettag $0x2  }
0x21d: {  	s0 =	rddreg [dreg:$0x0];
	s2 =	stileid.u32  }
0x21e: {  	s1 =	rddreg [dreg:$0x1];
	p0 =	sne.s32 s2, $0x0  }
0x21f: {  	s3 =	rddreg [dreg:$0x2];
	[bflag:$0x3] =	sbarrier.arrive $0xFFFF;
	s2 =	simm.s32 @!p0 $0x1C07  }
0x220: {  	[timem:s3], [sflag:s2] =	dma.local @!p0 [hbm:s0], s1  }
0x221: {  	s0 =	simm.s32 @!p0 $0x7  }
0x222: {  	_ =	swait.ge @!p0 [sflag:s0], s1  }
0x223: {  	s1 =	ssub.s32 @!p0 $0x0, s1;
	[sflag:s0] =	ssyncset.done @!p0 $0x0  }
0x224: {  	[sflag:s0] =	ssyncadd.s32 @!p0 s1  }
0x225: {  	[bflag:$0x3] =	sbarrier.arrive $0xFFFF  }
0x226: {  	_ =	shalt  }

</sc_bundles>
